<compile_context>
chip_gen: v7x
topology: tpu7x:2x2x1
jax: 0.10.2.dev20260603
libtpu: 0.0.44.dev20260713+nightly
codegen_flags: <defaults>
</compile_context>

<pallas_src>
import functools

import jax
import jax.numpy as jnp
from jax import lax
from jax.experimental import pallas as pl
from jax.experimental.pallas import tpu as pltpu
from jax.experimental.pallas import tpu_sc as plsc

B = 16384
NC, NS = 2, 16
NW = NC * NS
BW = B // NW

G_BAG = 20
K_BAG = 50
G_SUB = 32
K_SUB = 16
G_CH = 80
K_CH = 100
G_ITER = BW // G_SUB
K_ITER = BW // K_SUB


def _sc_body(uidx, cidx, gidx, kidx, Eu, Ecomp, Eg, Ecast,
             feat,
             uidx_v, cidx_v, gidx_v, kidx_v,
             urows_v, crows_v, gstage_v, kstage_v, gob_v, kob_v, sem):
    wid = lax.axis_index("s") * NC + lax.axis_index("c")
    base = wid * BW

    pltpu.sync_copy(uidx.at[pl.ds(wid * 4, 4)], uidx_v)
    cps = [pltpu.async_copy(Eu.at[uidx_v.at[i]],
                            urows_v.at[pl.ds(i * 128, 128)], sem)
           for i in range(4)]
    for c in cps:
        c.wait()
    pltpu.sync_copy(urows_v, feat.at[pl.ds(base, BW), pl.ds(0, 32)])

    pltpu.sync_copy(cidx.at[pl.ds(wid * 4, 4)], cidx_v)
    cps = [pltpu.async_copy(Ecomp.at[cidx_v.at[i]],
                            crows_v.at[pl.ds(i * 128, 128)], sem)
           for i in range(4)]
    for c in cps:
        c.wait()
    pltpu.sync_copy(crows_v, feat.at[pl.ds(base, BW), pl.ds(32, 16)])

    def g_sub(s, carry):
        pltpu.sync_copy(gidx.at[pl.ds(wid * (G_ITER * 8) + s * 8, 8)], gidx_v)
        cps = [pltpu.async_copy(Eg.at[gidx_v.at[i]],
                                gstage_v.at[pl.ds(i * G_CH, G_CH)], sem)
               for i in range(8)]
        for c in cps:
            c.wait()

        def bag(b, c2):
            r0 = b * G_BAG
            a = gstage_v[r0, :]
            for j in range(1, G_BAG):
                a = a + gstage_v[r0 + j, :]
            gob_v[b, :] = a
            return c2
        lax.fori_loop(0, G_SUB, bag, 0)
        pltpu.sync_copy(gob_v,
                        feat.at[pl.ds(base + s * G_SUB, G_SUB), pl.ds(48, 16)])
        return carry
    lax.fori_loop(0, G_ITER, g_sub, 0)

    def k_sub(s, carry):
        pltpu.sync_copy(kidx.at[pl.ds(wid * (K_ITER * 8) + s * 8, 8)], kidx_v)
        cps = [pltpu.async_copy(Ecast.at[kidx_v.at[i]],
                                kstage_v.at[pl.ds(i * K_CH, K_CH)], sem)
               for i in range(8)]
        for c in cps:
            c.wait()

        def bag(b, c2):
            r0 = b * K_BAG
            a0 = kstage_v[r0, pl.ds(0, 16)]
            a1 = kstage_v[r0, pl.ds(16, 16)]
            for j in range(1, K_BAG):
                a0 = a0 + kstage_v[r0 + j, pl.ds(0, 16)]
                a1 = a1 + kstage_v[r0 + j, pl.ds(16, 16)]
            kob_v[b, pl.ds(0, 16)] = a0
            kob_v[b, pl.ds(16, 16)] = a1
            return c2
        lax.fori_loop(0, K_SUB, bag, 0)
        pltpu.sync_copy(kob_v,
                        feat.at[pl.ds(base + s * K_SUB, K_SUB), pl.ds(64, 32)])
        return carry
    lax.fori_loop(0, K_ITER, k_sub, 0)


@functools.cache
def _sc_gather():
    mesh = plsc.VectorSubcoreMesh(core_axis_name="c", subcore_axis_name="s",
                                  num_cores=NC, num_subcores=NS)
    return pl.kernel(
        _sc_body,
        compiler_params=pltpu.CompilerParams(use_tc_tiling_on_sc=False),
        out_type=[
            jax.ShapeDtypeStruct((B, 128), jnp.float32),
        ],
        mesh=mesh,
        scratch_types=[
            pltpu.VMEM((4, 128), jnp.int32),
            pltpu.VMEM((4, 128), jnp.int32),
            pltpu.VMEM((8, G_CH), jnp.int32),
            pltpu.VMEM((8, K_CH), jnp.int32),
            pltpu.VMEM((BW, 32), jnp.float32),
            pltpu.VMEM((BW, 16), jnp.float32),
            pltpu.VMEM((G_SUB * G_BAG, 16), jnp.float32),
            pltpu.VMEM((K_SUB * K_BAG, 32), jnp.float32),
            pltpu.VMEM((G_SUB, 16), jnp.float32),
            pltpu.VMEM((K_SUB, 32), jnp.float32),
            pltpu.SemaphoreType.DMA,
        ],
    )


def _bn(x, g, b):
    m = jnp.mean(x, axis=0)
    xc = x - m
    v = jnp.mean(xc * xc, axis=0)
    return xc * lax.rsqrt(v + 1e-5) * g + b


def _dot(x, wt):
    return jax.lax.dot_general(x, wt, (((1,), (0,)), ((), ())),
                               preferred_element_type=jnp.float32)


def _tc_body(cont, feat,
             Wc0t, bc0, gc0, btc0, Wc1t, bc1, gc1, btc1,
             Wm0t_cat, Wm0t_h, bm0, gm0, btm0,
             Wm1t, bm1, gm1, btm1,
             Wb0t_u, Wb0t_m, bb0, gb0, btb0,
             Wb1t, bb1, gb1, btb1,
             Wat, ba, out):
    x = feat[...]
    h = _bn(jax.nn.relu(_dot(cont[...], Wc0t[...]) + bc0[...]),
            gc0[...], btc0[...])
    h = _bn(jax.nn.relu(_dot(h, Wc1t[...]) + bc1[...]), gc1[...], btc1[...])
    z = _dot(x[:, 32:96], Wm0t_cat[...]) + _dot(h, Wm0t_h[...]) + bm0[...]
    m = _bn(jax.nn.relu(z), gm0[...], btm0[...])
    m = _bn(jax.nn.relu(_dot(m, Wm1t[...]) + bm1[...]), gm1[...], btm1[...])
    z = _dot(x[:, 0:32], Wb0t_u[...]) + _dot(m, Wb0t_m[...]) + bb0[...]
    v = _bn(jax.nn.relu(z), gb0[...], btb0[...])
    v = _bn(jax.nn.relu(_dot(v, Wb1t[...]) + bb1[...]), gb1[...], btb1[...])
    out[...] = jax.nn.sigmoid(_dot(v, Wat[...]) + ba[...])


def kernel(user_indices, cont, genres, cast, comp, Eu, Eg, Ecast, Ecomp,
           Wc0, bc0, gc0, btc0, Wc1, bc1, gc1, btc1,
           Wm0, bm0, gm0, btm0, Wm1, bm1, gm1, btm1,
           Wb0, bb0, gb0, btb0, Wb1, bb1, gb1, btb1,
           Wa, ba):
    uidx = user_indices.astype(jnp.int32).reshape(B // 128, 128)
    cidx = comp.astype(jnp.int32).reshape(B // 128, 128)
    gidx = genres.astype(jnp.int32).reshape(B * G_BAG // G_CH, G_CH)
    kidx = cast.astype(jnp.int32).reshape(B * K_BAG // K_CH, K_CH)

    feat, = _sc_gather()(uidx, cidx, gidx, kidx, Eu, Ecomp, Eg, Ecast)

    out2 = pl.pallas_call(
        _tc_body,
        out_shape=jax.ShapeDtypeStruct((B, 1), jnp.float32),
    )(cont, feat,
      Wc0.T, bc0, gc0, btc0, Wc1.T, bc1, gc1, btc1,
      Wm0[:, 0:64].T, Wm0[:, 64:96].T, bm0, gm0, btm0,
      Wm1.T, bm1, gm1, btm1,
      Wb0[:, 0:32].T, Wb0[:, 32:96].T, bb0, gb0, btb0,
      Wb1.T, bb1, gb1, btb1,
      Wa.T, ba)
    return out2.reshape(-1)

# --- scband reference (transcript-rebuilt; emitter-appended) ---
"""Pipeline reference for scband-dlrm-3702261809592 (READ-ONLY COPY).

The authoritative reference and input builder live on the scoring server;
editing this copy changes nothing except your own understanding.
"""

import jax, jax.numpy as jnp
import numpy as np


def _lin(x, W, b):
    return x @ W.T + b


def _bn(x, g, b):
    m = jnp.mean(x, axis=0)
    v = jnp.var(x, axis=0)
    return (x - m) / jnp.sqrt(v + 1e-5) * g + b


def setup_inputs(seed: int = 0) -> dict:
    key = jax.random.key(seed)
    ks = jax.random.split(key, 32)
    B = 16384
    inp = {}
    inp["user_indices"] = jax.random.randint(ks[0], (B,), 0, 1000000)
    inp["cont"] = jax.random.normal(ks[1], (B, 16), dtype=jnp.float32)
    inp["genres"] = jax.random.randint(ks[2], (B, 20), 0, 1000)
    inp["cast"] = jax.random.randint(ks[3], (B, 50), 0, 1000000)
    inp["comp"] = jax.random.randint(ks[4], (B,), 0, 100000)
    inp["Eu"] = jax.random.normal(ks[5], (1000000, 32), dtype=jnp.float32) * 0.05
    inp["Eg"] = jax.random.normal(ks[6], (1000, 16), dtype=jnp.float32) * 0.05
    inp["Ecast"] = jax.random.normal(ks[7], (1000000, 32), dtype=jnp.float32) * 0.05
    inp["Ecomp"] = jax.random.normal(ks[8], (100000, 16), dtype=jnp.float32) * 0.05
    def mk(k, o, i):
        return jax.random.normal(k, (o, i), dtype=jnp.float32) * (1.0 / np.sqrt(i))
    inp["Wc0"] = mk(ks[9], 64, 16); inp["bc0"] = jnp.zeros(64); inp["gc0"] = jnp.ones(64); inp["btc0"] = jnp.zeros(64)
    inp["Wc1"] = mk(ks[10], 32, 64); inp["bc1"] = jnp.zeros(32); inp["gc1"] = jnp.ones(32); inp["btc1"] = jnp.zeros(32)
    inp["Wm0"] = mk(ks[11], 128, 96); inp["bm0"] = jnp.zeros(128); inp["gm0"] = jnp.ones(128); inp["btm0"] = jnp.zeros(128)
    inp["Wm1"] = mk(ks[12], 64, 128); inp["bm1"] = jnp.zeros(64); inp["gm1"] = jnp.ones(64); inp["btm1"] = jnp.zeros(64)
    inp["Wb0"] = mk(ks[13], 128, 96); inp["bb0"] = jnp.zeros(128); inp["gb0"] = jnp.ones(128); inp["btb0"] = jnp.zeros(128)
    inp["Wb1"] = mk(ks[14], 64, 128); inp["bb1"] = jnp.zeros(64); inp["gb1"] = jnp.ones(64); inp["btb1"] = jnp.zeros(64)
    inp["Wa"] = mk(ks[15], 1, 64); inp["ba"] = jnp.zeros(1)
    return inp


def reference(user_indices, cont, genres, cast, comp, Eu, Eg, Ecast, Ecomp,
              Wc0, bc0, gc0, btc0, Wc1, bc1, gc1, btc1,
              Wm0, bm0, gm0, btm0, Wm1, bm1, gm1, btm1,
              Wb0, bb0, gb0, btb0, Wb1, bb1, gb1, btb1,
              Wa, ba):
    # embedding lookups (SparseCore gathers)
    user_embedding = jnp.take(Eu, user_indices, axis=0)
    comp_embedding = jnp.take(Ecomp, comp, axis=0)
    # EmbeddingBag with mode='sum': gather then sum over bag dimension
    genre_embedding = jnp.sum(jnp.take(Eg, genres, axis=0), axis=1)
    cast_embedding = jnp.sum(jnp.take(Ecast, cast, axis=0), axis=1)
    cat_vector = jnp.concatenate([comp_embedding, genre_embedding, cast_embedding], axis=-1)
    # cont MLP: Linear -> ReLU -> BatchNorm (training-mode batch stats), x2
    h = _bn(jax.nn.relu(_lin(cont, Wc0, bc0)), gc0, btc0)
    h = _bn(jax.nn.relu(_lin(h, Wc1, bc1)), gc1, btc1)
    movie_vector = jnp.concatenate([cat_vector, h], axis=-1)
    movie_vector = _bn(jax.nn.relu(_lin(movie_vector, Wm0, bm0)), gm0, btm0)
    movie_vector = _bn(jax.nn.relu(_lin(movie_vector, Wm1, bm1)), gm1, btm1)
    vector = jnp.concatenate([user_embedding, movie_vector], axis=-1)
    vector = _bn(jax.nn.relu(_lin(vector, Wb0, bb0)), gb0, btb0)
    vector = _bn(jax.nn.relu(_lin(vector, Wb1, bb1)), gb1, btb1)
    vector = _lin(vector, Wa, ba)
    out = jax.nn.sigmoid(vector)
    return out.reshape(-1)

if __name__ == "__main__":
    import jax
    _d = setup_inputs()
    print(jax.jit(kernel)(*tuple(_d.values())))

</pallas_src>

<mosaic_0001>
#map = affine_map<(d0, d1) -> (0, 0)>
module attributes {stable_mosaic.version = 14 : i64} {
  func.func @_sc_body(%arg0: i32, %arg1: i32, %arg2: memref<128x128xi32, #tpu.memory_space<hbm>>, %arg3: memref<128x128xi32, #tpu.memory_space<hbm>>, %arg4: memref<4096x80xi32, #tpu.memory_space<hbm>>, %arg5: memref<8192x100xi32, #tpu.memory_space<hbm>>, %arg6: memref<1000000x32xf32, #tpu.memory_space<hbm>>, %arg7: memref<100000x16xf32, #tpu.memory_space<hbm>>, %arg8: memref<1000x16xf32, #tpu.memory_space<hbm>>, %arg9: memref<1000000x32xf32, #tpu.memory_space<hbm>>, %arg10: memref<16384x128xf32, #tpu.memory_space<hbm>>, %arg11: memref<4x128xi32, #tpu.memory_space<vmem>>, %arg12: memref<4x128xi32, #tpu.memory_space<vmem>>, %arg13: memref<8x80xi32, #tpu.memory_space<vmem>>, %arg14: memref<8x100xi32, #tpu.memory_space<vmem>>, %arg15: memref<512x32xf32, #tpu.memory_space<vmem>>, %arg16: memref<512x16xf32, #tpu.memory_space<vmem>>, %arg17: memref<640x16xf32, #tpu.memory_space<vmem>>, %arg18: memref<800x32xf32, #tpu.memory_space<vmem>>, %arg19: memref<32x16xf32, #tpu.memory_space<vmem>>, %arg20: memref<16x32xf32, #tpu.memory_space<vmem>>, %arg21: memref<!tpu.dma_semaphore, #tpu.memory_space<semaphore_mem>>) attributes {dimension_semantics = [#tpu.dimension_semantics<core_parallel>, #tpu.dimension_semantics<subcore_parallel>], iteration_bounds = array<i64: 2, 16>, scalar_prefetch = 0 : i64, scratch_operands = 11 : i64, tpu.core_type = #tpu.core_type<sc_vector_subcore>, window_params = [{transform_indices = #map}, {transform_indices = #map}, {transform_indices = #map}, {transform_indices = #map}, {transform_indices = #map}, {transform_indices = #map}, {transform_indices = #map}, {transform_indices = #map}, {transform_indices = #map}]} {
    %mul3A = arith.constant 2 : i32
    %mul3A_0 = arith.muli %arg1, %mul3A : i32
    %add3A = arith.addi %mul3A_0, %arg0 : i32
    %mul3A_1 = arith.constant 512 : i32
    %mul3A_2 = arith.muli %add3A, %mul3A_1 : i32
    %mul3A_3 = arith.constant 4 : i32
    %mul3A_4 = arith.muli %add3A, %mul3A_3 : i32
    "tpu.region"() ({
      %run_scoped3A = tpu.sem_alloc : memref<!tpu.dma_semaphore, #tpu.memory_space<semaphore_mem>>
      %dma_start3A_176 = arith.constant 0 : i32
      %dma_start3A_177 = tpu.memref_slice %arg2[%mul3A_4, %dma_start3A_176] : memref<128x128xi32, #tpu.memory_space<hbm>> -> memref<4x128xi32, #tpu.memory_space<hbm>>
      %dma_start3A_178 = arith.constant 0 : i32
      %dma_start3A_179 = tpu.memref_slice %arg2[%mul3A_4, %dma_start3A_178] : memref<128x128xi32, #tpu.memory_space<hbm>> -> memref<4x128xi32, #tpu.memory_space<hbm>>
      tpu.enqueue_dma source(%dma_start3A_179 : memref<4x128xi32, #tpu.memory_space<hbm>>) target(%arg11 : memref<4x128xi32, #tpu.memory_space<vmem>>) target_semaphore(%run_scoped3A : memref<!tpu.dma_semaphore, #tpu.memory_space<semaphore_mem>>)
      %dma_wait3A_180 = arith.constant 0 : i32
      %dma_wait3A_181 = tpu.memref_slice %arg2[%mul3A_4, %dma_wait3A_180] : memref<128x128xi32, #tpu.memory_space<hbm>> -> memref<4x128xi32, #tpu.memory_space<hbm>>
      %dma_wait3A_182 = arith.constant 0 : i32
      %dma_wait3A_183 = tpu.memref_slice %arg2[%mul3A_4, %dma_wait3A_182] : memref<128x128xi32, #tpu.memory_space<hbm>> -> memref<4x128xi32, #tpu.memory_space<hbm>>
      tpu.wait_dma2 semaphore(%run_scoped3A : memref<!tpu.dma_semaphore, #tpu.memory_space<semaphore_mem>>) src(%dma_wait3A_183 : memref<4x128xi32, #tpu.memory_space<hbm>>) dst(%arg11 : memref<4x128xi32, #tpu.memory_space<vmem>>)
      tpu.yield
    }) : () -> ()
    %dma_start3A = arith.constant 0 : i32
    %dma_start3A_5 = arith.constant 0 : i32
    %dma_start3A_6 = arith.constant 0 : i32
    %dma_start3A_7 = tpu.memref_slice %arg15[%dma_start3A_5, %dma_start3A_6] : memref<512x32xf32, #tpu.memory_space<vmem>> -> memref<128x32xf32, #tpu.memory_space<vmem>>
    %dma_start3A_8 = arith.constant 0 : i32
    %dma_start3A_9 = tpu.memref_slice %arg11[%dma_start3A, %dma_start3A_8] : memref<4x128xi32, #tpu.memory_space<vmem>> -> memref<1x128xi32, #tpu.memory_space<vmem>>
    %dma_start3A_10 = tpu.memref_squeeze %dma_start3A_9 : memref<1x128xi32, #tpu.memory_space<vmem>> -> memref<128xi32, #tpu.memory_space<vmem>>
    %dma_start3A_11 = arith.constant 0 : i32
    %dma_start3A_12 = arith.constant 0 : i32
    %dma_start3A_13 = tpu.memref_slice %arg6[%dma_start3A_11, %dma_start3A_12] : memref<1000000x32xf32, #tpu.memory_space<hbm>> -> memref<1000000x32xf32, #tpu.memory_space<hbm>>
    tpu.enqueue_indirect_dma source(%dma_start3A_13 : memref<1000000x32xf32, #tpu.memory_space<hbm>>) target(%dma_start3A_7 : memref<128x32xf32, #tpu.memory_space<vmem>>) offsets(%dma_start3A_10 : memref<128xi32, #tpu.memory_space<vmem>>) semaphore(%arg21 : memref<!tpu.dma_semaphore, #tpu.memory_space<semaphore_mem>>)
    %dma_start3A_14 = arith.constant 1 : i32
    %dma_start3A_15 = arith.constant 128 : i32
    %dma_start3A_16 = arith.constant 0 : i32
    %dma_start3A_17 = tpu.memref_slice %arg15[%dma_start3A_15, %dma_start3A_16] : memref<512x32xf32, #tpu.memory_space<vmem>> -> memref<128x32xf32, #tpu.memory_space<vmem>>
    %dma_start3A_18 = arith.constant 0 : i32
    %dma_start3A_19 = tpu.memref_slice %arg11[%dma_start3A_14, %dma_start3A_18] : memref<4x128xi32, #tpu.memory_space<vmem>> -> memref<1x128xi32, #tpu.memory_space<vmem>>
    %dma_start3A_20 = tpu.memref_squeeze %dma_start3A_19 : memref<1x128xi32, #tpu.memory_space<vmem>> -> memref<128xi32, #tpu.memory_space<vmem>>
    %dma_start3A_21 = arith.constant 0 : i32
    %dma_start3A_22 = arith.constant 0 : i32
    %dma_start3A_23 = tpu.memref_slice %arg6[%dma_start3A_21, %dma_start3A_22] : memref<1000000x32xf32, #tpu.memory_space<hbm>> -> memref<1000000x32xf32, #tpu.memory_space<hbm>>
    tpu.enqueue_indirect_dma source(%dma_start3A_23 : memref<1000000x32xf32, #tpu.memory_space<hbm>>) target(%dma_start3A_17 : memref<128x32xf32, #tpu.memory_space<vmem>>) offsets(%dma_start3A_20 : memref<128xi32, #tpu.memory_space<vmem>>) semaphore(%arg21 : memref<!tpu.dma_semaphore, #tpu.memory_space<semaphore_mem>>)
    %dma_start3A_24 = arith.constant 2 : i32
    %dma_start3A_25 = arith.constant 256 : i32
    %dma_start3A_26 = arith.constant 0 : i32
    %dma_start3A_27 = tpu.memref_slice %arg15[%dma_start3A_25, %dma_start3A_26] : memref<512x32xf32, #tpu.memory_space<vmem>> -> memref<128x32xf32, #tpu.memory_space<vmem>>
    %dma_start3A_28 = arith.constant 0 : i32
    %dma_start3A_29 = tpu.memref_slice %arg11[%dma_start3A_24, %dma_start3A_28] : memref<4x128xi32, #tpu.memory_space<vmem>> -> memref<1x128xi32, #tpu.memory_space<vmem>>
    %dma_start3A_30 = tpu.memref_squeeze %dma_start3A_29 : memref<1x128xi32, #tpu.memory_space<vmem>> -> memref<128xi32, #tpu.memory_space<vmem>>
    %dma_start3A_31 = arith.constant 0 : i32
    %dma_start3A_32 = arith.constant 0 : i32
    %dma_start3A_33 = tpu.memref_slice %arg6[%dma_start3A_31, %dma_start3A_32] : memref<1000000x32xf32, #tpu.memory_space<hbm>> -> memref<1000000x32xf32, #tpu.memory_space<hbm>>
    tpu.enqueue_indirect_dma source(%dma_start3A_33 : memref<1000000x32xf32, #tpu.memory_space<hbm>>) target(%dma_start3A_27 : memref<128x32xf32, #tpu.memory_space<vmem>>) offsets(%dma_start3A_30 : memref<128xi32, #tpu.memory_space<vmem>>) semaphore(%arg21 : memref<!tpu.dma_semaphore, #tpu.memory_space<semaphore_mem>>)
    %dma_start3A_34 = arith.constant 3 : i32
    %dma_start3A_35 = arith.constant 384 : i32
    %dma_start3A_36 = arith.constant 0 : i32
    %dma_start3A_37 = tpu.memref_slice %arg15[%dma_start3A_35, %dma_start3A_36] : memref<512x32xf32, #tpu.memory_space<vmem>> -> memref<128x32xf32, #tpu.memory_space<vmem>>
    %dma_start3A_38 = arith.constant 0 : i32
    %dma_start3A_39 = tpu.memref_slice %arg11[%dma_start3A_34, %dma_start3A_38] : memref<4x128xi32, #tpu.memory_space<vmem>> -> memref<1x128xi32, #tpu.memory_space<vmem>>
    %dma_start3A_40 = tpu.memref_squeeze %dma_start3A_39 : memref<1x128xi32, #tpu.memory_space<vmem>> -> memref<128xi32, #tpu.memory_space<vmem>>
    %dma_start3A_41 = arith.constant 0 : i32
    %dma_start3A_42 = arith.constant 0 : i32
    %dma_start3A_43 = tpu.memref_slice %arg6[%dma_start3A_41, %dma_start3A_42] : memref<1000000x32xf32, #tpu.memory_space<hbm>> -> memref<1000000x32xf32, #tpu.memory_space<hbm>>
    tpu.enqueue_indirect_dma source(%dma_start3A_43 : memref<1000000x32xf32, #tpu.memory_space<hbm>>) target(%dma_start3A_37 : memref<128x32xf32, #tpu.memory_space<vmem>>) offsets(%dma_start3A_40 : memref<128xi32, #tpu.memory_space<vmem>>) semaphore(%arg21 : memref<!tpu.dma_semaphore, #tpu.memory_space<semaphore_mem>>)
    %dma_wait3A = arith.constant 0 : i32
    %dma_wait3A_44 = arith.constant 0 : i32
    %dma_wait3A_45 = arith.constant 0 : i32
    %dma_wait3A_46 = tpu.memref_slice %arg15[%dma_wait3A_44, %dma_wait3A_45] : memref<512x32xf32, #tpu.memory_space<vmem>> -> memref<128x32xf32, #tpu.memory_space<vmem>>
    %dma_wait3A_47 = arith.constant 0 : i32
    %dma_wait3A_48 = tpu.memref_slice %arg11[%dma_wait3A, %dma_wait3A_47] : memref<4x128xi32, #tpu.memory_space<vmem>> -> memref<1x128xi32, #tpu.memory_space<vmem>>
    %dma_wait3A_49 = tpu.memref_squeeze %dma_wait3A_48 : memref<1x128xi32, #tpu.memory_space<vmem>> -> memref<128xi32, #tpu.memory_space<vmem>>
    %dma_wait3A_50 = arith.constant 0 : i32
    %dma_wait3A_51 = arith.constant 0 : i32
    %dma_wait3A_52 = tpu.memref_slice %arg6[%dma_wait3A_50, %dma_wait3A_51] : memref<1000000x32xf32, #tpu.memory_space<hbm>> -> memref<1000000x32xf32, #tpu.memory_space<hbm>>
    tpu.wait_indirect_dma semaphore(%arg21 : memref<!tpu.dma_semaphore, #tpu.memory_space<semaphore_mem>>) src(%dma_wait3A_52 : memref<1000000x32xf32, #tpu.memory_space<hbm>>) dst(%dma_wait3A_46 : memref<128x32xf32, #tpu.memory_space<vmem>>)
    %dma_wait3A_53 = arith.constant 1 : i32
    %dma_wait3A_54 = arith.constant 128 : i32
    %dma_wait3A_55 = arith.constant 0 : i32
    %dma_wait3A_56 = tpu.memref_slice %arg15[%dma_wait3A_54, %dma_wait3A_55] : memref<512x32xf32, #tpu.memory_space<vmem>> -> memref<128x32xf32, #tpu.memory_space<vmem>>
    %dma_wait3A_57 = arith.constant 0 : i32
    %dma_wait3A_58 = tpu.memref_slice %arg11[%dma_wait3A_53, %dma_wait3A_57] : memref<4x128xi32, #tpu.memory_space<vmem>> -> memref<1x128xi32, #tpu.memory_space<vmem>>
    %dma_wait3A_59 = tpu.memref_squeeze %dma_wait3A_58 : memref<1x128xi32, #tpu.memory_space<vmem>> -> memref<128xi32, #tpu.memory_space<vmem>>
    %dma_wait3A_60 = arith.constant 0 : i32
    %dma_wait3A_61 = arith.constant 0 : i32
    %dma_wait3A_62 = tpu.memref_slice %arg6[%dma_wait3A_60, %dma_wait3A_61] : memref<1000000x32xf32, #tpu.memory_space<hbm>> -> memref<1000000x32xf32, #tpu.memory_space<hbm>>
    tpu.wait_indirect_dma semaphore(%arg21 : memref<!tpu.dma_semaphore, #tpu.memory_space<semaphore_mem>>) src(%dma_wait3A_62 : memref<1000000x32xf32, #tpu.memory_space<hbm>>) dst(%dma_wait3A_56 : memref<128x32xf32, #tpu.memory_space<vmem>>)
    %dma_wait3A_63 = arith.constant 2 : i32
    %dma_wait3A_64 = arith.constant 256 : i32
    %dma_wait3A_65 = arith.constant 0 : i32
    %dma_wait3A_66 = tpu.memref_slice %arg15[%dma_wait3A_64, %dma_wait3A_65] : memref<512x32xf32, #tpu.memory_space<vmem>> -> memref<128x32xf32, #tpu.memory_space<vmem>>
    %dma_wait3A_67 = arith.constant 0 : i32
    %dma_wait3A_68 = tpu.memref_slice %arg11[%dma_wait3A_63, %dma_wait3A_67] : memref<4x128xi32, #tpu.memory_space<vmem>> -> memref<1x128xi32, #tpu.memory_space<vmem>>
    %dma_wait3A_69 = tpu.memref_squeeze %dma_wait3A_68 : memref<1x128xi32, #tpu.memory_space<vmem>> -> memref<128xi32, #tpu.memory_space<vmem>>
    %dma_wait3A_70 = arith.constant 0 : i32
    %dma_wait3A_71 = arith.constant 0 : i32
    %dma_wait3A_72 = tpu.memref_slice %arg6[%dma_wait3A_70, %dma_wait3A_71] : memref<1000000x32xf32, #tpu.memory_space<hbm>> -> memref<1000000x32xf32, #tpu.memory_space<hbm>>
    tpu.wait_indirect_dma semaphore(%arg21 : memref<!tpu.dma_semaphore, #tpu.memory_space<semaphore_mem>>) src(%dma_wait3A_72 : memref<1000000x32xf32, #tpu.memory_space<hbm>>) dst(%dma_wait3A_66 : memref<128x32xf32, #tpu.memory_space<vmem>>)
    %dma_wait3A_73 = arith.constant 3 : i32
    %dma_wait3A_74 = arith.constant 384 : i32
    %dma_wait3A_75 = arith.constant 0 : i32
    %dma_wait3A_76 = tpu.memref_slice %arg15[%dma_wait3A_74, %dma_wait3A_75] : memref<512x32xf32, #tpu.memory_space<vmem>> -> memref<128x32xf32, #tpu.memory_space<vmem>>
    %dma_wait3A_77 = arith.constant 0 : i32
    %dma_wait3A_78 = tpu.memref_slice %arg11[%dma_wait3A_73, %dma_wait3A_77] : memref<4x128xi32, #tpu.memory_space<vmem>> -> memref<1x128xi32, #tpu.memory_space<vmem>>
    %dma_wait3A_79 = tpu.memref_squeeze %dma_wait3A_78 : memref<1x128xi32, #tpu.memory_space<vmem>> -> memref<128xi32, #tpu.memory_space<vmem>>
    %dma_wait3A_80 = arith.constant 0 : i32
    %dma_wait3A_81 = arith.constant 0 : i32
    %dma_wait3A_82 = tpu.memref_slice %arg6[%dma_wait3A_80, %dma_wait3A_81] : memref<1000000x32xf32, #tpu.memory_space<hbm>> -> memref<1000000x32xf32, #tpu.memory_space<hbm>>
    tpu.wait_indirect_dma semaphore(%arg21 : memref<!tpu.dma_semaphore, #tpu.memory_space<semaphore_mem>>) src(%dma_wait3A_82 : memref<1000000x32xf32, #tpu.memory_space<hbm>>) dst(%dma_wait3A_76 : memref<128x32xf32, #tpu.memory_space<vmem>>)
    "tpu.region"() ({
      %run_scoped3A = tpu.sem_alloc : memref<!tpu.dma_semaphore, #tpu.memory_space<semaphore_mem>>
      %dma_start3A_176 = arith.constant 0 : i32
      %dma_start3A_177 = tpu.memref_slice %arg10[%mul3A_2, %dma_start3A_176] : memref<16384x128xf32, #tpu.memory_space<hbm>> -> memref<512x32xf32, #tpu.memory_space<hbm>>
      %dma_start3A_178 = arith.constant 0 : i32
      %dma_start3A_179 = tpu.memref_slice %arg10[%mul3A_2, %dma_start3A_178] : memref<16384x128xf32, #tpu.memory_space<hbm>> -> memref<512x32xf32, #tpu.memory_space<hbm>>
      tpu.enqueue_dma source(%arg15 : memref<512x32xf32, #tpu.memory_space<vmem>>) target(%dma_start3A_179 : memref<512x32xf32, #tpu.memory_space<hbm>>) target_semaphore(%run_scoped3A : memref<!tpu.dma_semaphore, #tpu.memory_space<semaphore_mem>>)
      %dma_wait3A_180 = arith.constant 0 : i32
      %dma_wait3A_181 = tpu.memref_slice %arg10[%mul3A_2, %dma_wait3A_180] : memref<16384x128xf32, #tpu.memory_space<hbm>> -> memref<512x32xf32, #tpu.memory_space<hbm>>
      %dma_wait3A_182 = arith.constant 0 : i32
      %dma_wait3A_183 = tpu.memref_slice %arg10[%mul3A_2, %dma_wait3A_182] : memref<16384x128xf32, #tpu.memory_space<hbm>> -> memref<512x32xf32, #tpu.memory_space<hbm>>
      tpu.wait_dma2 semaphore(%run_scoped3A : memref<!tpu.dma_semaphore, #tpu.memory_space<semaphore_mem>>) src(%arg15 : memref<512x32xf32, #tpu.memory_space<vmem>>) dst(%dma_wait3A_183 : memref<512x32xf32, #tpu.memory_space<hbm>>)
      tpu.yield
    }) : () -> ()
    %mul3A_83 = arith.constant 4 : i32
    %mul3A_84 = arith.muli %add3A, %mul3A_83 : i32
    "tpu.region"() ({
      %run_scoped3A = tpu.sem_alloc : memref<!tpu.dma_semaphore, #tpu.memory_space<semaphore_mem>>
      %dma_start3A_176 = arith.constant 0 : i32
      %dma_start3A_177 = tpu.memref_slice %arg3[%mul3A_84, %dma_start3A_176] : memref<128x128xi32, #tpu.memory_space<hbm>> -> memref<4x128xi32, #tpu.memory_space<hbm>>
      %dma_start3A_178 = arith.constant 0 : i32
      %dma_start3A_179 = tpu.memref_slice %arg3[%mul3A_84, %dma_start3A_178] : memref<128x128xi32, #tpu.memory_space<hbm>> -> memref<4x128xi32, #tpu.memory_space<hbm>>
      tpu.enqueue_dma source(%dma_start3A_179 : memref<4x128xi32, #tpu.memory_space<hbm>>) target(%arg12 : memref<4x128xi32, #tpu.memory_space<vmem>>) target_semaphore(%run_scoped3A : memref<!tpu.dma_semaphore, #tpu.memory_space<semaphore_mem>>)
      %dma_wait3A_180 = arith.constant 0 : i32
      %dma_wait3A_181 = tpu.memref_slice %arg3[%mul3A_84, %dma_wait3A_180] : memref<128x128xi32, #tpu.memory_space<hbm>> -> memref<4x128xi32, #tpu.memory_space<hbm>>
      %dma_wait3A_182 = arith.constant 0 : i32
      %dma_wait3A_183 = tpu.memref_slice %arg3[%mul3A_84, %dma_wait3A_182] : memref<128x128xi32, #tpu.memory_space<hbm>> -> memref<4x128xi32, #tpu.memory_space<hbm>>
      tpu.wait_dma2 semaphore(%run_scoped3A : memref<!tpu.dma_semaphore, #tpu.memory_space<semaphore_mem>>) src(%dma_wait3A_183 : memref<4x128xi32, #tpu.memory_space<hbm>>) dst(%arg12 : memref<4x128xi32, #tpu.memory_space<vmem>>)
      tpu.yield
    }) : () -> ()
    %dma_start3A_85 = arith.constant 0 : i32
    %dma_start3A_86 = arith.constant 0 : i32
    %dma_start3A_87 = arith.constant 0 : i32
    %dma_start3A_88 = tpu.memref_slice %arg16[%dma_start3A_86, %dma_start3A_87] : memref<512x16xf32, #tpu.memory_space<vmem>> -> memref<128x16xf32, #tpu.memory_space<vmem>>
    %dma_start3A_89 = arith.constant 0 : i32
    %dma_start3A_90 = tpu.memref_slice %arg12[%dma_start3A_85, %dma_start3A_89] : memref<4x128xi32, #tpu.memory_space<vmem>> -> memref<1x128xi32, #tpu.memory_space<vmem>>
    %dma_start3A_91 = tpu.memref_squeeze %dma_start3A_90 : memref<1x128xi32, #tpu.memory_space<vmem>> -> memref<128xi32, #tpu.memory_space<vmem>>
    %dma_start3A_92 = arith.constant 0 : i32
    %dma_start3A_93 = arith.constant 0 : i32
    %dma_start3A_94 = tpu.memref_slice %arg7[%dma_start3A_92, %dma_start3A_93] : memref<100000x16xf32, #tpu.memory_space<hbm>> -> memref<100000x16xf32, #tpu.memory_space<hbm>>
    tpu.enqueue_indirect_dma source(%dma_start3A_94 : memref<100000x16xf32, #tpu.memory_space<hbm>>) target(%dma_start3A_88 : memref<128x16xf32, #tpu.memory_space<vmem>>) offsets(%dma_start3A_91 : memref<128xi32, #tpu.memory_space<vmem>>) semaphore(%arg21 : memref<!tpu.dma_semaphore, #tpu.memory_space<semaphore_mem>>)
    %dma_start3A_95 = arith.constant 1 : i32
    %dma_start3A_96 = arith.constant 128 : i32
    %dma_start3A_97 = arith.constant 0 : i32
    %dma_start3A_98 = tpu.memref_slice %arg16[%dma_start3A_96, %dma_start3A_97] : memref<512x16xf32, #tpu.memory_space<vmem>> -> memref<128x16xf32, #tpu.memory_space<vmem>>
    %dma_start3A_99 = arith.constant 0 : i32
    %dma_start3A_100 = tpu.memref_slice %arg12[%dma_start3A_95, %dma_start3A_99] : memref<4x128xi32, #tpu.memory_space<vmem>> -> memref<1x128xi32, #tpu.memory_space<vmem>>
    %dma_start3A_101 = tpu.memref_squeeze %dma_start3A_100 : memref<1x128xi32, #tpu.memory_space<vmem>> -> memref<128xi32, #tpu.memory_space<vmem>>
    %dma_start3A_102 = arith.constant 0 : i32
    %dma_start3A_103 = arith.constant 0 : i32
    %dma_start3A_104 = tpu.memref_slice %arg7[%dma_start3A_102, %dma_start3A_103] : memref<100000x16xf32, #tpu.memory_space<hbm>> -> memref<100000x16xf32, #tpu.memory_space<hbm>>
    tpu.enqueue_indirect_dma source(%dma_start3A_104 : memref<100000x16xf32, #tpu.memory_space<hbm>>) target(%dma_start3A_98 : memref<128x16xf32, #tpu.memory_space<vmem>>) offsets(%dma_start3A_101 : memref<128xi32, #tpu.memory_space<vmem>>) semaphore(%arg21 : memref<!tpu.dma_semaphore, #tpu.memory_space<semaphore_mem>>)
    %dma_start3A_105 = arith.constant 2 : i32
    %dma_start3A_106 = arith.constant 256 : i32
    %dma_start3A_107 = arith.constant 0 : i32
    %dma_start3A_108 = tpu.memref_slice %arg16[%dma_start3A_106, %dma_start3A_107] : memref<512x16xf32, #tpu.memory_space<vmem>> -> memref<128x16xf32, #tpu.memory_space<vmem>>
    %dma_start3A_109 = arith.constant 0 : i32
    %dma_start3A_110 = tpu.memref_slice %arg12[%dma_start3A_105, %dma_start3A_109] : memref<4x128xi32, #tpu.memory_space<vmem>> -> memref<1x128xi32, #tpu.memory_space<vmem>>
    %dma_start3A_111 = tpu.memref_squeeze %dma_start3A_110 : memref<1x128xi32, #tpu.memory_space<vmem>> -> memref<128xi32, #tpu.memory_space<vmem>>
    %dma_start3A_112 = arith.constant 0 : i32
    %dma_start3A_113 = arith.constant 0 : i32
    %dma_start3A_114 = tpu.memref_slice %arg7[%dma_start3A_112, %dma_start3A_113] : memref<100000x16xf32, #tpu.memory_space<hbm>> -> memref<100000x16xf32, #tpu.memory_space<hbm>>
    tpu.enqueue_indirect_dma source(%dma_start3A_114 : memref<100000x16xf32, #tpu.memory_space<hbm>>) target(%dma_start3A_108 : memref<128x16xf32, #tpu.memory_space<vmem>>) offsets(%dma_start3A_111 : memref<128xi32, #tpu.memory_space<vmem>>) semaphore(%arg21 : memref<!tpu.dma_semaphore, #tpu.memory_space<semaphore_mem>>)
    %dma_start3A_115 = arith.constant 3 : i32
    %dma_start3A_116 = arith.constant 384 : i32
    %dma_start3A_117 = arith.constant 0 : i32
    %dma_start3A_118 = tpu.memref_slice %arg16[%dma_start3A_116, %dma_start3A_117] : memref<512x16xf32, #tpu.memory_space<vmem>> -> memref<128x16xf32, #tpu.memory_space<vmem>>
    %dma_start3A_119 = arith.constant 0 : i32
    %dma_start3A_120 = tpu.memref_slice %arg12[%dma_start3A_115, %dma_start3A_119] : memref<4x128xi32, #tpu.memory_space<vmem>> -> memref<1x128xi32, #tpu.memory_space<vmem>>
    %dma_start3A_121 = tpu.memref_squeeze %dma_start3A_120 : memref<1x128xi32, #tpu.memory_space<vmem>> -> memref<128xi32, #tpu.memory_space<vmem>>
    %dma_start3A_122 = arith.constant 0 : i32
    %dma_start3A_123 = arith.constant 0 : i32
    %dma_start3A_124 = tpu.memref_slice %arg7[%dma_start3A_122, %dma_start3A_123] : memref<100000x16xf32, #tpu.memory_space<hbm>> -> memref<100000x16xf32, #tpu.memory_space<hbm>>
    tpu.enqueue_indirect_dma source(%dma_start3A_124 : memref<100000x16xf32, #tpu.memory_space<hbm>>) target(%dma_start3A_118 : memref<128x16xf32, #tpu.memory_space<vmem>>) offsets(%dma_start3A_121 : memref<128xi32, #tpu.memory_space<vmem>>) semaphore(%arg21 : memref<!tpu.dma_semaphore, #tpu.memory_space<semaphore_mem>>)
    %dma_wait3A_125 = arith.constant 0 : i32
    %dma_wait3A_126 = arith.constant 0 : i32
    %dma_wait3A_127 = arith.constant 0 : i32
    %dma_wait3A_128 = tpu.memref_slice %arg16[%dma_wait3A_126, %dma_wait3A_127] : memref<512x16xf32, #tpu.memory_space<vmem>> -> memref<128x16xf32, #tpu.memory_space<vmem>>
    %dma_wait3A_129 = arith.constant 0 : i32
    %dma_wait3A_130 = tpu.memref_slice %arg12[%dma_wait3A_125, %dma_wait3A_129] : memref<4x128xi32, #tpu.memory_space<vmem>> -> memref<1x128xi32, #tpu.memory_space<vmem>>
    %dma_wait3A_131 = tpu.memref_squeeze %dma_wait3A_130 : memref<1x128xi32, #tpu.memory_space<vmem>> -> memref<128xi32, #tpu.memory_space<vmem>>
    %dma_wait3A_132 = arith.constant 0 : i32
    %dma_wait3A_133 = arith.constant 0 : i32
    %dma_wait3A_134 = tpu.memref_slice %arg7[%dma_wait3A_132, %dma_wait3A_133] : memref<100000x16xf32, #tpu.memory_space<hbm>> -> memref<100000x16xf32, #tpu.memory_space<hbm>>
    tpu.wait_indirect_dma semaphore(%arg21 : memref<!tpu.dma_semaphore, #tpu.memory_space<semaphore_mem>>) src(%dma_wait3A_134 : memref<100000x16xf32, #tpu.memory_space<hbm>>) dst(%dma_wait3A_128 : memref<128x16xf32, #tpu.memory_space<vmem>>)
    %dma_wait3A_135 = arith.constant 1 : i32
    %dma_wait3A_136 = arith.constant 128 : i32
    %dma_wait3A_137 = arith.constant 0 : i32
    %dma_wait3A_138 = tpu.memref_slice %arg16[%dma_wait3A_136, %dma_wait3A_137] : memref<512x16xf32, #tpu.memory_space<vmem>> -> memref<128x16xf32, #tpu.memory_space<vmem>>
    %dma_wait3A_139 = arith.constant 0 : i32
    %dma_wait3A_140 = tpu.memref_slice %arg12[%dma_wait3A_135, %dma_wait3A_139] : memref<4x128xi32, #tpu.memory_space<vmem>> -> memref<1x128xi32, #tpu.memory_space<vmem>>
    %dma_wait3A_141 = tpu.memref_squeeze %dma_wait3A_140 : memref<1x128xi32, #tpu.memory_space<vmem>> -> memref<128xi32, #tpu.memory_space<vmem>>
    %dma_wait3A_142 = arith.constant 0 : i32
    %dma_wait3A_143 = arith.constant 0 : i32
    %dma_wait3A_144 = tpu.memref_slice %arg7[%dma_wait3A_142, %dma_wait3A_143] : memref<100000x16xf32, #tpu.memory_space<hbm>> -> memref<100000x16xf32, #tpu.memory_space<hbm>>
    tpu.wait_indirect_dma semaphore(%arg21 : memref<!tpu.dma_semaphore, #tpu.memory_space<semaphore_mem>>) src(%dma_wait3A_144 : memref<100000x16xf32, #tpu.memory_space<hbm>>) dst(%dma_wait3A_138 : memref<128x16xf32, #tpu.memory_space<vmem>>)
    %dma_wait3A_145 = arith.constant 2 : i32
    %dma_wait3A_146 = arith.constant 256 : i32
    %dma_wait3A_147 = arith.constant 0 : i32
    %dma_wait3A_148 = tpu.memref_slice %arg16[%dma_wait3A_146, %dma_wait3A_147] : memref<512x16xf32, #tpu.memory_space<vmem>> -> memref<128x16xf32, #tpu.memory_space<vmem>>
    %dma_wait3A_149 = arith.constant 0 : i32
    %dma_wait3A_150 = tpu.memref_slice %arg12[%dma_wait3A_145, %dma_wait3A_149] : memref<4x128xi32, #tpu.memory_space<vmem>> -> memref<1x128xi32, #tpu.memory_space<vmem>>
    %dma_wait3A_151 = tpu.memref_squeeze %dma_wait3A_150 : memref<1x128xi32, #tpu.memory_space<vmem>> -> memref<128xi32, #tpu.memory_space<vmem>>
    %dma_wait3A_152 = arith.constant 0 : i32
    %dma_wait3A_153 = arith.constant 0 : i32
    %dma_wait3A_154 = tpu.memref_slice %arg7[%dma_wait3A_152, %dma_wait3A_153] : memref<100000x16xf32, #tpu.memory_space<hbm>> -> memref<100000x16xf32, #tpu.memory_space<hbm>>
    tpu.wait_indirect_dma semaphore(%arg21 : memref<!tpu.dma_semaphore, #tpu.memory_space<semaphore_mem>>) src(%dma_wait3A_154 : memref<100000x16xf32, #tpu.memory_space<hbm>>) dst(%dma_wait3A_148 : memref<128x16xf32, #tpu.memory_space<vmem>>)
    %dma_wait3A_155 = arith.constant 3 : i32
    %dma_wait3A_156 = arith.constant 384 : i32
    %dma_wait3A_157 = arith.constant 0 : i32
    %dma_wait3A_158 = tpu.memref_slice %arg16[%dma_wait3A_156, %dma_wait3A_157] : memref<512x16xf32, #tpu.memory_space<vmem>> -> memref<128x16xf32, #tpu.memory_space<vmem>>
    %dma_wait3A_159 = arith.constant 0 : i32
    %dma_wait3A_160 = tpu.memref_slice %arg12[%dma_wait3A_155, %dma_wait3A_159] : memref<4x128xi32, #tpu.memory_space<vmem>> -> memref<1x128xi32, #tpu.memory_space<vmem>>
    %dma_wait3A_161 = tpu.memref_squeeze %dma_wait3A_160 : memref<1x128xi32, #tpu.memory_space<vmem>> -> memref<128xi32, #tpu.memory_space<vmem>>
    %dma_wait3A_162 = arith.constant 0 : i32
    %dma_wait3A_163 = arith.constant 0 : i32
    %dma_wait3A_164 = tpu.memref_slice %arg7[%dma_wait3A_162, %dma_wait3A_163] : memref<100000x16xf32, #tpu.memory_space<hbm>> -> memref<100000x16xf32, #tpu.memory_space<hbm>>
    tpu.wait_indirect_dma semaphore(%arg21 : memref<!tpu.dma_semaphore, #tpu.memory_space<semaphore_mem>>) src(%dma_wait3A_164 : memref<100000x16xf32, #tpu.memory_space<hbm>>) dst(%dma_wait3A_158 : memref<128x16xf32, #tpu.memory_space<vmem>>)
    "tpu.region"() ({
      %run_scoped3A = tpu.sem_alloc : memref<!tpu.dma_semaphore, #tpu.memory_space<semaphore_mem>>
      %dma_start3A_176 = arith.constant 32 : i32
      %dma_start3A_177 = tpu.memref_slice %arg10[%mul3A_2, %dma_start3A_176] : memref<16384x128xf32, #tpu.memory_space<hbm>> -> memref<512x16xf32, #tpu.memory_space<hbm>>
      %dma_start3A_178 = arith.constant 32 : i32
      %dma_start3A_179 = tpu.memref_slice %arg10[%mul3A_2, %dma_start3A_178] : memref<16384x128xf32, #tpu.memory_space<hbm>> -> memref<512x16xf32, #tpu.memory_space<hbm>>
      tpu.enqueue_dma source(%arg16 : memref<512x16xf32, #tpu.memory_space<vmem>>) target(%dma_start3A_179 : memref<512x16xf32, #tpu.memory_space<hbm>>) target_semaphore(%run_scoped3A : memref<!tpu.dma_semaphore, #tpu.memory_space<semaphore_mem>>)
      %dma_wait3A_180 = arith.constant 32 : i32
      %dma_wait3A_181 = tpu.memref_slice %arg10[%mul3A_2, %dma_wait3A_180] : memref<16384x128xf32, #tpu.memory_space<hbm>> -> memref<512x16xf32, #tpu.memory_space<hbm>>
      %dma_wait3A_182 = arith.constant 32 : i32
      %dma_wait3A_183 = tpu.memref_slice %arg10[%mul3A_2, %dma_wait3A_182] : memref<16384x128xf32, #tpu.memory_space<hbm>> -> memref<512x16xf32, #tpu.memory_space<hbm>>
      tpu.wait_dma2 semaphore(%run_scoped3A : memref<!tpu.dma_semaphore, #tpu.memory_space<semaphore_mem>>) src(%arg16 : memref<512x16xf32, #tpu.memory_space<vmem>>) dst(%dma_wait3A_183 : memref<512x16xf32, #tpu.memory_space<hbm>>)
      tpu.yield
    }) : () -> ()
    %scan3A = arith.constant 0 : i32
    %scan3A_165 = arith.constant 0 : i32
    %scan3A_166 = arith.constant 16 : i32
    %scan3A_167 = arith.addi %scan3A_165, %scan3A_166 : i32
    %scan3A_168 = arith.constant 1 : i32
    scf.for %scan3A_176 = %scan3A_165 to %scan3A_167 step %scan3A_168  : i32 {
      %mul3A_177 = arith.constant 128 : i32
      %mul3A_178 = arith.muli %add3A, %mul3A_177 : i32
      %mul3A_179 = arith.constant 8 : i32
      %mul3A_180 = arith.muli %scan3A_176, %mul3A_179 : i32
      %add3A_181 = arith.addi %mul3A_178, %mul3A_180 : i32
      "tpu.region"() ({
        %run_scoped3A = tpu.sem_alloc : memref<!tpu.dma_semaphore, #tpu.memory_space<semaphore_mem>>
        %dma_start3A_351 = arith.constant 0 : i32
        %dma_start3A_352 = tpu.memref_slice %arg4[%add3A_181, %dma_start3A_351] : memref<4096x80xi32, #tpu.memory_space<hbm>> -> memref<8x80xi32, #tpu.memory_space<hbm>>
        %dma_start3A_353 = arith.constant 0 : i32
        %dma_start3A_354 = tpu.memref_slice %arg4[%add3A_181, %dma_start3A_353] : memref<4096x80xi32, #tpu.memory_space<hbm>> -> memref<8x80xi32, #tpu.memory_space<hbm>>
        tpu.enqueue_dma source(%dma_start3A_354 : memref<8x80xi32, #tpu.memory_space<hbm>>) target(%arg13 : memref<8x80xi32, #tpu.memory_space<vmem>>) target_semaphore(%run_scoped3A : memref<!tpu.dma_semaphore, #tpu.memory_space<semaphore_mem>>)
        %dma_wait3A_355 = arith.constant 0 : i32
        %dma_wait3A_356 = tpu.memref_slice %arg4[%add3A_181, %dma_wait3A_355] : memref<4096x80xi32, #tpu.memory_space<hbm>> -> memref<8x80xi32, #tpu.memory_space<hbm>>
        %dma_wait3A_357 = arith.constant 0 : i32
        %dma_wait3A_358 = tpu.memref_slice %arg4[%add3A_181, %dma_wait3A_357] : memref<4096x80xi32, #tpu.memory_space<hbm>> -> memref<8x80xi32, #tpu.memory_space<hbm>>
        tpu.wait_dma2 semaphore(%run_scoped3A : memref<!tpu.dma_semaphore, #tpu.memory_space<semaphore_mem>>) src(%dma_wait3A_358 : memref<8x80xi32, #tpu.memory_space<hbm>>) dst(%arg13 : memref<8x80xi32, #tpu.memory_space<vmem>>)
        tpu.yield
      }) : () -> ()
      %dma_start3A_182 = arith.constant 0 : i32
      %dma_start3A_183 = arith.constant 0 : i32
      %dma_start3A_184 = arith.constant 0 : i32
      %dma_start3A_185 = tpu.memref_slice %arg17[%dma_start3A_183, %dma_start3A_184] : memref<640x16xf32, #tpu.memory_space<vmem>> -> memref<80x16xf32, #tpu.memory_space<vmem>>
      %dma_start3A_186 = arith.constant 0 : i32
      %dma_start3A_187 = tpu.memref_slice %arg13[%dma_start3A_182, %dma_start3A_186] : memref<8x80xi32, #tpu.memory_space<vmem>> -> memref<1x80xi32, #tpu.memory_space<vmem>>
      %dma_start3A_188 = tpu.memref_squeeze %dma_start3A_187 : memref<1x80xi32, #tpu.memory_space<vmem>> -> memref<80xi32, #tpu.memory_space<vmem>>
      %dma_start3A_189 = arith.constant 0 : i32
      %dma_start3A_190 = arith.constant 0 : i32
      %dma_start3A_191 = tpu.memref_slice %arg8[%dma_start3A_189, %dma_start3A_190] : memref<1000x16xf32, #tpu.memory_space<hbm>> -> memref<1000x16xf32, #tpu.memory_space<hbm>>
      tpu.enqueue_indirect_dma source(%dma_start3A_191 : memref<1000x16xf32, #tpu.memory_space<hbm>>) target(%dma_start3A_185 : memref<80x16xf32, #tpu.memory_space<vmem>>) offsets(%dma_start3A_188 : memref<80xi32, #tpu.memory_space<vmem>>) semaphore(%arg21 : memref<!tpu.dma_semaphore, #tpu.memory_space<semaphore_mem>>)
      %dma_start3A_192 = arith.constant 1 : i32
      %dma_start3A_193 = arith.constant 80 : i32
      %dma_start3A_194 = arith.constant 0 : i32
      %dma_start3A_195 = tpu.memref_slice %arg17[%dma_start3A_193, %dma_start3A_194] : memref<640x16xf32, #tpu.memory_space<vmem>> -> memref<80x16xf32, #tpu.memory_space<vmem>>
      %dma_start3A_196 = arith.constant 0 : i32
      %dma_start3A_197 = tpu.memref_slice %arg13[%dma_start3A_192, %dma_start3A_196] : memref<8x80xi32, #tpu.memory_space<vmem>> -> memref<1x80xi32, #tpu.memory_space<vmem>>
      %dma_start3A_198 = tpu.memref_squeeze %dma_start3A_197 : memref<1x80xi32, #tpu.memory_space<vmem>> -> memref<80xi32, #tpu.memory_space<vmem>>
      %dma_start3A_199 = arith.constant 0 : i32
      %dma_start3A_200 = arith.constant 0 : i32
      %dma_start3A_201 = tpu.memref_slice %arg8[%dma_start3A_199, %dma_start3A_200] : memref<1000x16xf32, #tpu.memory_space<hbm>> -> memref<1000x16xf32, #tpu.memory_space<hbm>>
      tpu.enqueue_indirect_dma source(%dma_start3A_201 : memref<1000x16xf32, #tpu.memory_space<hbm>>) target(%dma_start3A_195 : memref<80x16xf32, #tpu.memory_space<vmem>>) offsets(%dma_start3A_198 : memref<80xi32, #tpu.memory_space<vmem>>) semaphore(%arg21 : memref<!tpu.dma_semaphore, #tpu.memory_space<semaphore_mem>>)
      %dma_start3A_202 = arith.constant 2 : i32
      %dma_start3A_203 = arith.constant 160 : i32
      %dma_start3A_204 = arith.constant 0 : i32
      %dma_start3A_205 = tpu.memref_slice %arg17[%dma_start3A_203, %dma_start3A_204] : memref<640x16xf32, #tpu.memory_space<vmem>> -> memref<80x16xf32, #tpu.memory_space<vmem>>
      %dma_start3A_206 = arith.constant 0 : i32
      %dma_start3A_207 = tpu.memref_slice %arg13[%dma_start3A_202, %dma_start3A_206] : memref<8x80xi32, #tpu.memory_space<vmem>> -> memref<1x80xi32, #tpu.memory_space<vmem>>
      %dma_start3A_208 = tpu.memref_squeeze %dma_start3A_207 : memref<1x80xi32, #tpu.memory_space<vmem>> -> memref<80xi32, #tpu.memory_space<vmem>>
      %dma_start3A_209 = arith.constant 0 : i32
      %dma_start3A_210 = arith.constant 0 : i32
      %dma_start3A_211 = tpu.memref_slice %arg8[%dma_start3A_209, %dma_start3A_210] : memref<1000x16xf32, #tpu.memory_space<hbm>> -> memref<1000x16xf32, #tpu.memory_space<hbm>>
      tpu.enqueue_indirect_dma source(%dma_start3A_211 : memref<1000x16xf32, #tpu.memory_space<hbm>>) target(%dma_start3A_205 : memref<80x16xf32, #tpu.memory_space<vmem>>) offsets(%dma_start3A_208 : memref<80xi32, #tpu.memory_space<vmem>>) semaphore(%arg21 : memref<!tpu.dma_semaphore, #tpu.memory_space<semaphore_mem>>)
      %dma_start3A_212 = arith.constant 3 : i32
      %dma_start3A_213 = arith.constant 240 : i32
      %dma_start3A_214 = arith.constant 0 : i32
      %dma_start3A_215 = tpu.memref_slice %arg17[%dma_start3A_213, %dma_start3A_214] : memref<640x16xf32, #tpu.memory_space<vmem>> -> memref<80x16xf32, #tpu.memory_space<vmem>>
      %dma_start3A_216 = arith.constant 0 : i32
      %dma_start3A_217 = tpu.memref_slice %arg13[%dma_start3A_212, %dma_start3A_216] : memref<8x80xi32, #tpu.memory_space<vmem>> -> memref<1x80xi32, #tpu.memory_space<vmem>>
      %dma_start3A_218 = tpu.memref_squeeze %dma_start3A_217 : memref<1x80xi32, #tpu.memory_space<vmem>> -> memref<80xi32, #tpu.memory_space<vmem>>
      %dma_start3A_219 = arith.constant 0 : i32
      %dma_start3A_220 = arith.constant 0 : i32
      %dma_start3A_221 = tpu.memref_slice %arg8[%dma_start3A_219, %dma_start3A_220] : memref<1000x16xf32, #tpu.memory_space<hbm>> -> memref<1000x16xf32, #tpu.memory_space<hbm>>
      tpu.enqueue_indirect_dma source(%dma_start3A_221 : memref<1000x16xf32, #tpu.memory_space<hbm>>) target(%dma_start3A_215 : memref<80x16xf32, #tpu.memory_space<vmem>>) offsets(%dma_start3A_218 : memref<80xi32, #tpu.memory_space<vmem>>) semaphore(%arg21 : memref<!tpu.dma_semaphore, #tpu.memory_space<semaphore_mem>>)
      %dma_start3A_222 = arith.constant 4 : i32
      %dma_start3A_223 = arith.constant 320 : i32
      %dma_start3A_224 = arith.constant 0 : i32
      %dma_start3A_225 = tpu.memref_slice %arg17[%dma_start3A_223, %dma_start3A_224] : memref<640x16xf32, #tpu.memory_space<vmem>> -> memref<80x16xf32, #tpu.memory_space<vmem>>
      %dma_start3A_226 = arith.constant 0 : i32
      %dma_start3A_227 = tpu.memref_slice %arg13[%dma_start3A_222, %dma_start3A_226] : memref<8x80xi32, #tpu.memory_space<vmem>> -> memref<1x80xi32, #tpu.memory_space<vmem>>
      %dma_start3A_228 = tpu.memref_squeeze %dma_start3A_227 : memref<1x80xi32, #tpu.memory_space<vmem>> -> memref<80xi32, #tpu.memory_space<vmem>>
      %dma_start3A_229 = arith.constant 0 : i32
      %dma_start3A_230 = arith.constant 0 : i32
      %dma_start3A_231 = tpu.memref_slice %arg8[%dma_start3A_229, %dma_start3A_230] : memref<1000x16xf32, #tpu.memory_space<hbm>> -> memref<1000x16xf32, #tpu.memory_space<hbm>>
      tpu.enqueue_indirect_dma source(%dma_start3A_231 : memref<1000x16xf32, #tpu.memory_space<hbm>>) target(%dma_start3A_225 : memref<80x16xf32, #tpu.memory_space<vmem>>) offsets(%dma_start3A_228 : memref<80xi32, #tpu.memory_space<vmem>>) semaphore(%arg21 : memref<!tpu.dma_semaphore, #tpu.memory_space<semaphore_mem>>)
      %dma_start3A_232 = arith.constant 5 : i32
      %dma_start3A_233 = arith.constant 400 : i32
      %dma_start3A_234 = arith.constant 0 : i32
      %dma_start3A_235 = tpu.memref_slice %arg17[%dma_start3A_233, %dma_start3A_234] : memref<640x16xf32, #tpu.memory_space<vmem>> -> memref<80x16xf32, #tpu.memory_space<vmem>>
      %dma_start3A_236 = arith.constant 0 : i32
      %dma_start3A_237 = tpu.memref_slice %arg13[%dma_start3A_232, %dma_start3A_236] : memref<8x80xi32, #tpu.memory_space<vmem>> -> memref<1x80xi32, #tpu.memory_space<vmem>>
      %dma_start3A_238 = tpu.memref_squeeze %dma_start3A_237 : memref<1x80xi32, #tpu.memory_space<vmem>> -> memref<80xi32, #tpu.memory_space<vmem>>
      %dma_start3A_239 = arith.constant 0 : i32
      %dma_start3A_240 = arith.constant 0 : i32
      %dma_start3A_241 = tpu.memref_slice %arg8[%dma_start3A_239, %dma_start3A_240] : memref<1000x16xf32, #tpu.memory_space<hbm>> -> memref<1000x16xf32, #tpu.memory_space<hbm>>
      tpu.enqueue_indirect_dma source(%dma_start3A_241 : memref<1000x16xf32, #tpu.memory_space<hbm>>) target(%dma_start3A_235 : memref<80x16xf32, #tpu.memory_space<vmem>>) offsets(%dma_start3A_238 : memref<80xi32, #tpu.memory_space<vmem>>) semaphore(%arg21 : memref<!tpu.dma_semaphore, #tpu.memory_space<semaphore_mem>>)
      %dma_start3A_242 = arith.constant 6 : i32
      %dma_start3A_243 = arith.constant 480 : i32
      %dma_start3A_244 = arith.constant 0 : i32
      %dma_start3A_245 = tpu.memref_slice %arg17[%dma_start3A_243, %dma_start3A_244] : memref<640x16xf32, #tpu.memory_space<vmem>> -> memref<80x16xf32, #tpu.memory_space<vmem>>
      %dma_start3A_246 = arith.constant 0 : i32
      %dma_start3A_247 = tpu.memref_slice %arg13[%dma_start3A_242, %dma_start3A_246] : memref<8x80xi32, #tpu.memory_space<vmem>> -> memref<1x80xi32, #tpu.memory_space<vmem>>
      %dma_start3A_248 = tpu.memref_squeeze %dma_start3A_247 : memref<1x80xi32, #tpu.memory_space<vmem>> -> memref<80xi32, #tpu.memory_space<vmem>>
      %dma_start3A_249 = arith.constant 0 : i32
      %dma_start3A_250 = arith.constant 0 : i32
      %dma_start3A_251 = tpu.memref_slice %arg8[%dma_start3A_249, %dma_start3A_250] : memref<1000x16xf32, #tpu.memory_space<hbm>> -> memref<1000x16xf32, #tpu.memory_space<hbm>>
      tpu.enqueue_indirect_dma source(%dma_start3A_251 : memref<1000x16xf32, #tpu.memory_space<hbm>>) target(%dma_start3A_245 : memref<80x16xf32, #tpu.memory_space<vmem>>) offsets(%dma_start3A_248 : memref<80xi32, #tpu.memory_space<vmem>>) semaphore(%arg21 : memref<!tpu.dma_semaphore, #tpu.memory_space<semaphore_mem>>)
      %dma_start3A_252 = arith.constant 7 : i32
      %dma_start3A_253 = arith.constant 560 : i32
      %dma_start3A_254 = arith.constant 0 : i32
      %dma_start3A_255 = tpu.memref_slice %arg17[%dma_start3A_253, %dma_start3A_254] : memref<640x16xf32, #tpu.memory_space<vmem>> -> memref<80x16xf32, #tpu.memory_space<vmem>>
      %dma_start3A_256 = arith.constant 0 : i32
      %dma_start3A_257 = tpu.memref_slice %arg13[%dma_start3A_252, %dma_start3A_256] : memref<8x80xi32, #tpu.memory_space<vmem>> -> memref<1x80xi32, #tpu.memory_space<vmem>>
      %dma_start3A_258 = tpu.memref_squeeze %dma_start3A_257 : memref<1x80xi32, #tpu.memory_space<vmem>> -> memref<80xi32, #tpu.memory_space<vmem>>
      %dma_start3A_259 = arith.constant 0 : i32
      %dma_start3A_260 = arith.constant 0 : i32
      %dma_start3A_261 = tpu.memref_slice %arg8[%dma_start3A_259, %dma_start3A_260] : memref<1000x16xf32, #tpu.memory_space<hbm>> -> memref<1000x16xf32, #tpu.memory_space<hbm>>
      tpu.enqueue_indirect_dma source(%dma_start3A_261 : memref<1000x16xf32, #tpu.memory_space<hbm>>) target(%dma_start3A_255 : memref<80x16xf32, #tpu.memory_space<vmem>>) offsets(%dma_start3A_258 : memref<80xi32, #tpu.memory_space<vmem>>) semaphore(%arg21 : memref<!tpu.dma_semaphore, #tpu.memory_space<semaphore_mem>>)
      %dma_wait3A_262 = arith.constant 0 : i32
      %dma_wait3A_263 = arith.constant 0 : i32
      %dma_wait3A_264 = arith.constant 0 : i32
      %dma_wait3A_265 = tpu.memref_slice %arg17[%dma_wait3A_263, %dma_wait3A_264] : memref<640x16xf32, #tpu.memory_space<vmem>> -> memref<80x16xf32, #tpu.memory_space<vmem>>
      %dma_wait3A_266 = arith.constant 0 : i32
      %dma_wait3A_267 = tpu.memref_slice %arg13[%dma_wait3A_262, %dma_wait3A_266] : memref<8x80xi32, #tpu.memory_space<vmem>> -> memref<1x80xi32, #tpu.memory_space<vmem>>
      %dma_wait3A_268 = tpu.memref_squeeze %dma_wait3A_267 : memref<1x80xi32, #tpu.memory_space<vmem>> -> memref<80xi32, #tpu.memory_space<vmem>>
      %dma_wait3A_269 = arith.constant 0 : i32
      %dma_wait3A_270 = arith.constant 0 : i32
      %dma_wait3A_271 = tpu.memref_slice %arg8[%dma_wait3A_269, %dma_wait3A_270] : memref<1000x16xf32, #tpu.memory_space<hbm>> -> memref<1000x16xf32, #tpu.memory_space<hbm>>
      tpu.wait_indirect_dma semaphore(%arg21 : memref<!tpu.dma_semaphore, #tpu.memory_space<semaphore_mem>>) src(%dma_wait3A_271 : memref<1000x16xf32, #tpu.memory_space<hbm>>) dst(%dma_wait3A_265 : memref<80x16xf32, #tpu.memory_space<vmem>>)
      %dma_wait3A_272 = arith.constant 1 : i32
      %dma_wait3A_273 = arith.constant 80 : i32
      %dma_wait3A_274 = arith.constant 0 : i32
      %dma_wait3A_275 = tpu.memref_slice %arg17[%dma_wait3A_273, %dma_wait3A_274] : memref<640x16xf32, #tpu.memory_space<vmem>> -> memref<80x16xf32, #tpu.memory_space<vmem>>
      %dma_wait3A_276 = arith.constant 0 : i32
      %dma_wait3A_277 = tpu.memref_slice %arg13[%dma_wait3A_272, %dma_wait3A_276] : memref<8x80xi32, #tpu.memory_space<vmem>> -> memref<1x80xi32, #tpu.memory_space<vmem>>
      %dma_wait3A_278 = tpu.memref_squeeze %dma_wait3A_277 : memref<1x80xi32, #tpu.memory_space<vmem>> -> memref<80xi32, #tpu.memory_space<vmem>>
      %dma_wait3A_279 = arith.constant 0 : i32
      %dma_wait3A_280 = arith.constant 0 : i32
      %dma_wait3A_281 = tpu.memref_slice %arg8[%dma_wait3A_279, %dma_wait3A_280] : memref<1000x16xf32, #tpu.memory_space<hbm>> -> memref<1000x16xf32, #tpu.memory_space<hbm>>
      tpu.wait_indirect_dma semaphore(%arg21 : memref<!tpu.dma_semaphore, #tpu.memory_space<semaphore_mem>>) src(%dma_wait3A_281 : memref<1000x16xf32, #tpu.memory_space<hbm>>) dst(%dma_wait3A_275 : memref<80x16xf32, #tpu.memory_space<vmem>>)
      %dma_wait3A_282 = arith.constant 2 : i32
      %dma_wait3A_283 = arith.constant 160 : i32
      %dma_wait3A_284 = arith.constant 0 : i32
      %dma_wait3A_285 = tpu.memref_slice %arg17[%dma_wait3A_283, %dma_wait3A_284] : memref<640x16xf32, #tpu.memory_space<vmem>> -> memref<80x16xf32, #tpu.memory_space<vmem>>
      %dma_wait3A_286 = arith.constant 0 : i32
      %dma_wait3A_287 = tpu.memref_slice %arg13[%dma_wait3A_282, %dma_wait3A_286] : memref<8x80xi32, #tpu.memory_space<vmem>> -> memref<1x80xi32, #tpu.memory_space<vmem>>
      %dma_wait3A_288 = tpu.memref_squeeze %dma_wait3A_287 : memref<1x80xi32, #tpu.memory_space<vmem>> -> memref<80xi32, #tpu.memory_space<vmem>>
      %dma_wait3A_289 = arith.constant 0 : i32
      %dma_wait3A_290 = arith.constant 0 : i32
      %dma_wait3A_291 = tpu.memref_slice %arg8[%dma_wait3A_289, %dma_wait3A_290] : memref<1000x16xf32, #tpu.memory_space<hbm>> -> memref<1000x16xf32, #tpu.memory_space<hbm>>
      tpu.wait_indirect_dma semaphore(%arg21 : memref<!tpu.dma_semaphore, #tpu.memory_space<semaphore_mem>>) src(%dma_wait3A_291 : memref<1000x16xf32, #tpu.memory_space<hbm>>) dst(%dma_wait3A_285 : memref<80x16xf32, #tpu.memory_space<vmem>>)
      %dma_wait3A_292 = arith.constant 3 : i32
      %dma_wait3A_293 = arith.constant 240 : i32
      %dma_wait3A_294 = arith.constant 0 : i32
      %dma_wait3A_295 = tpu.memref_slice %arg17[%dma_wait3A_293, %dma_wait3A_294] : memref<640x16xf32, #tpu.memory_space<vmem>> -> memref<80x16xf32, #tpu.memory_space<vmem>>
      %dma_wait3A_296 = arith.constant 0 : i32
      %dma_wait3A_297 = tpu.memref_slice %arg13[%dma_wait3A_292, %dma_wait3A_296] : memref<8x80xi32, #tpu.memory_space<vmem>> -> memref<1x80xi32, #tpu.memory_space<vmem>>
      %dma_wait3A_298 = tpu.memref_squeeze %dma_wait3A_297 : memref<1x80xi32, #tpu.memory_space<vmem>> -> memref<80xi32, #tpu.memory_space<vmem>>
      %dma_wait3A_299 = arith.constant 0 : i32
      %dma_wait3A_300 = arith.constant 0 : i32
      %dma_wait3A_301 = tpu.memref_slice %arg8[%dma_wait3A_299, %dma_wait3A_300] : memref<1000x16xf32, #tpu.memory_space<hbm>> -> memref<1000x16xf32, #tpu.memory_space<hbm>>
      tpu.wait_indirect_dma semaphore(%arg21 : memref<!tpu.dma_semaphore, #tpu.memory_space<semaphore_mem>>) src(%dma_wait3A_301 : memref<1000x16xf32, #tpu.memory_space<hbm>>) dst(%dma_wait3A_295 : memref<80x16xf32, #tpu.memory_space<vmem>>)
      %dma_wait3A_302 = arith.constant 4 : i32
      %dma_wait3A_303 = arith.constant 320 : i32
      %dma_wait3A_304 = arith.constant 0 : i32
      %dma_wait3A_305 = tpu.memref_slice %arg17[%dma_wait3A_303, %dma_wait3A_304] : memref<640x16xf32, #tpu.memory_space<vmem>> -> memref<80x16xf32, #tpu.memory_space<vmem>>
      %dma_wait3A_306 = arith.constant 0 : i32
      %dma_wait3A_307 = tpu.memref_slice %arg13[%dma_wait3A_302, %dma_wait3A_306] : memref<8x80xi32, #tpu.memory_space<vmem>> -> memref<1x80xi32, #tpu.memory_space<vmem>>
      %dma_wait3A_308 = tpu.memref_squeeze %dma_wait3A_307 : memref<1x80xi32, #tpu.memory_space<vmem>> -> memref<80xi32, #tpu.memory_space<vmem>>
      %dma_wait3A_309 = arith.constant 0 : i32
      %dma_wait3A_310 = arith.constant 0 : i32
      %dma_wait3A_311 = tpu.memref_slice %arg8[%dma_wait3A_309, %dma_wait3A_310] : memref<1000x16xf32, #tpu.memory_space<hbm>> -> memref<1000x16xf32, #tpu.memory_space<hbm>>
      tpu.wait_indirect_dma semaphore(%arg21 : memref<!tpu.dma_semaphore, #tpu.memory_space<semaphore_mem>>) src(%dma_wait3A_311 : memref<1000x16xf32, #tpu.memory_space<hbm>>) dst(%dma_wait3A_305 : memref<80x16xf32, #tpu.memory_space<vmem>>)
      %dma_wait3A_312 = arith.constant 5 : i32
      %dma_wait3A_313 = arith.constant 400 : i32
      %dma_wait3A_314 = arith.constant 0 : i32
      %dma_wait3A_315 = tpu.memref_slice %arg17[%dma_wait3A_313, %dma_wait3A_314] : memref<640x16xf32, #tpu.memory_space<vmem>> -> memref<80x16xf32, #tpu.memory_space<vmem>>
      %dma_wait3A_316 = arith.constant 0 : i32
      %dma_wait3A_317 = tpu.memref_slice %arg13[%dma_wait3A_312, %dma_wait3A_316] : memref<8x80xi32, #tpu.memory_space<vmem>> -> memref<1x80xi32, #tpu.memory_space<vmem>>
      %dma_wait3A_318 = tpu.memref_squeeze %dma_wait3A_317 : memref<1x80xi32, #tpu.memory_space<vmem>> -> memref<80xi32, #tpu.memory_space<vmem>>
      %dma_wait3A_319 = arith.constant 0 : i32
      %dma_wait3A_320 = arith.constant 0 : i32
      %dma_wait3A_321 = tpu.memref_slice %arg8[%dma_wait3A_319, %dma_wait3A_320] : memref<1000x16xf32, #tpu.memory_space<hbm>> -> memref<1000x16xf32, #tpu.memory_space<hbm>>
      tpu.wait_indirect_dma semaphore(%arg21 : memref<!tpu.dma_semaphore, #tpu.memory_space<semaphore_mem>>) src(%dma_wait3A_321 : memref<1000x16xf32, #tpu.memory_space<hbm>>) dst(%dma_wait3A_315 : memref<80x16xf32, #tpu.memory_space<vmem>>)
      %dma_wait3A_322 = arith.constant 6 : i32
      %dma_wait3A_323 = arith.constant 480 : i32
      %dma_wait3A_324 = arith.constant 0 : i32
      %dma_wait3A_325 = tpu.memref_slice %arg17[%dma_wait3A_323, %dma_wait3A_324] : memref<640x16xf32, #tpu.memory_space<vmem>> -> memref<80x16xf32, #tpu.memory_space<vmem>>
      %dma_wait3A_326 = arith.constant 0 : i32
      %dma_wait3A_327 = tpu.memref_slice %arg13[%dma_wait3A_322, %dma_wait3A_326] : memref<8x80xi32, #tpu.memory_space<vmem>> -> memref<1x80xi32, #tpu.memory_space<vmem>>
      %dma_wait3A_328 = tpu.memref_squeeze %dma_wait3A_327 : memref<1x80xi32, #tpu.memory_space<vmem>> -> memref<80xi32, #tpu.memory_space<vmem>>
      %dma_wait3A_329 = arith.constant 0 : i32
      %dma_wait3A_330 = arith.constant 0 : i32
      %dma_wait3A_331 = tpu.memref_slice %arg8[%dma_wait3A_329, %dma_wait3A_330] : memref<1000x16xf32, #tpu.memory_space<hbm>> -> memref<1000x16xf32, #tpu.memory_space<hbm>>
      tpu.wait_indirect_dma semaphore(%arg21 : memref<!tpu.dma_semaphore, #tpu.memory_space<semaphore_mem>>) src(%dma_wait3A_331 : memref<1000x16xf32, #tpu.memory_space<hbm>>) dst(%dma_wait3A_325 : memref<80x16xf32, #tpu.memory_space<vmem>>)
      %dma_wait3A_332 = arith.constant 7 : i32
      %dma_wait3A_333 = arith.constant 560 : i32
      %dma_wait3A_334 = arith.constant 0 : i32
      %dma_wait3A_335 = tpu.memref_slice %arg17[%dma_wait3A_333, %dma_wait3A_334] : memref<640x16xf32, #tpu.memory_space<vmem>> -> memref<80x16xf32, #tpu.memory_space<vmem>>
      %dma_wait3A_336 = arith.constant 0 : i32
      %dma_wait3A_337 = tpu.memref_slice %arg13[%dma_wait3A_332, %dma_wait3A_336] : memref<8x80xi32, #tpu.memory_space<vmem>> -> memref<1x80xi32, #tpu.memory_space<vmem>>
      %dma_wait3A_338 = tpu.memref_squeeze %dma_wait3A_337 : memref<1x80xi32, #tpu.memory_space<vmem>> -> memref<80xi32, #tpu.memory_space<vmem>>
      %dma_wait3A_339 = arith.constant 0 : i32
      %dma_wait3A_340 = arith.constant 0 : i32
      %dma_wait3A_341 = tpu.memref_slice %arg8[%dma_wait3A_339, %dma_wait3A_340] : memref<1000x16xf32, #tpu.memory_space<hbm>> -> memref<1000x16xf32, #tpu.memory_space<hbm>>
      tpu.wait_indirect_dma semaphore(%arg21 : memref<!tpu.dma_semaphore, #tpu.memory_space<semaphore_mem>>) src(%dma_wait3A_341 : memref<1000x16xf32, #tpu.memory_space<hbm>>) dst(%dma_wait3A_335 : memref<80x16xf32, #tpu.memory_space<vmem>>)
      %scan3A_342 = arith.constant 0 : i32
      %scan3A_343 = arith.constant 0 : i32
      %scan3A_344 = arith.constant 32 : i32
      %scan3A_345 = arith.addi %scan3A_343, %scan3A_344 : i32
      %scan3A_346 = arith.constant 1 : i32
      scf.for %scan3A_351 = %scan3A_343 to %scan3A_345 step %scan3A_346  : i32 {
        %mul3A_352 = arith.constant 20 : i32
        %mul3A_353 = arith.muli %scan3A_351, %mul3A_352 : i32
        %get3A = arith.index_cast %mul3A_353 : i32 to index
        %get3A_354 = arith.constant 0 : index
        %get3A_355 = tpu.vector_load %arg17[%get3A, %get3A_354] {strides = array<i32>} : memref<640x16xf32, #tpu.memory_space<vmem>>, vector<1x16xf32>,
        %get3A_356 = vector.shape_cast %get3A_355 : vector<1x16xf32> to vector<16xf32>
        %add3A_357 = arith.constant 1 : i32
        %add3A_358 = arith.addi %mul3A_353, %add3A_357 : i32
        %get3A_359 = arith.index_cast %add3A_358 : i32 to index
        %get3A_360 = arith.constant 0 : index
        %get3A_361 = tpu.vector_load %arg17[%get3A_359, %get3A_360] {strides = array<i32>} : memref<640x16xf32, #tpu.memory_space<vmem>>, vector<1x16xf32>,
        %get3A_362 = vector.shape_cast %get3A_361 : vector<1x16xf32> to vector<16xf32>
        %add3A_363 = arith.addf %get3A_356, %get3A_362 : vector<16xf32>
        %add3A_364 = arith.constant 2 : i32
        %add3A_365 = arith.addi %mul3A_353, %add3A_364 : i32
        %get3A_366 = arith.index_cast %add3A_365 : i32 to index
        %get3A_367 = arith.constant 0 : index
        %get3A_368 = tpu.vector_load %arg17[%get3A_366, %get3A_367] {strides = array<i32>} : memref<640x16xf32, #tpu.memory_space<vmem>>, vector<1x16xf32>,
        %get3A_369 = vector.shape_cast %get3A_368 : vector<1x16xf32> to vector<16xf32>
        %add3A_370 = arith.addf %add3A_363, %get3A_369 : vector<16xf32>
        %add3A_371 = arith.constant 3 : i32
        %add3A_372 = arith.addi %mul3A_353, %add3A_371 : i32
        %get3A_373 = arith.index_cast %add3A_372 : i32 to index
        %get3A_374 = arith.constant 0 : index
        %get3A_375 = tpu.vector_load %arg17[%get3A_373, %get3A_374] {strides = array<i32>} : memref<640x16xf32, #tpu.memory_space<vmem>>, vector<1x16xf32>,
        %get3A_376 = vector.shape_cast %get3A_375 : vector<1x16xf32> to vector<16xf32>
        %add3A_377 = arith.addf %add3A_370, %get3A_376 : vector<16xf32>
        %add3A_378 = arith.constant 4 : i32
        %add3A_379 = arith.addi %mul3A_353, %add3A_378 : i32
        %get3A_380 = arith.index_cast %add3A_379 : i32 to index
        %get3A_381 = arith.constant 0 : index
        %get3A_382 = tpu.vector_load %arg17[%get3A_380, %get3A_381] {strides = array<i32>} : memref<640x16xf32, #tpu.memory_space<vmem>>, vector<1x16xf32>,
        %get3A_383 = vector.shape_cast %get3A_382 : vector<1x16xf32> to vector<16xf32>
        %add3A_384 = arith.addf %add3A_377, %get3A_383 : vector<16xf32>
        %add3A_385 = arith.constant 5 : i32
        %add3A_386 = arith.addi %mul3A_353, %add3A_385 : i32
        %get3A_387 = arith.index_cast %add3A_386 : i32 to index
        %get3A_388 = arith.constant 0 : index
        %get3A_389 = tpu.vector_load %arg17[%get3A_387, %get3A_388] {strides = array<i32>} : memref<640x16xf32, #tpu.memory_space<vmem>>, vector<1x16xf32>,
        %get3A_390 = vector.shape_cast %get3A_389 : vector<1x16xf32> to vector<16xf32>
        %add3A_391 = arith.addf %add3A_384, %get3A_390 : vector<16xf32>
        %add3A_392 = arith.constant 6 : i32
        %add3A_393 = arith.addi %mul3A_353, %add3A_392 : i32
        %get3A_394 = arith.index_cast %add3A_393 : i32 to index
        %get3A_395 = arith.constant 0 : index
        %get3A_396 = tpu.vector_load %arg17[%get3A_394, %get3A_395] {strides = array<i32>} : memref<640x16xf32, #tpu.memory_space<vmem>>, vector<1x16xf32>,
        %get3A_397 = vector.shape_cast %get3A_396 : vector<1x16xf32> to vector<16xf32>
        %add3A_398 = arith.addf %add3A_391, %get3A_397 : vector<16xf32>
        %add3A_399 = arith.constant 7 : i32
        %add3A_400 = arith.addi %mul3A_353, %add3A_399 : i32
        %get3A_401 = arith.index_cast %add3A_400 : i32 to index
        %get3A_402 = arith.constant 0 : index
        %get3A_403 = tpu.vector_load %arg17[%get3A_401, %get3A_402] {strides = array<i32>} : memref<640x16xf32, #tpu.memory_space<vmem>>, vector<1x16xf32>,
        %get3A_404 = vector.shape_cast %get3A_403 : vector<1x16xf32> to vector<16xf32>
        %add3A_405 = arith.addf %add3A_398, %get3A_404 : vector<16xf32>
        %add3A_406 = arith.constant 8 : i32
        %add3A_407 = arith.addi %mul3A_353, %add3A_406 : i32
        %get3A_408 = arith.index_cast %add3A_407 : i32 to index
        %get3A_409 = arith.constant 0 : index
        %get3A_410 = tpu.vector_load %arg17[%get3A_408, %get3A_409] {strides = array<i32>} : memref<640x16xf32, #tpu.memory_space<vmem>>, vector<1x16xf32>,
        %get3A_411 = vector.shape_cast %get3A_410 : vector<1x16xf32> to vector<16xf32>
        %add3A_412 = arith.addf %add3A_405, %get3A_411 : vector<16xf32>
        %add3A_413 = arith.constant 9 : i32
        %add3A_414 = arith.addi %mul3A_353, %add3A_413 : i32
        %get3A_415 = arith.index_cast %add3A_414 : i32 to index
        %get3A_416 = arith.constant 0 : index
        %get3A_417 = tpu.vector_load %arg17[%get3A_415, %get3A_416] {strides = array<i32>} : memref<640x16xf32, #tpu.memory_space<vmem>>, vector<1x16xf32>,
        %get3A_418 = vector.shape_cast %get3A_417 : vector<1x16xf32> to vector<16xf32>
        %add3A_419 = arith.addf %add3A_412, %get3A_418 : vector<16xf32>
        %add3A_420 = arith.constant 10 : i32
        %add3A_421 = arith.addi %mul3A_353, %add3A_420 : i32
        %get3A_422 = arith.index_cast %add3A_421 : i32 to index
        %get3A_423 = arith.constant 0 : index
        %get3A_424 = tpu.vector_load %arg17[%get3A_422, %get3A_423] {strides = array<i32>} : memref<640x16xf32, #tpu.memory_space<vmem>>, vector<1x16xf32>,
        %get3A_425 = vector.shape_cast %get3A_424 : vector<1x16xf32> to vector<16xf32>
        %add3A_426 = arith.addf %add3A_419, %get3A_425 : vector<16xf32>
        %add3A_427 = arith.constant 11 : i32
        %add3A_428 = arith.addi %mul3A_353, %add3A_427 : i32
        %get3A_429 = arith.index_cast %add3A_428 : i32 to index
        %get3A_430 = arith.constant 0 : index
        %get3A_431 = tpu.vector_load %arg17[%get3A_429, %get3A_430] {strides = array<i32>} : memref<640x16xf32, #tpu.memory_space<vmem>>, vector<1x16xf32>,
        %get3A_432 = vector.shape_cast %get3A_431 : vector<1x16xf32> to vector<16xf32>
        %add3A_433 = arith.addf %add3A_426, %get3A_432 : vector<16xf32>
        %add3A_434 = arith.constant 12 : i32
        %add3A_435 = arith.addi %mul3A_353, %add3A_434 : i32
        %get3A_436 = arith.index_cast %add3A_435 : i32 to index
        %get3A_437 = arith.constant 0 : index
        %get3A_438 = tpu.vector_load %arg17[%get3A_436, %get3A_437] {strides = array<i32>} : memref<640x16xf32, #tpu.memory_space<vmem>>, vector<1x16xf32>,
        %get3A_439 = vector.shape_cast %get3A_438 : vector<1x16xf32> to vector<16xf32>
        %add3A_440 = arith.addf %add3A_433, %get3A_439 : vector<16xf32>
        %add3A_441 = arith.constant 13 : i32
        %add3A_442 = arith.addi %mul3A_353, %add3A_441 : i32
        %get3A_443 = arith.index_cast %add3A_442 : i32 to index
        %get3A_444 = arith.constant 0 : index
        %get3A_445 = tpu.vector_load %arg17[%get3A_443, %get3A_444] {strides = array<i32>} : memref<640x16xf32, #tpu.memory_space<vmem>>, vector<1x16xf32>,
        %get3A_446 = vector.shape_cast %get3A_445 : vector<1x16xf32> to vector<16xf32>
        %add3A_447 = arith.addf %add3A_440, %get3A_446 : vector<16xf32>
        %add3A_448 = arith.constant 14 : i32
        %add3A_449 = arith.addi %mul3A_353, %add3A_448 : i32
        %get3A_450 = arith.index_cast %add3A_449 : i32 to index
        %get3A_451 = arith.constant 0 : index
        %get3A_452 = tpu.vector_load %arg17[%get3A_450, %get3A_451] {strides = array<i32>} : memref<640x16xf32, #tpu.memory_space<vmem>>, vector<1x16xf32>,
        %get3A_453 = vector.shape_cast %get3A_452 : vector<1x16xf32> to vector<16xf32>
        %add3A_454 = arith.addf %add3A_447, %get3A_453 : vector<16xf32>
        %add3A_455 = arith.constant 15 : i32
        %add3A_456 = arith.addi %mul3A_353, %add3A_455 : i32
        %get3A_457 = arith.index_cast %add3A_456 : i32 to index
        %get3A_458 = arith.constant 0 : index
        %get3A_459 = tpu.vector_load %arg17[%get3A_457, %get3A_458] {strides = array<i32>} : memref<640x16xf32, #tpu.memory_space<vmem>>, vector<1x16xf32>,
        %get3A_460 = vector.shape_cast %get3A_459 : vector<1x16xf32> to vector<16xf32>
        %add3A_461 = arith.addf %add3A_454, %get3A_460 : vector<16xf32>
        %add3A_462 = arith.constant 16 : i32
        %add3A_463 = arith.addi %mul3A_353, %add3A_462 : i32
        %get3A_464 = arith.index_cast %add3A_463 : i32 to index
        %get3A_465 = arith.constant 0 : index
        %get3A_466 = tpu.vector_load %arg17[%get3A_464, %get3A_465] {strides = array<i32>} : memref<640x16xf32, #tpu.memory_space<vmem>>, vector<1x16xf32>,
        %get3A_467 = vector.shape_cast %get3A_466 : vector<1x16xf32> to vector<16xf32>
        %add3A_468 = arith.addf %add3A_461, %get3A_467 : vector<16xf32>
        %add3A_469 = arith.constant 17 : i32
        %add3A_470 = arith.addi %mul3A_353, %add3A_469 : i32
        %get3A_471 = arith.index_cast %add3A_470 : i32 to index
        %get3A_472 = arith.constant 0 : index
        %get3A_473 = tpu.vector_load %arg17[%get3A_471, %get3A_472] {strides = array<i32>} : memref<640x16xf32, #tpu.memory_space<vmem>>, vector<1x16xf32>,
        %get3A_474 = vector.shape_cast %get3A_473 : vector<1x16xf32> to vector<16xf32>
        %add3A_475 = arith.addf %add3A_468, %get3A_474 : vector<16xf32>
        %add3A_476 = arith.constant 18 : i32
        %add3A_477 = arith.addi %mul3A_353, %add3A_476 : i32
        %get3A_478 = arith.index_cast %add3A_477 : i32 to index
        %get3A_479 = arith.constant 0 : index
        %get3A_480 = tpu.vector_load %arg17[%get3A_478, %get3A_479] {strides = array<i32>} : memref<640x16xf32, #tpu.memory_space<vmem>>, vector<1x16xf32>,
        %get3A_481 = vector.shape_cast %get3A_480 : vector<1x16xf32> to vector<16xf32>
        %add3A_482 = arith.addf %add3A_475, %get3A_481 : vector<16xf32>
        %add3A_483 = arith.constant 19 : i32
        %add3A_484 = arith.addi %mul3A_353, %add3A_483 : i32
        %get3A_485 = arith.index_cast %add3A_484 : i32 to index
        %get3A_486 = arith.constant 0 : index
        %get3A_487 = tpu.vector_load %arg17[%get3A_485, %get3A_486] {strides = array<i32>} : memref<640x16xf32, #tpu.memory_space<vmem>>, vector<1x16xf32>,
        %get3A_488 = vector.shape_cast %get3A_487 : vector<1x16xf32> to vector<16xf32>
        %add3A_489 = arith.addf %add3A_482, %get3A_488 : vector<16xf32>
        %swap3A = arith.index_cast %scan3A_351 : i32 to index
        %swap3A_490 = arith.constant 0 : index
        %swap3A_491 = tpu.vector_load %arg19[%swap3A, %swap3A_490] {strides = array<i32>} : memref<32x16xf32, #tpu.memory_space<vmem>>, vector<1x16xf32>,
        %swap3A_492 = vector.shape_cast %swap3A_491 : vector<1x16xf32> to vector<16xf32>
        %swap3A_493 = vector.shape_cast %add3A_489 : vector<16xf32> to vector<1x16xf32>
        tpu.vector_store %arg19[%swap3A, %swap3A_490], %swap3A_493 {strides = array<i32>} : memref<32x16xf32, #tpu.memory_space<vmem>>, vector<1x16xf32>,
      }
      %scan3A_347 = arith.constant 32 : i32
      %mul3A_348 = arith.constant 32 : i32
      %mul3A_349 = arith.muli %scan3A_176, %mul3A_348 : i32
      %add3A_350 = arith.addi %mul3A_2, %mul3A_349 : i32
      "tpu.region"() ({
        %run_scoped3A = tpu.sem_alloc : memref<!tpu.dma_semaphore, #tpu.memory_space<semaphore_mem>>
        %dma_start3A_351 = arith.constant 48 : i32
        %dma_start3A_352 = tpu.memref_slice %arg10[%add3A_350, %dma_start3A_351] : memref<16384x128xf32, #tpu.memory_space<hbm>> -> memref<32x16xf32, #tpu.memory_space<hbm>>
        %dma_start3A_353 = arith.constant 48 : i32
        %dma_start3A_354 = tpu.memref_slice %arg10[%add3A_350, %dma_start3A_353] : memref<16384x128xf32, #tpu.memory_space<hbm>> -> memref<32x16xf32, #tpu.memory_space<hbm>>
        tpu.enqueue_dma source(%arg19 : memref<32x16xf32, #tpu.memory_space<vmem>>) target(%dma_start3A_354 : memref<32x16xf32, #tpu.memory_space<hbm>>) target_semaphore(%run_scoped3A : memref<!tpu.dma_semaphore, #tpu.memory_space<semaphore_mem>>)
        %dma_wait3A_355 = arith.constant 48 : i32
        %dma_wait3A_356 = tpu.memref_slice %arg10[%add3A_350, %dma_wait3A_355] : memref<16384x128xf32, #tpu.memory_space<hbm>> -> memref<32x16xf32, #tpu.memory_space<hbm>>
        %dma_wait3A_357 = arith.constant 48 : i32
        %dma_wait3A_358 = tpu.memref_slice %arg10[%add3A_350, %dma_wait3A_357] : memref<16384x128xf32, #tpu.memory_space<hbm>> -> memref<32x16xf32, #tpu.memory_space<hbm>>
        tpu.wait_dma2 semaphore(%run_scoped3A : memref<!tpu.dma_semaphore, #tpu.memory_space<semaphore_mem>>) src(%arg19 : memref<32x16xf32, #tpu.memory_space<vmem>>) dst(%dma_wait3A_358 : memref<32x16xf32, #tpu.memory_space<hbm>>)
        tpu.yield
      }) : () -> ()
    }
    %scan3A_169 = arith.constant 16 : i32
    %scan3A_170 = arith.constant 0 : i32
    %scan3A_171 = arith.constant 0 : i32
    %scan3A_172 = arith.constant 32 : i32
    %scan3A_173 = arith.addi %scan3A_171, %scan3A_172 : i32
    %scan3A_174 = arith.constant 1 : i32
    scf.for %scan3A_176 = %scan3A_171 to %scan3A_173 step %scan3A_174  : i32 {
      %mul3A_177 = arith.constant 256 : i32
      %mul3A_178 = arith.muli %add3A, %mul3A_177 : i32
      %mul3A_179 = arith.constant 8 : i32
      %mul3A_180 = arith.muli %scan3A_176, %mul3A_179 : i32
      %add3A_181 = arith.addi %mul3A_178, %mul3A_180 : i32
      "tpu.region"() ({
        %run_scoped3A = tpu.sem_alloc : memref<!tpu.dma_semaphore, #tpu.memory_space<semaphore_mem>>
        %dma_start3A_351 = arith.constant 0 : i32
        %dma_start3A_352 = tpu.memref_slice %arg5[%add3A_181, %dma_start3A_351] : memref<8192x100xi32, #tpu.memory_space<hbm>> -> memref<8x100xi32, #tpu.memory_space<hbm>>
        %dma_start3A_353 = arith.constant 0 : i32
        %dma_start3A_354 = tpu.memref_slice %arg5[%add3A_181, %dma_start3A_353] : memref<8192x100xi32, #tpu.memory_space<hbm>> -> memref<8x100xi32, #tpu.memory_space<hbm>>
        tpu.enqueue_dma source(%dma_start3A_354 : memref<8x100xi32, #tpu.memory_space<hbm>>) target(%arg14 : memref<8x100xi32, #tpu.memory_space<vmem>>) target_semaphore(%run_scoped3A : memref<!tpu.dma_semaphore, #tpu.memory_space<semaphore_mem>>)
        %dma_wait3A_355 = arith.constant 0 : i32
        %dma_wait3A_356 = tpu.memref_slice %arg5[%add3A_181, %dma_wait3A_355] : memref<8192x100xi32, #tpu.memory_space<hbm>> -> memref<8x100xi32, #tpu.memory_space<hbm>>
        %dma_wait3A_357 = arith.constant 0 : i32
        %dma_wait3A_358 = tpu.memref_slice %arg5[%add3A_181, %dma_wait3A_357] : memref<8192x100xi32, #tpu.memory_space<hbm>> -> memref<8x100xi32, #tpu.memory_space<hbm>>
        tpu.wait_dma2 semaphore(%run_scoped3A : memref<!tpu.dma_semaphore, #tpu.memory_space<semaphore_mem>>) src(%dma_wait3A_358 : memref<8x100xi32, #tpu.memory_space<hbm>>) dst(%arg14 : memref<8x100xi32, #tpu.memory_space<vmem>>)
        tpu.yield
      }) : () -> ()
      %dma_start3A_182 = arith.constant 0 : i32
      %dma_start3A_183 = arith.constant 0 : i32
      %dma_start3A_184 = arith.constant 0 : i32
      %dma_start3A_185 = tpu.memref_slice %arg18[%dma_start3A_183, %dma_start3A_184] : memref<800x32xf32, #tpu.memory_space<vmem>> -> memref<100x32xf32, #tpu.memory_space<vmem>>
      %dma_start3A_186 = arith.constant 0 : i32
      %dma_start3A_187 = tpu.memref_slice %arg14[%dma_start3A_182, %dma_start3A_186] : memref<8x100xi32, #tpu.memory_space<vmem>> -> memref<1x100xi32, #tpu.memory_space<vmem>>
      %dma_start3A_188 = tpu.memref_squeeze %dma_start3A_187 : memref<1x100xi32, #tpu.memory_space<vmem>> -> memref<100xi32, #tpu.memory_space<vmem>>
      %dma_start3A_189 = arith.constant 0 : i32
      %dma_start3A_190 = arith.constant 0 : i32
      %dma_start3A_191 = tpu.memref_slice %arg9[%dma_start3A_189, %dma_start3A_190] : memref<1000000x32xf32, #tpu.memory_space<hbm>> -> memref<1000000x32xf32, #tpu.memory_space<hbm>>
      tpu.enqueue_indirect_dma source(%dma_start3A_191 : memref<1000000x32xf32, #tpu.memory_space<hbm>>) target(%dma_start3A_185 : memref<100x32xf32, #tpu.memory_space<vmem>>) offsets(%dma_start3A_188 : memref<100xi32, #tpu.memory_space<vmem>>) semaphore(%arg21 : memref<!tpu.dma_semaphore, #tpu.memory_space<semaphore_mem>>)
      %dma_start3A_192 = arith.constant 1 : i32
      %dma_start3A_193 = arith.constant 100 : i32
      %dma_start3A_194 = arith.constant 0 : i32
      %dma_start3A_195 = tpu.memref_slice %arg18[%dma_start3A_193, %dma_start3A_194] : memref<800x32xf32, #tpu.memory_space<vmem>> -> memref<100x32xf32, #tpu.memory_space<vmem>>
      %dma_start3A_196 = arith.constant 0 : i32
      %dma_start3A_197 = tpu.memref_slice %arg14[%dma_start3A_192, %dma_start3A_196] : memref<8x100xi32, #tpu.memory_space<vmem>> -> memref<1x100xi32, #tpu.memory_space<vmem>>
      %dma_start3A_198 = tpu.memref_squeeze %dma_start3A_197 : memref<1x100xi32, #tpu.memory_space<vmem>> -> memref<100xi32, #tpu.memory_space<vmem>>
      %dma_start3A_199 = arith.constant 0 : i32
      %dma_start3A_200 = arith.constant 0 : i32
      %dma_start3A_201 = tpu.memref_slice %arg9[%dma_start3A_199, %dma_start3A_200] : memref<1000000x32xf32, #tpu.memory_space<hbm>> -> memref<1000000x32xf32, #tpu.memory_space<hbm>>
      tpu.enqueue_indirect_dma source(%dma_start3A_201 : memref<1000000x32xf32, #tpu.memory_space<hbm>>) target(%dma_start3A_195 : memref<100x32xf32, #tpu.memory_space<vmem>>) offsets(%dma_start3A_198 : memref<100xi32, #tpu.memory_space<vmem>>) semaphore(%arg21 : memref<!tpu.dma_semaphore, #tpu.memory_space<semaphore_mem>>)
      %dma_start3A_202 = arith.constant 2 : i32
      %dma_start3A_203 = arith.constant 200 : i32
      %dma_start3A_204 = arith.constant 0 : i32
      %dma_start3A_205 = tpu.memref_slice %arg18[%dma_start3A_203, %dma_start3A_204] : memref<800x32xf32, #tpu.memory_space<vmem>> -> memref<100x32xf32, #tpu.memory_space<vmem>>
      %dma_start3A_206 = arith.constant 0 : i32
      %dma_start3A_207 = tpu.memref_slice %arg14[%dma_start3A_202, %dma_start3A_206] : memref<8x100xi32, #tpu.memory_space<vmem>> -> memref<1x100xi32, #tpu.memory_space<vmem>>
      %dma_start3A_208 = tpu.memref_squeeze %dma_start3A_207 : memref<1x100xi32, #tpu.memory_space<vmem>> -> memref<100xi32, #tpu.memory_space<vmem>>
      %dma_start3A_209 = arith.constant 0 : i32
      %dma_start3A_210 = arith.constant 0 : i32
      %dma_start3A_211 = tpu.memref_slice %arg9[%dma_start3A_209, %dma_start3A_210] : memref<1000000x32xf32, #tpu.memory_space<hbm>> -> memref<1000000x32xf32, #tpu.memory_space<hbm>>
      tpu.enqueue_indirect_dma source(%dma_start3A_211 : memref<1000000x32xf32, #tpu.memory_space<hbm>>) target(%dma_start3A_205 : memref<100x32xf32, #tpu.memory_space<vmem>>) offsets(%dma_start3A_208 : memref<100xi32, #tpu.memory_space<vmem>>) semaphore(%arg21 : memref<!tpu.dma_semaphore, #tpu.memory_space<semaphore_mem>>)
      %dma_start3A_212 = arith.constant 3 : i32
      %dma_start3A_213 = arith.constant 300 : i32
      %dma_start3A_214 = arith.constant 0 : i32
      %dma_start3A_215 = tpu.memref_slice %arg18[%dma_start3A_213, %dma_start3A_214] : memref<800x32xf32, #tpu.memory_space<vmem>> -> memref<100x32xf32, #tpu.memory_space<vmem>>
      %dma_start3A_216 = arith.constant 0 : i32
      %dma_start3A_217 = tpu.memref_slice %arg14[%dma_start3A_212, %dma_start3A_216] : memref<8x100xi32, #tpu.memory_space<vmem>> -> memref<1x100xi32, #tpu.memory_space<vmem>>
      %dma_start3A_218 = tpu.memref_squeeze %dma_start3A_217 : memref<1x100xi32, #tpu.memory_space<vmem>> -> memref<100xi32, #tpu.memory_space<vmem>>
      %dma_start3A_219 = arith.constant 0 : i32
      %dma_start3A_220 = arith.constant 0 : i32
      %dma_start3A_221 = tpu.memref_slice %arg9[%dma_start3A_219, %dma_start3A_220] : memref<1000000x32xf32, #tpu.memory_space<hbm>> -> memref<1000000x32xf32, #tpu.memory_space<hbm>>
      tpu.enqueue_indirect_dma source(%dma_start3A_221 : memref<1000000x32xf32, #tpu.memory_space<hbm>>) target(%dma_start3A_215 : memref<100x32xf32, #tpu.memory_space<vmem>>) offsets(%dma_start3A_218 : memref<100xi32, #tpu.memory_space<vmem>>) semaphore(%arg21 : memref<!tpu.dma_semaphore, #tpu.memory_space<semaphore_mem>>)
      %dma_start3A_222 = arith.constant 4 : i32
      %dma_start3A_223 = arith.constant 400 : i32
      %dma_start3A_224 = arith.constant 0 : i32
      %dma_start3A_225 = tpu.memref_slice %arg18[%dma_start3A_223, %dma_start3A_224] : memref<800x32xf32, #tpu.memory_space<vmem>> -> memref<100x32xf32, #tpu.memory_space<vmem>>
      %dma_start3A_226 = arith.constant 0 : i32
      %dma_start3A_227 = tpu.memref_slice %arg14[%dma_start3A_222, %dma_start3A_226] : memref<8x100xi32, #tpu.memory_space<vmem>> -> memref<1x100xi32, #tpu.memory_space<vmem>>
      %dma_start3A_228 = tpu.memref_squeeze %dma_start3A_227 : memref<1x100xi32, #tpu.memory_space<vmem>> -> memref<100xi32, #tpu.memory_space<vmem>>
      %dma_start3A_229 = arith.constant 0 : i32
      %dma_start3A_230 = arith.constant 0 : i32
      %dma_start3A_231 = tpu.memref_slice %arg9[%dma_start3A_229, %dma_start3A_230] : memref<1000000x32xf32, #tpu.memory_space<hbm>> -> memref<1000000x32xf32, #tpu.memory_space<hbm>>
      tpu.enqueue_indirect_dma source(%dma_start3A_231 : memref<1000000x32xf32, #tpu.memory_space<hbm>>) target(%dma_start3A_225 : memref<100x32xf32, #tpu.memory_space<vmem>>) offsets(%dma_start3A_228 : memref<100xi32, #tpu.memory_space<vmem>>) semaphore(%arg21 : memref<!tpu.dma_semaphore, #tpu.memory_space<semaphore_mem>>)
      %dma_start3A_232 = arith.constant 5 : i32
      %dma_start3A_233 = arith.constant 500 : i32
      %dma_start3A_234 = arith.constant 0 : i32
      %dma_start3A_235 = tpu.memref_slice %arg18[%dma_start3A_233, %dma_start3A_234] : memref<800x32xf32, #tpu.memory_space<vmem>> -> memref<100x32xf32, #tpu.memory_space<vmem>>
      %dma_start3A_236 = arith.constant 0 : i32
      %dma_start3A_237 = tpu.memref_slice %arg14[%dma_start3A_232, %dma_start3A_236] : memref<8x100xi32, #tpu.memory_space<vmem>> -> memref<1x100xi32, #tpu.memory_space<vmem>>
      %dma_start3A_238 = tpu.memref_squeeze %dma_start3A_237 : memref<1x100xi32, #tpu.memory_space<vmem>> -> memref<100xi32, #tpu.memory_space<vmem>>
      %dma_start3A_239 = arith.constant 0 : i32
      %dma_start3A_240 = arith.constant 0 : i32
      %dma_start3A_241 = tpu.memref_slice %arg9[%dma_start3A_239, %dma_start3A_240] : memref<1000000x32xf32, #tpu.memory_space<hbm>> -> memref<1000000x32xf32, #tpu.memory_space<hbm>>
      tpu.enqueue_indirect_dma source(%dma_start3A_241 : memref<1000000x32xf32, #tpu.memory_space<hbm>>) target(%dma_start3A_235 : memref<100x32xf32, #tpu.memory_space<vmem>>) offsets(%dma_start3A_238 : memref<100xi32, #tpu.memory_space<vmem>>) semaphore(%arg21 : memref<!tpu.dma_semaphore, #tpu.memory_space<semaphore_mem>>)
      %dma_start3A_242 = arith.constant 6 : i32
      %dma_start3A_243 = arith.constant 600 : i32
      %dma_start3A_244 = arith.constant 0 : i32
      %dma_start3A_245 = tpu.memref_slice %arg18[%dma_start3A_243, %dma_start3A_244] : memref<800x32xf32, #tpu.memory_space<vmem>> -> memref<100x32xf32, #tpu.memory_space<vmem>>
      %dma_start3A_246 = arith.constant 0 : i32
      %dma_start3A_247 = tpu.memref_slice %arg14[%dma_start3A_242, %dma_start3A_246] : memref<8x100xi32, #tpu.memory_space<vmem>> -> memref<1x100xi32, #tpu.memory_space<vmem>>
      %dma_start3A_248 = tpu.memref_squeeze %dma_start3A_247 : memref<1x100xi32, #tpu.memory_space<vmem>> -> memref<100xi32, #tpu.memory_space<vmem>>
      %dma_start3A_249 = arith.constant 0 : i32
      %dma_start3A_250 = arith.constant 0 : i32
      %dma_start3A_251 = tpu.memref_slice %arg9[%dma_start3A_249, %dma_start3A_250] : memref<1000000x32xf32, #tpu.memory_space<hbm>> -> memref<1000000x32xf32, #tpu.memory_space<hbm>>
      tpu.enqueue_indirect_dma source(%dma_start3A_251 : memref<1000000x32xf32, #tpu.memory_space<hbm>>) target(%dma_start3A_245 : memref<100x32xf32, #tpu.memory_space<vmem>>) offsets(%dma_start3A_248 : memref<100xi32, #tpu.memory_space<vmem>>) semaphore(%arg21 : memref<!tpu.dma_semaphore, #tpu.memory_space<semaphore_mem>>)
      %dma_start3A_252 = arith.constant 7 : i32
      %dma_start3A_253 = arith.constant 700 : i32
      %dma_start3A_254 = arith.constant 0 : i32
      %dma_start3A_255 = tpu.memref_slice %arg18[%dma_start3A_253, %dma_start3A_254] : memref<800x32xf32, #tpu.memory_space<vmem>> -> memref<100x32xf32, #tpu.memory_space<vmem>>
      %dma_start3A_256 = arith.constant 0 : i32
      %dma_start3A_257 = tpu.memref_slice %arg14[%dma_start3A_252, %dma_start3A_256] : memref<8x100xi32, #tpu.memory_space<vmem>> -> memref<1x100xi32, #tpu.memory_space<vmem>>
      %dma_start3A_258 = tpu.memref_squeeze %dma_start3A_257 : memref<1x100xi32, #tpu.memory_space<vmem>> -> memref<100xi32, #tpu.memory_space<vmem>>
      %dma_start3A_259 = arith.constant 0 : i32
      %dma_start3A_260 = arith.constant 0 : i32
      %dma_start3A_261 = tpu.memref_slice %arg9[%dma_start3A_259, %dma_start3A_260] : memref<1000000x32xf32, #tpu.memory_space<hbm>> -> memref<1000000x32xf32, #tpu.memory_space<hbm>>
      tpu.enqueue_indirect_dma source(%dma_start3A_261 : memref<1000000x32xf32, #tpu.memory_space<hbm>>) target(%dma_start3A_255 : memref<100x32xf32, #tpu.memory_space<vmem>>) offsets(%dma_start3A_258 : memref<100xi32, #tpu.memory_space<vmem>>) semaphore(%arg21 : memref<!tpu.dma_semaphore, #tpu.memory_space<semaphore_mem>>)
      %dma_wait3A_262 = arith.constant 0 : i32
      %dma_wait3A_263 = arith.constant 0 : i32
      %dma_wait3A_264 = arith.constant 0 : i32
      %dma_wait3A_265 = tpu.memref_slice %arg18[%dma_wait3A_263, %dma_wait3A_264] : memref<800x32xf32, #tpu.memory_space<vmem>> -> memref<100x32xf32, #tpu.memory_space<vmem>>
      %dma_wait3A_266 = arith.constant 0 : i32
      %dma_wait3A_267 = tpu.memref_slice %arg14[%dma_wait3A_262, %dma_wait3A_266] : memref<8x100xi32, #tpu.memory_space<vmem>> -> memref<1x100xi32, #tpu.memory_space<vmem>>
      %dma_wait3A_268 = tpu.memref_squeeze %dma_wait3A_267 : memref<1x100xi32, #tpu.memory_space<vmem>> -> memref<100xi32, #tpu.memory_space<vmem>>
      %dma_wait3A_269 = arith.constant 0 : i32
      %dma_wait3A_270 = arith.constant 0 : i32
      %dma_wait3A_271 = tpu.memref_slice %arg9[%dma_wait3A_269, %dma_wait3A_270] : memref<1000000x32xf32, #tpu.memory_space<hbm>> -> memref<1000000x32xf32, #tpu.memory_space<hbm>>
      tpu.wait_indirect_dma semaphore(%arg21 : memref<!tpu.dma_semaphore, #tpu.memory_space<semaphore_mem>>) src(%dma_wait3A_271 : memref<1000000x32xf32, #tpu.memory_space<hbm>>) dst(%dma_wait3A_265 : memref<100x32xf32, #tpu.memory_space<vmem>>)
      %dma_wait3A_272 = arith.constant 1 : i32
      %dma_wait3A_273 = arith.constant 100 : i32
      %dma_wait3A_274 = arith.constant 0 : i32
      %dma_wait3A_275 = tpu.memref_slice %arg18[%dma_wait3A_273, %dma_wait3A_274] : memref<800x32xf32, #tpu.memory_space<vmem>> -> memref<100x32xf32, #tpu.memory_space<vmem>>
      %dma_wait3A_276 = arith.constant 0 : i32
      %dma_wait3A_277 = tpu.memref_slice %arg14[%dma_wait3A_272, %dma_wait3A_276] : memref<8x100xi32, #tpu.memory_space<vmem>> -> memref<1x100xi32, #tpu.memory_space<vmem>>
      %dma_wait3A_278 = tpu.memref_squeeze %dma_wait3A_277 : memref<1x100xi32, #tpu.memory_space<vmem>> -> memref<100xi32, #tpu.memory_space<vmem>>
      %dma_wait3A_279 = arith.constant 0 : i32
      %dma_wait3A_280 = arith.constant 0 : i32
      %dma_wait3A_281 = tpu.memref_slice %arg9[%dma_wait3A_279, %dma_wait3A_280] : memref<1000000x32xf32, #tpu.memory_space<hbm>> -> memref<1000000x32xf32, #tpu.memory_space<hbm>>
      tpu.wait_indirect_dma semaphore(%arg21 : memref<!tpu.dma_semaphore, #tpu.memory_space<semaphore_mem>>) src(%dma_wait3A_281 : memref<1000000x32xf32, #tpu.memory_space<hbm>>) dst(%dma_wait3A_275 : memref<100x32xf32, #tpu.memory_space<vmem>>)
      %dma_wait3A_282 = arith.constant 2 : i32
      %dma_wait3A_283 = arith.constant 200 : i32
      %dma_wait3A_284 = arith.constant 0 : i32
      %dma_wait3A_285 = tpu.memref_slice %arg18[%dma_wait3A_283, %dma_wait3A_284] : memref<800x32xf32, #tpu.memory_space<vmem>> -> memref<100x32xf32, #tpu.memory_space<vmem>>
      %dma_wait3A_286 = arith.constant 0 : i32
      %dma_wait3A_287 = tpu.memref_slice %arg14[%dma_wait3A_282, %dma_wait3A_286] : memref<8x100xi32, #tpu.memory_space<vmem>> -> memref<1x100xi32, #tpu.memory_space<vmem>>
      %dma_wait3A_288 = tpu.memref_squeeze %dma_wait3A_287 : memref<1x100xi32, #tpu.memory_space<vmem>> -> memref<100xi32, #tpu.memory_space<vmem>>
      %dma_wait3A_289 = arith.constant 0 : i32
      %dma_wait3A_290 = arith.constant 0 : i32
      %dma_wait3A_291 = tpu.memref_slice %arg9[%dma_wait3A_289, %dma_wait3A_290] : memref<1000000x32xf32, #tpu.memory_space<hbm>> -> memref<1000000x32xf32, #tpu.memory_space<hbm>>
      tpu.wait_indirect_dma semaphore(%arg21 : memref<!tpu.dma_semaphore, #tpu.memory_space<semaphore_mem>>) src(%dma_wait3A_291 : memref<1000000x32xf32, #tpu.memory_space<hbm>>) dst(%dma_wait3A_285 : memref<100x32xf32, #tpu.memory_space<vmem>>)
      %dma_wait3A_292 = arith.constant 3 : i32
      %dma_wait3A_293 = arith.constant 300 : i32
      %dma_wait3A_294 = arith.constant 0 : i32
      %dma_wait3A_295 = tpu.memref_slice %arg18[%dma_wait3A_293, %dma_wait3A_294] : memref<800x32xf32, #tpu.memory_space<vmem>> -> memref<100x32xf32, #tpu.memory_space<vmem>>
      %dma_wait3A_296 = arith.constant 0 : i32
      %dma_wait3A_297 = tpu.memref_slice %arg14[%dma_wait3A_292, %dma_wait3A_296] : memref<8x100xi32, #tpu.memory_space<vmem>> -> memref<1x100xi32, #tpu.memory_space<vmem>>
      %dma_wait3A_298 = tpu.memref_squeeze %dma_wait3A_297 : memref<1x100xi32, #tpu.memory_space<vmem>> -> memref<100xi32, #tpu.memory_space<vmem>>
      %dma_wait3A_299 = arith.constant 0 : i32
      %dma_wait3A_300 = arith.constant 0 : i32
      %dma_wait3A_301 = tpu.memref_slice %arg9[%dma_wait3A_299, %dma_wait3A_300] : memref<1000000x32xf32, #tpu.memory_space<hbm>> -> memref<1000000x32xf32, #tpu.memory_space<hbm>>
      tpu.wait_indirect_dma semaphore(%arg21 : memref<!tpu.dma_semaphore, #tpu.memory_space<semaphore_mem>>) src(%dma_wait3A_301 : memref<1000000x32xf32, #tpu.memory_space<hbm>>) dst(%dma_wait3A_295 : memref<100x32xf32, #tpu.memory_space<vmem>>)
      %dma_wait3A_302 = arith.constant 4 : i32
      %dma_wait3A_303 = arith.constant 400 : i32
      %dma_wait3A_304 = arith.constant 0 : i32
      %dma_wait3A_305 = tpu.memref_slice %arg18[%dma_wait3A_303, %dma_wait3A_304] : memref<800x32xf32, #tpu.memory_space<vmem>> -> memref<100x32xf32, #tpu.memory_space<vmem>>
      %dma_wait3A_306 = arith.constant 0 : i32
      %dma_wait3A_307 = tpu.memref_slice %arg14[%dma_wait3A_302, %dma_wait3A_306] : memref<8x100xi32, #tpu.memory_space<vmem>> -> memref<1x100xi32, #tpu.memory_space<vmem>>
      %dma_wait3A_308 = tpu.memref_squeeze %dma_wait3A_307 : memref<1x100xi32, #tpu.memory_space<vmem>> -> memref<100xi32, #tpu.memory_space<vmem>>
      %dma_wait3A_309 = arith.constant 0 : i32
      %dma_wait3A_310 = arith.constant 0 : i32
      %dma_wait3A_311 = tpu.memref_slice %arg9[%dma_wait3A_309, %dma_wait3A_310] : memref<1000000x32xf32, #tpu.memory_space<hbm>> -> memref<1000000x32xf32, #tpu.memory_space<hbm>>
      tpu.wait_indirect_dma semaphore(%arg21 : memref<!tpu.dma_semaphore, #tpu.memory_space<semaphore_mem>>) src(%dma_wait3A_311 : memref<1000000x32xf32, #tpu.memory_space<hbm>>) dst(%dma_wait3A_305 : memref<100x32xf32, #tpu.memory_space<vmem>>)
      %dma_wait3A_312 = arith.constant 5 : i32
      %dma_wait3A_313 = arith.constant 500 : i32
      %dma_wait3A_314 = arith.constant 0 : i32
      %dma_wait3A_315 = tpu.memref_slice %arg18[%dma_wait3A_313, %dma_wait3A_314] : memref<800x32xf32, #tpu.memory_space<vmem>> -> memref<100x32xf32, #tpu.memory_space<vmem>>
      %dma_wait3A_316 = arith.constant 0 : i32
      %dma_wait3A_317 = tpu.memref_slice %arg14[%dma_wait3A_312, %dma_wait3A_316] : memref<8x100xi32, #tpu.memory_space<vmem>> -> memref<1x100xi32, #tpu.memory_space<vmem>>
      %dma_wait3A_318 = tpu.memref_squeeze %dma_wait3A_317 : memref<1x100xi32, #tpu.memory_space<vmem>> -> memref<100xi32, #tpu.memory_space<vmem>>
      %dma_wait3A_319 = arith.constant 0 : i32
      %dma_wait3A_320 = arith.constant 0 : i32
      %dma_wait3A_321 = tpu.memref_slice %arg9[%dma_wait3A_319, %dma_wait3A_320] : memref<1000000x32xf32, #tpu.memory_space<hbm>> -> memref<1000000x32xf32, #tpu.memory_space<hbm>>
      tpu.wait_indirect_dma semaphore(%arg21 : memref<!tpu.dma_semaphore, #tpu.memory_space<semaphore_mem>>) src(%dma_wait3A_321 : memref<1000000x32xf32, #tpu.memory_space<hbm>>) dst(%dma_wait3A_315 : memref<100x32xf32, #tpu.memory_space<vmem>>)
      %dma_wait3A_322 = arith.constant 6 : i32
      %dma_wait3A_323 = arith.constant 600 : i32
      %dma_wait3A_324 = arith.constant 0 : i32
      %dma_wait3A_325 = tpu.memref_slice %arg18[%dma_wait3A_323, %dma_wait3A_324] : memref<800x32xf32, #tpu.memory_space<vmem>> -> memref<100x32xf32, #tpu.memory_space<vmem>>
      %dma_wait3A_326 = arith.constant 0 : i32
      %dma_wait3A_327 = tpu.memref_slice %arg14[%dma_wait3A_322, %dma_wait3A_326] : memref<8x100xi32, #tpu.memory_space<vmem>> -> memref<1x100xi32, #tpu.memory_space<vmem>>
      %dma_wait3A_328 = tpu.memref_squeeze %dma_wait3A_327 : memref<1x100xi32, #tpu.memory_space<vmem>> -> memref<100xi32, #tpu.memory_space<vmem>>
      %dma_wait3A_329 = arith.constant 0 : i32
      %dma_wait3A_330 = arith.constant 0 : i32
      %dma_wait3A_331 = tpu.memref_slice %arg9[%dma_wait3A_329, %dma_wait3A_330] : memref<1000000x32xf32, #tpu.memory_space<hbm>> -> memref<1000000x32xf32, #tpu.memory_space<hbm>>
      tpu.wait_indirect_dma semaphore(%arg21 : memref<!tpu.dma_semaphore, #tpu.memory_space<semaphore_mem>>) src(%dma_wait3A_331 : memref<1000000x32xf32, #tpu.memory_space<hbm>>) dst(%dma_wait3A_325 : memref<100x32xf32, #tpu.memory_space<vmem>>)
      %dma_wait3A_332 = arith.constant 7 : i32
      %dma_wait3A_333 = arith.constant 700 : i32
      %dma_wait3A_334 = arith.constant 0 : i32
      %dma_wait3A_335 = tpu.memref_slice %arg18[%dma_wait3A_333, %dma_wait3A_334] : memref<800x32xf32, #tpu.memory_space<vmem>> -> memref<100x32xf32, #tpu.memory_space<vmem>>
      %dma_wait3A_336 = arith.constant 0 : i32
      %dma_wait3A_337 = tpu.memref_slice %arg14[%dma_wait3A_332, %dma_wait3A_336] : memref<8x100xi32, #tpu.memory_space<vmem>> -> memref<1x100xi32, #tpu.memory_space<vmem>>
      %dma_wait3A_338 = tpu.memref_squeeze %dma_wait3A_337 : memref<1x100xi32, #tpu.memory_space<vmem>> -> memref<100xi32, #tpu.memory_space<vmem>>
      %dma_wait3A_339 = arith.constant 0 : i32
      %dma_wait3A_340 = arith.constant 0 : i32
      %dma_wait3A_341 = tpu.memref_slice %arg9[%dma_wait3A_339, %dma_wait3A_340] : memref<1000000x32xf32, #tpu.memory_space<hbm>> -> memref<1000000x32xf32, #tpu.memory_space<hbm>>
      tpu.wait_indirect_dma semaphore(%arg21 : memref<!tpu.dma_semaphore, #tpu.memory_space<semaphore_mem>>) src(%dma_wait3A_341 : memref<1000000x32xf32, #tpu.memory_space<hbm>>) dst(%dma_wait3A_335 : memref<100x32xf32, #tpu.memory_space<vmem>>)
      %scan3A_342 = arith.constant 0 : i32
      %scan3A_343 = arith.constant 0 : i32
      %scan3A_344 = arith.constant 16 : i32
      %scan3A_345 = arith.addi %scan3A_343, %scan3A_344 : i32
      %scan3A_346 = arith.constant 1 : i32
      scf.for %scan3A_351 = %scan3A_343 to %scan3A_345 step %scan3A_346  : i32 {
        %mul3A_352 = arith.constant 50 : i32
        %mul3A_353 = arith.muli %scan3A_351, %mul3A_352 : i32
        %get3A = arith.index_cast %mul3A_353 : i32 to index
        %get3A_354 = arith.constant 0 : index
        %get3A_355 = tpu.vector_load %arg18[%get3A, %get3A_354] {strides = array<i32>} : memref<800x32xf32, #tpu.memory_space<vmem>>, vector<1x16xf32>,
        %get3A_356 = vector.shape_cast %get3A_355 : vector<1x16xf32> to vector<16xf32>
        %get3A_357 = arith.index_cast %mul3A_353 : i32 to index
        %get3A_358 = arith.constant 16 : index
        %get3A_359 = tpu.vector_load %arg18[%get3A_357, %get3A_358] {strides = array<i32>} : memref<800x32xf32, #tpu.memory_space<vmem>>, vector<1x16xf32>,
        %get3A_360 = vector.shape_cast %get3A_359 : vector<1x16xf32> to vector<16xf32>
        %add3A_361 = arith.constant 1 : i32
        %add3A_362 = arith.addi %mul3A_353, %add3A_361 : i32
        %get3A_363 = arith.index_cast %add3A_362 : i32 to index
        %get3A_364 = arith.constant 0 : index
        %get3A_365 = tpu.vector_load %arg18[%get3A_363, %get3A_364] {strides = array<i32>} : memref<800x32xf32, #tpu.memory_space<vmem>>, vector<1x16xf32>,
        %get3A_366 = vector.shape_cast %get3A_365 : vector<1x16xf32> to vector<16xf32>
        %add3A_367 = arith.addf %get3A_356, %get3A_366 : vector<16xf32>
        %add3A_368 = arith.constant 1 : i32
        %add3A_369 = arith.addi %mul3A_353, %add3A_368 : i32
        %get3A_370 = arith.index_cast %add3A_369 : i32 to index
        %get3A_371 = arith.constant 16 : index
        %get3A_372 = tpu.vector_load %arg18[%get3A_370, %get3A_371] {strides = array<i32>} : memref<800x32xf32, #tpu.memory_space<vmem>>, vector<1x16xf32>,
        %get3A_373 = vector.shape_cast %get3A_372 : vector<1x16xf32> to vector<16xf32>
        %add3A_374 = arith.addf %get3A_360, %get3A_373 : vector<16xf32>
        %add3A_375 = arith.constant 2 : i32
        %add3A_376 = arith.addi %mul3A_353, %add3A_375 : i32
        %get3A_377 = arith.index_cast %add3A_376 : i32 to index
        %get3A_378 = arith.constant 0 : index
        %get3A_379 = tpu.vector_load %arg18[%get3A_377, %get3A_378] {strides = array<i32>} : memref<800x32xf32, #tpu.memory_space<vmem>>, vector<1x16xf32>,
        %get3A_380 = vector.shape_cast %get3A_379 : vector<1x16xf32> to vector<16xf32>
        %add3A_381 = arith.addf %add3A_367, %get3A_380 : vector<16xf32>
        %add3A_382 = arith.constant 2 : i32
        %add3A_383 = arith.addi %mul3A_353, %add3A_382 : i32
        %get3A_384 = arith.index_cast %add3A_383 : i32 to index
        %get3A_385 = arith.constant 16 : index
        %get3A_386 = tpu.vector_load %arg18[%get3A_384, %get3A_385] {strides = array<i32>} : memref<800x32xf32, #tpu.memory_space<vmem>>, vector<1x16xf32>,
        %get3A_387 = vector.shape_cast %get3A_386 : vector<1x16xf32> to vector<16xf32>
        %add3A_388 = arith.addf %add3A_374, %get3A_387 : vector<16xf32>
        %add3A_389 = arith.constant 3 : i32
        %add3A_390 = arith.addi %mul3A_353, %add3A_389 : i32
        %get3A_391 = arith.index_cast %add3A_390 : i32 to index
        %get3A_392 = arith.constant 0 : index
        %get3A_393 = tpu.vector_load %arg18[%get3A_391, %get3A_392] {strides = array<i32>} : memref<800x32xf32, #tpu.memory_space<vmem>>, vector<1x16xf32>,
        %get3A_394 = vector.shape_cast %get3A_393 : vector<1x16xf32> to vector<16xf32>
        %add3A_395 = arith.addf %add3A_381, %get3A_394 : vector<16xf32>
        %add3A_396 = arith.constant 3 : i32
        %add3A_397 = arith.addi %mul3A_353, %add3A_396 : i32
        %get3A_398 = arith.index_cast %add3A_397 : i32 to index
        %get3A_399 = arith.constant 16 : index
        %get3A_400 = tpu.vector_load %arg18[%get3A_398, %get3A_399] {strides = array<i32>} : memref<800x32xf32, #tpu.memory_space<vmem>>, vector<1x16xf32>,
        %get3A_401 = vector.shape_cast %get3A_400 : vector<1x16xf32> to vector<16xf32>
        %add3A_402 = arith.addf %add3A_388, %get3A_401 : vector<16xf32>
        %add3A_403 = arith.constant 4 : i32
        %add3A_404 = arith.addi %mul3A_353, %add3A_403 : i32
        %get3A_405 = arith.index_cast %add3A_404 : i32 to index
        %get3A_406 = arith.constant 0 : index
        %get3A_407 = tpu.vector_load %arg18[%get3A_405, %get3A_406] {strides = array<i32>} : memref<800x32xf32, #tpu.memory_space<vmem>>, vector<1x16xf32>,
        %get3A_408 = vector.shape_cast %get3A_407 : vector<1x16xf32> to vector<16xf32>
        %add3A_409 = arith.addf %add3A_395, %get3A_408 : vector<16xf32>
        %add3A_410 = arith.constant 4 : i32
        %add3A_411 = arith.addi %mul3A_353, %add3A_410 : i32
        %get3A_412 = arith.index_cast %add3A_411 : i32 to index
        %get3A_413 = arith.constant 16 : index
        %get3A_414 = tpu.vector_load %arg18[%get3A_412, %get3A_413] {strides = array<i32>} : memref<800x32xf32, #tpu.memory_space<vmem>>, vector<1x16xf32>,
        %get3A_415 = vector.shape_cast %get3A_414 : vector<1x16xf32> to vector<16xf32>
        %add3A_416 = arith.addf %add3A_402, %get3A_415 : vector<16xf32>
        %add3A_417 = arith.constant 5 : i32
        %add3A_418 = arith.addi %mul3A_353, %add3A_417 : i32
        %get3A_419 = arith.index_cast %add3A_418 : i32 to index
        %get3A_420 = arith.constant 0 : index
        %get3A_421 = tpu.vector_load %arg18[%get3A_419, %get3A_420] {strides = array<i32>} : memref<800x32xf32, #tpu.memory_space<vmem>>, vector<1x16xf32>,
        %get3A_422 = vector.shape_cast %get3A_421 : vector<1x16xf32> to vector<16xf32>
        %add3A_423 = arith.addf %add3A_409, %get3A_422 : vector<16xf32>
        %add3A_424 = arith.constant 5 : i32
        %add3A_425 = arith.addi %mul3A_353, %add3A_424 : i32
        %get3A_426 = arith.index_cast %add3A_425 : i32 to index
        %get3A_427 = arith.constant 16 : index
        %get3A_428 = tpu.vector_load %arg18[%get3A_426, %get3A_427] {strides = array<i32>} : memref<800x32xf32, #tpu.memory_space<vmem>>, vector<1x16xf32>,
        %get3A_429 = vector.shape_cast %get3A_428 : vector<1x16xf32> to vector<16xf32>
        %add3A_430 = arith.addf %add3A_416, %get3A_429 : vector<16xf32>
        %add3A_431 = arith.constant 6 : i32
        %add3A_432 = arith.addi %mul3A_353, %add3A_431 : i32
        %get3A_433 = arith.index_cast %add3A_432 : i32 to index
        %get3A_434 = arith.constant 0 : index
        %get3A_435 = tpu.vector_load %arg18[%get3A_433, %get3A_434] {strides = array<i32>} : memref<800x32xf32, #tpu.memory_space<vmem>>, vector<1x16xf32>,
        %get3A_436 = vector.shape_cast %get3A_435 : vector<1x16xf32> to vector<16xf32>
        %add3A_437 = arith.addf %add3A_423, %get3A_436 : vector<16xf32>
        %add3A_438 = arith.constant 6 : i32
        %add3A_439 = arith.addi %mul3A_353, %add3A_438 : i32
        %get3A_440 = arith.index_cast %add3A_439 : i32 to index
        %get3A_441 = arith.constant 16 : index
        %get3A_442 = tpu.vector_load %arg18[%get3A_440, %get3A_441] {strides = array<i32>} : memref<800x32xf32, #tpu.memory_space<vmem>>, vector<1x16xf32>,
        %get3A_443 = vector.shape_cast %get3A_442 : vector<1x16xf32> to vector<16xf32>
        %add3A_444 = arith.addf %add3A_430, %get3A_443 : vector<16xf32>
        %add3A_445 = arith.constant 7 : i32
        %add3A_446 = arith.addi %mul3A_353, %add3A_445 : i32
        %get3A_447 = arith.index_cast %add3A_446 : i32 to index
        %get3A_448 = arith.constant 0 : index
        %get3A_449 = tpu.vector_load %arg18[%get3A_447, %get3A_448] {strides = array<i32>} : memref<800x32xf32, #tpu.memory_space<vmem>>, vector<1x16xf32>,
        %get3A_450 = vector.shape_cast %get3A_449 : vector<1x16xf32> to vector<16xf32>
        %add3A_451 = arith.addf %add3A_437, %get3A_450 : vector<16xf32>
        %add3A_452 = arith.constant 7 : i32
        %add3A_453 = arith.addi %mul3A_353, %add3A_452 : i32
        %get3A_454 = arith.index_cast %add3A_453 : i32 to index
        %get3A_455 = arith.constant 16 : index
        %get3A_456 = tpu.vector_load %arg18[%get3A_454, %get3A_455] {strides = array<i32>} : memref<800x32xf32, #tpu.memory_space<vmem>>, vector<1x16xf32>,
        %get3A_457 = vector.shape_cast %get3A_456 : vector<1x16xf32> to vector<16xf32>
        %add3A_458 = arith.addf %add3A_444, %get3A_457 : vector<16xf32>
        %add3A_459 = arith.constant 8 : i32
        %add3A_460 = arith.addi %mul3A_353, %add3A_459 : i32
        %get3A_461 = arith.index_cast %add3A_460 : i32 to index
        %get3A_462 = arith.constant 0 : index
        %get3A_463 = tpu.vector_load %arg18[%get3A_461, %get3A_462] {strides = array<i32>} : memref<800x32xf32, #tpu.memory_space<vmem>>, vector<1x16xf32>,
        %get3A_464 = vector.shape_cast %get3A_463 : vector<1x16xf32> to vector<16xf32>
        %add3A_465 = arith.addf %add3A_451, %get3A_464 : vector<16xf32>
        %add3A_466 = arith.constant 8 : i32
        %add3A_467 = arith.addi %mul3A_353, %add3A_466 : i32
        %get3A_468 = arith.index_cast %add3A_467 : i32 to index
        %get3A_469 = arith.constant 16 : index
        %get3A_470 = tpu.vector_load %arg18[%get3A_468, %get3A_469] {strides = array<i32>} : memref<800x32xf32, #tpu.memory_space<vmem>>, vector<1x16xf32>,
        %get3A_471 = vector.shape_cast %get3A_470 : vector<1x16xf32> to vector<16xf32>
        %add3A_472 = arith.addf %add3A_458, %get3A_471 : vector<16xf32>
        %add3A_473 = arith.constant 9 : i32
        %add3A_474 = arith.addi %mul3A_353, %add3A_473 : i32
        %get3A_475 = arith.index_cast %add3A_474 : i32 to index
        %get3A_476 = arith.constant 0 : index
        %get3A_477 = tpu.vector_load %arg18[%get3A_475, %get3A_476] {strides = array<i32>} : memref<800x32xf32, #tpu.memory_space<vmem>>, vector<1x16xf32>,
        %get3A_478 = vector.shape_cast %get3A_477 : vector<1x16xf32> to vector<16xf32>
        %add3A_479 = arith.addf %add3A_465, %get3A_478 : vector<16xf32>
        %add3A_480 = arith.constant 9 : i32
        %add3A_481 = arith.addi %mul3A_353, %add3A_480 : i32
        %get3A_482 = arith.index_cast %add3A_481 : i32 to index
        %get3A_483 = arith.constant 16 : index
        %get3A_484 = tpu.vector_load %arg18[%get3A_482, %get3A_483] {strides = array<i32>} : memref<800x32xf32, #tpu.memory_space<vmem>>, vector<1x16xf32>,
        %get3A_485 = vector.shape_cast %get3A_484 : vector<1x16xf32> to vector<16xf32>
        %add3A_486 = arith.addf %add3A_472, %get3A_485 : vector<16xf32>
        %add3A_487 = arith.constant 10 : i32
        %add3A_488 = arith.addi %mul3A_353, %add3A_487 : i32
        %get3A_489 = arith.index_cast %add3A_488 : i32 to index
        %get3A_490 = arith.constant 0 : index
        %get3A_491 = tpu.vector_load %arg18[%get3A_489, %get3A_490] {strides = array<i32>} : memref<800x32xf32, #tpu.memory_space<vmem>>, vector<1x16xf32>,
        %get3A_492 = vector.shape_cast %get3A_491 : vector<1x16xf32> to vector<16xf32>
        %add3A_493 = arith.addf %add3A_479, %get3A_492 : vector<16xf32>
        %add3A_494 = arith.constant 10 : i32
        %add3A_495 = arith.addi %mul3A_353, %add3A_494 : i32
        %get3A_496 = arith.index_cast %add3A_495 : i32 to index
        %get3A_497 = arith.constant 16 : index
        %get3A_498 = tpu.vector_load %arg18[%get3A_496, %get3A_497] {strides = array<i32>} : memref<800x32xf32, #tpu.memory_space<vmem>>, vector<1x16xf32>,
        %get3A_499 = vector.shape_cast %get3A_498 : vector<1x16xf32> to vector<16xf32>
        %add3A_500 = arith.addf %add3A_486, %get3A_499 : vector<16xf32>
        %add3A_501 = arith.constant 11 : i32
        %add3A_502 = arith.addi %mul3A_353, %add3A_501 : i32
        %get3A_503 = arith.index_cast %add3A_502 : i32 to index
        %get3A_504 = arith.constant 0 : index
        %get3A_505 = tpu.vector_load %arg18[%get3A_503, %get3A_504] {strides = array<i32>} : memref<800x32xf32, #tpu.memory_space<vmem>>, vector<1x16xf32>,
        %get3A_506 = vector.shape_cast %get3A_505 : vector<1x16xf32> to vector<16xf32>
        %add3A_507 = arith.addf %add3A_493, %get3A_506 : vector<16xf32>
        %add3A_508 = arith.constant 11 : i32
        %add3A_509 = arith.addi %mul3A_353, %add3A_508 : i32
        %get3A_510 = arith.index_cast %add3A_509 : i32 to index
        %get3A_511 = arith.constant 16 : index
        %get3A_512 = tpu.vector_load %arg18[%get3A_510, %get3A_511] {strides = array<i32>} : memref<800x32xf32, #tpu.memory_space<vmem>>, vector<1x16xf32>,
        %get3A_513 = vector.shape_cast %get3A_512 : vector<1x16xf32> to vector<16xf32>
        %add3A_514 = arith.addf %add3A_500, %get3A_513 : vector<16xf32>
        %add3A_515 = arith.constant 12 : i32
        %add3A_516 = arith.addi %mul3A_353, %add3A_515 : i32
        %get3A_517 = arith.index_cast %add3A_516 : i32 to index
        %get3A_518 = arith.constant 0 : index
        %get3A_519 = tpu.vector_load %arg18[%get3A_517, %get3A_518] {strides = array<i32>} : memref<800x32xf32, #tpu.memory_space<vmem>>, vector<1x16xf32>,
        %get3A_520 = vector.shape_cast %get3A_519 : vector<1x16xf32> to vector<16xf32>
        %add3A_521 = arith.addf %add3A_507, %get3A_520 : vector<16xf32>
        %add3A_522 = arith.constant 12 : i32
        %add3A_523 = arith.addi %mul3A_353, %add3A_522 : i32
        %get3A_524 = arith.index_cast %add3A_523 : i32 to index
        %get3A_525 = arith.constant 16 : index
        %get3A_526 = tpu.vector_load %arg18[%get3A_524, %get3A_525] {strides = array<i32>} : memref<800x32xf32, #tpu.memory_space<vmem>>, vector<1x16xf32>,
        %get3A_527 = vector.shape_cast %get3A_526 : vector<1x16xf32> to vector<16xf32>
        %add3A_528 = arith.addf %add3A_514, %get3A_527 : vector<16xf32>
        %add3A_529 = arith.constant 13 : i32
        %add3A_530 = arith.addi %mul3A_353, %add3A_529 : i32
        %get3A_531 = arith.index_cast %add3A_530 : i32 to index
        %get3A_532 = arith.constant 0 : index
        %get3A_533 = tpu.vector_load %arg18[%get3A_531, %get3A_532] {strides = array<i32>} : memref<800x32xf32, #tpu.memory_space<vmem>>, vector<1x16xf32>,
        %get3A_534 = vector.shape_cast %get3A_533 : vector<1x16xf32> to vector<16xf32>
        %add3A_535 = arith.addf %add3A_521, %get3A_534 : vector<16xf32>
        %add3A_536 = arith.constant 13 : i32
        %add3A_537 = arith.addi %mul3A_353, %add3A_536 : i32
        %get3A_538 = arith.index_cast %add3A_537 : i32 to index
        %get3A_539 = arith.constant 16 : index
        %get3A_540 = tpu.vector_load %arg18[%get3A_538, %get3A_539] {strides = array<i32>} : memref<800x32xf32, #tpu.memory_space<vmem>>, vector<1x16xf32>,
        %get3A_541 = vector.shape_cast %get3A_540 : vector<1x16xf32> to vector<16xf32>
        %add3A_542 = arith.addf %add3A_528, %get3A_541 : vector<16xf32>
        %add3A_543 = arith.constant 14 : i32
        %add3A_544 = arith.addi %mul3A_353, %add3A_543 : i32
        %get3A_545 = arith.index_cast %add3A_544 : i32 to index
        %get3A_546 = arith.constant 0 : index
        %get3A_547 = tpu.vector_load %arg18[%get3A_545, %get3A_546] {strides = array<i32>} : memref<800x32xf32, #tpu.memory_space<vmem>>, vector<1x16xf32>,
        %get3A_548 = vector.shape_cast %get3A_547 : vector<1x16xf32> to vector<16xf32>
        %add3A_549 = arith.addf %add3A_535, %get3A_548 : vector<16xf32>
        %add3A_550 = arith.constant 14 : i32
        %add3A_551 = arith.addi %mul3A_353, %add3A_550 : i32
        %get3A_552 = arith.index_cast %add3A_551 : i32 to index
        %get3A_553 = arith.constant 16 : index
        %get3A_554 = tpu.vector_load %arg18[%get3A_552, %get3A_553] {strides = array<i32>} : memref<800x32xf32, #tpu.memory_space<vmem>>, vector<1x16xf32>,
        %get3A_555 = vector.shape_cast %get3A_554 : vector<1x16xf32> to vector<16xf32>
        %add3A_556 = arith.addf %add3A_542, %get3A_555 : vector<16xf32>
        %add3A_557 = arith.constant 15 : i32
        %add3A_558 = arith.addi %mul3A_353, %add3A_557 : i32
        %get3A_559 = arith.index_cast %add3A_558 : i32 to index
        %get3A_560 = arith.constant 0 : index
        %get3A_561 = tpu.vector_load %arg18[%get3A_559, %get3A_560] {strides = array<i32>} : memref<800x32xf32, #tpu.memory_space<vmem>>, vector<1x16xf32>,
        %get3A_562 = vector.shape_cast %get3A_561 : vector<1x16xf32> to vector<16xf32>
        %add3A_563 = arith.addf %add3A_549, %get3A_562 : vector<16xf32>
        %add3A_564 = arith.constant 15 : i32
        %add3A_565 = arith.addi %mul3A_353, %add3A_564 : i32
        %get3A_566 = arith.index_cast %add3A_565 : i32 to index
        %get3A_567 = arith.constant 16 : index
        %get3A_568 = tpu.vector_load %arg18[%get3A_566, %get3A_567] {strides = array<i32>} : memref<800x32xf32, #tpu.memory_space<vmem>>, vector<1x16xf32>,
        %get3A_569 = vector.shape_cast %get3A_568 : vector<1x16xf32> to vector<16xf32>
        %add3A_570 = arith.addf %add3A_556, %get3A_569 : vector<16xf32>
        %add3A_571 = arith.constant 16 : i32
        %add3A_572 = arith.addi %mul3A_353, %add3A_571 : i32
        %get3A_573 = arith.index_cast %add3A_572 : i32 to index
        %get3A_574 = arith.constant 0 : index
        %get3A_575 = tpu.vector_load %arg18[%get3A_573, %get3A_574] {strides = array<i32>} : memref<800x32xf32, #tpu.memory_space<vmem>>, vector<1x16xf32>,
        %get3A_576 = vector.shape_cast %get3A_575 : vector<1x16xf32> to vector<16xf32>
        %add3A_577 = arith.addf %add3A_563, %get3A_576 : vector<16xf32>
        %add3A_578 = arith.constant 16 : i32
        %add3A_579 = arith.addi %mul3A_353, %add3A_578 : i32
        %get3A_580 = arith.index_cast %add3A_579 : i32 to index
        %get3A_581 = arith.constant 16 : index
        %get3A_582 = tpu.vector_load %arg18[%get3A_580, %get3A_581] {strides = array<i32>} : memref<800x32xf32, #tpu.memory_space<vmem>>, vector<1x16xf32>,
        %get3A_583 = vector.shape_cast %get3A_582 : vector<1x16xf32> to vector<16xf32>
        %add3A_584 = arith.addf %add3A_570, %get3A_583 : vector<16xf32>
        %add3A_585 = arith.constant 17 : i32
        %add3A_586 = arith.addi %mul3A_353, %add3A_585 : i32
        %get3A_587 = arith.index_cast %add3A_586 : i32 to index
        %get3A_588 = arith.constant 0 : index
        %get3A_589 = tpu.vector_load %arg18[%get3A_587, %get3A_588] {strides = array<i32>} : memref<800x32xf32, #tpu.memory_space<vmem>>, vector<1x16xf32>,
        %get3A_590 = vector.shape_cast %get3A_589 : vector<1x16xf32> to vector<16xf32>
        %add3A_591 = arith.addf %add3A_577, %get3A_590 : vector<16xf32>
        %add3A_592 = arith.constant 17 : i32
        %add3A_593 = arith.addi %mul3A_353, %add3A_592 : i32
        %get3A_594 = arith.index_cast %add3A_593 : i32 to index
        %get3A_595 = arith.constant 16 : index
        %get3A_596 = tpu.vector_load %arg18[%get3A_594, %get3A_595] {strides = array<i32>} : memref<800x32xf32, #tpu.memory_space<vmem>>, vector<1x16xf32>,
        %get3A_597 = vector.shape_cast %get3A_596 : vector<1x16xf32> to vector<16xf32>
        %add3A_598 = arith.addf %add3A_584, %get3A_597 : vector<16xf32>
        %add3A_599 = arith.constant 18 : i32
        %add3A_600 = arith.addi %mul3A_353, %add3A_599 : i32
        %get3A_601 = arith.index_cast %add3A_600 : i32 to index
        %get3A_602 = arith.constant 0 : index
        %get3A_603 = tpu.vector_load %arg18[%get3A_601, %get3A_602] {strides = array<i32>} : memref<800x32xf32, #tpu.memory_space<vmem>>, vector<1x16xf32>,
        %get3A_604 = vector.shape_cast %get3A_603 : vector<1x16xf32> to vector<16xf32>
        %add3A_605 = arith.addf %add3A_591, %get3A_604 : vector<16xf32>
        %add3A_606 = arith.constant 18 : i32
        %add3A_607 = arith.addi %mul3A_353, %add3A_606 : i32
        %get3A_608 = arith.index_cast %add3A_607 : i32 to index
        %get3A_609 = arith.constant 16 : index
        %get3A_610 = tpu.vector_load %arg18[%get3A_608, %get3A_609] {strides = array<i32>} : memref<800x32xf32, #tpu.memory_space<vmem>>, vector<1x16xf32>,
        %get3A_611 = vector.shape_cast %get3A_610 : vector<1x16xf32> to vector<16xf32>
        %add3A_612 = arith.addf %add3A_598, %get3A_611 : vector<16xf32>
        %add3A_613 = arith.constant 19 : i32
        %add3A_614 = arith.addi %mul3A_353, %add3A_613 : i32
        %get3A_615 = arith.index_cast %add3A_614 : i32 to index
        %get3A_616 = arith.constant 0 : index
        %get3A_617 = tpu.vector_load %arg18[%get3A_615, %get3A_616] {strides = array<i32>} : memref<800x32xf32, #tpu.memory_space<vmem>>, vector<1x16xf32>,
        %get3A_618 = vector.shape_cast %get3A_617 : vector<1x16xf32> to vector<16xf32>
        %add3A_619 = arith.addf %add3A_605, %get3A_618 : vector<16xf32>
        %add3A_620 = arith.constant 19 : i32
        %add3A_621 = arith.addi %mul3A_353, %add3A_620 : i32
        %get3A_622 = arith.index_cast %add3A_621 : i32 to index
        %get3A_623 = arith.constant 16 : index
        %get3A_624 = tpu.vector_load %arg18[%get3A_622, %get3A_623] {strides = array<i32>} : memref<800x32xf32, #tpu.memory_space<vmem>>, vector<1x16xf32>,
        %get3A_625 = vector.shape_cast %get3A_624 : vector<1x16xf32> to vector<16xf32>
        %add3A_626 = arith.addf %add3A_612, %get3A_625 : vector<16xf32>
        %add3A_627 = arith.constant 20 : i32
        %add3A_628 = arith.addi %mul3A_353, %add3A_627 : i32
        %get3A_629 = arith.index_cast %add3A_628 : i32 to index
        %get3A_630 = arith.constant 0 : index
        %get3A_631 = tpu.vector_load %arg18[%get3A_629, %get3A_630] {strides = array<i32>} : memref<800x32xf32, #tpu.memory_space<vmem>>, vector<1x16xf32>,
        %get3A_632 = vector.shape_cast %get3A_631 : vector<1x16xf32> to vector<16xf32>
        %add3A_633 = arith.addf %add3A_619, %get3A_632 : vector<16xf32>
        %add3A_634 = arith.constant 20 : i32
        %add3A_635 = arith.addi %mul3A_353, %add3A_634 : i32
        %get3A_636 = arith.index_cast %add3A_635 : i32 to index
        %get3A_637 = arith.constant 16 : index
        %get3A_638 = tpu.vector_load %arg18[%get3A_636, %get3A_637] {strides = array<i32>} : memref<800x32xf32, #tpu.memory_space<vmem>>, vector<1x16xf32>,
        %get3A_639 = vector.shape_cast %get3A_638 : vector<1x16xf32> to vector<16xf32>
        %add3A_640 = arith.addf %add3A_626, %get3A_639 : vector<16xf32>
        %add3A_641 = arith.constant 21 : i32
        %add3A_642 = arith.addi %mul3A_353, %add3A_641 : i32
        %get3A_643 = arith.index_cast %add3A_642 : i32 to index
        %get3A_644 = arith.constant 0 : index
        %get3A_645 = tpu.vector_load %arg18[%get3A_643, %get3A_644] {strides = array<i32>} : memref<800x32xf32, #tpu.memory_space<vmem>>, vector<1x16xf32>,
        %get3A_646 = vector.shape_cast %get3A_645 : vector<1x16xf32> to vector<16xf32>
        %add3A_647 = arith.addf %add3A_633, %get3A_646 : vector<16xf32>
        %add3A_648 = arith.constant 21 : i32
        %add3A_649 = arith.addi %mul3A_353, %add3A_648 : i32
        %get3A_650 = arith.index_cast %add3A_649 : i32 to index
        %get3A_651 = arith.constant 16 : index
        %get3A_652 = tpu.vector_load %arg18[%get3A_650, %get3A_651] {strides = array<i32>} : memref<800x32xf32, #tpu.memory_space<vmem>>, vector<1x16xf32>,
        %get3A_653 = vector.shape_cast %get3A_652 : vector<1x16xf32> to vector<16xf32>
        %add3A_654 = arith.addf %add3A_640, %get3A_653 : vector<16xf32>
        %add3A_655 = arith.constant 22 : i32
        %add3A_656 = arith.addi %mul3A_353, %add3A_655 : i32
        %get3A_657 = arith.index_cast %add3A_656 : i32 to index
        %get3A_658 = arith.constant 0 : index
        %get3A_659 = tpu.vector_load %arg18[%get3A_657, %get3A_658] {strides = array<i32>} : memref<800x32xf32, #tpu.memory_space<vmem>>, vector<1x16xf32>,
        %get3A_660 = vector.shape_cast %get3A_659 : vector<1x16xf32> to vector<16xf32>
        %add3A_661 = arith.addf %add3A_647, %get3A_660 : vector<16xf32>
        %add3A_662 = arith.constant 22 : i32
        %add3A_663 = arith.addi %mul3A_353, %add3A_662 : i32
        %get3A_664 = arith.index_cast %add3A_663 : i32 to index
        %get3A_665 = arith.constant 16 : index
        %get3A_666 = tpu.vector_load %arg18[%get3A_664, %get3A_665] {strides = array<i32>} : memref<800x32xf32, #tpu.memory_space<vmem>>, vector<1x16xf32>,
        %get3A_667 = vector.shape_cast %get3A_666 : vector<1x16xf32> to vector<16xf32>
        %add3A_668 = arith.addf %add3A_654, %get3A_667 : vector<16xf32>
        %add3A_669 = arith.constant 23 : i32
        %add3A_670 = arith.addi %mul3A_353, %add3A_669 : i32
        %get3A_671 = arith.index_cast %add3A_670 : i32 to index
        %get3A_672 = arith.constant 0 : index
        %get3A_673 = tpu.vector_load %arg18[%get3A_671, %get3A_672] {strides = array<i32>} : memref<800x32xf32, #tpu.memory_space<vmem>>, vector<1x16xf32>,
        %get3A_674 = vector.shape_cast %get3A_673 : vector<1x16xf32> to vector<16xf32>
        %add3A_675 = arith.addf %add3A_661, %get3A_674 : vector<16xf32>
        %add3A_676 = arith.constant 23 : i32
        %add3A_677 = arith.addi %mul3A_353, %add3A_676 : i32
        %get3A_678 = arith.index_cast %add3A_677 : i32 to index
        %get3A_679 = arith.constant 16 : index
        %get3A_680 = tpu.vector_load %arg18[%get3A_678, %get3A_679] {strides = array<i32>} : memref<800x32xf32, #tpu.memory_space<vmem>>, vector<1x16xf32>,
        %get3A_681 = vector.shape_cast %get3A_680 : vector<1x16xf32> to vector<16xf32>
        %add3A_682 = arith.addf %add3A_668, %get3A_681 : vector<16xf32>
        %add3A_683 = arith.constant 24 : i32
        %add3A_684 = arith.addi %mul3A_353, %add3A_683 : i32
        %get3A_685 = arith.index_cast %add3A_684 : i32 to index
        %get3A_686 = arith.constant 0 : index
        %get3A_687 = tpu.vector_load %arg18[%get3A_685, %get3A_686] {strides = array<i32>} : memref<800x32xf32, #tpu.memory_space<vmem>>, vector<1x16xf32>,
        %get3A_688 = vector.shape_cast %get3A_687 : vector<1x16xf32> to vector<16xf32>
        %add3A_689 = arith.addf %add3A_675, %get3A_688 : vector<16xf32>
        %add3A_690 = arith.constant 24 : i32
        %add3A_691 = arith.addi %mul3A_353, %add3A_690 : i32
        %get3A_692 = arith.index_cast %add3A_691 : i32 to index
        %get3A_693 = arith.constant 16 : index
        %get3A_694 = tpu.vector_load %arg18[%get3A_692, %get3A_693] {strides = array<i32>} : memref<800x32xf32, #tpu.memory_space<vmem>>, vector<1x16xf32>,
        %get3A_695 = vector.shape_cast %get3A_694 : vector<1x16xf32> to vector<16xf32>
        %add3A_696 = arith.addf %add3A_682, %get3A_695 : vector<16xf32>
        %add3A_697 = arith.constant 25 : i32
        %add3A_698 = arith.addi %mul3A_353, %add3A_697 : i32
        %get3A_699 = arith.index_cast %add3A_698 : i32 to index
        %get3A_700 = arith.constant 0 : index
        %get3A_701 = tpu.vector_load %arg18[%get3A_699, %get3A_700] {strides = array<i32>} : memref<800x32xf32, #tpu.memory_space<vmem>>, vector<1x16xf32>,
        %get3A_702 = vector.shape_cast %get3A_701 : vector<1x16xf32> to vector<16xf32>
        %add3A_703 = arith.addf %add3A_689, %get3A_702 : vector<16xf32>
        %add3A_704 = arith.constant 25 : i32
        %add3A_705 = arith.addi %mul3A_353, %add3A_704 : i32
        %get3A_706 = arith.index_cast %add3A_705 : i32 to index
        %get3A_707 = arith.constant 16 : index
        %get3A_708 = tpu.vector_load %arg18[%get3A_706, %get3A_707] {strides = array<i32>} : memref<800x32xf32, #tpu.memory_space<vmem>>, vector<1x16xf32>,
        %get3A_709 = vector.shape_cast %get3A_708 : vector<1x16xf32> to vector<16xf32>
        %add3A_710 = arith.addf %add3A_696, %get3A_709 : vector<16xf32>
        %add3A_711 = arith.constant 26 : i32
        %add3A_712 = arith.addi %mul3A_353, %add3A_711 : i32
        %get3A_713 = arith.index_cast %add3A_712 : i32 to index
        %get3A_714 = arith.constant 0 : index
        %get3A_715 = tpu.vector_load %arg18[%get3A_713, %get3A_714] {strides = array<i32>} : memref<800x32xf32, #tpu.memory_space<vmem>>, vector<1x16xf32>,
        %get3A_716 = vector.shape_cast %get3A_715 : vector<1x16xf32> to vector<16xf32>
        %add3A_717 = arith.addf %add3A_703, %get3A_716 : vector<16xf32>
        %add3A_718 = arith.constant 26 : i32
        %add3A_719 = arith.addi %mul3A_353, %add3A_718 : i32
        %get3A_720 = arith.index_cast %add3A_719 : i32 to index
        %get3A_721 = arith.constant 16 : index
        %get3A_722 = tpu.vector_load %arg18[%get3A_720, %get3A_721] {strides = array<i32>} : memref<800x32xf32, #tpu.memory_space<vmem>>, vector<1x16xf32>,
        %get3A_723 = vector.shape_cast %get3A_722 : vector<1x16xf32> to vector<16xf32>
        %add3A_724 = arith.addf %add3A_710, %get3A_723 : vector<16xf32>
        %add3A_725 = arith.constant 27 : i32
        %add3A_726 = arith.addi %mul3A_353, %add3A_725 : i32
        %get3A_727 = arith.index_cast %add3A_726 : i32 to index
        %get3A_728 = arith.constant 0 : index
        %get3A_729 = tpu.vector_load %arg18[%get3A_727, %get3A_728] {strides = array<i32>} : memref<800x32xf32, #tpu.memory_space<vmem>>, vector<1x16xf32>,
        %get3A_730 = vector.shape_cast %get3A_729 : vector<1x16xf32> to vector<16xf32>
        %add3A_731 = arith.addf %add3A_717, %get3A_730 : vector<16xf32>
        %add3A_732 = arith.constant 27 : i32
        %add3A_733 = arith.addi %mul3A_353, %add3A_732 : i32
        %get3A_734 = arith.index_cast %add3A_733 : i32 to index
        %get3A_735 = arith.constant 16 : index
        %get3A_736 = tpu.vector_load %arg18[%get3A_734, %get3A_735] {strides = array<i32>} : memref<800x32xf32, #tpu.memory_space<vmem>>, vector<1x16xf32>,
        %get3A_737 = vector.shape_cast %get3A_736 : vector<1x16xf32> to vector<16xf32>
        %add3A_738 = arith.addf %add3A_724, %get3A_737 : vector<16xf32>
        %add3A_739 = arith.constant 28 : i32
        %add3A_740 = arith.addi %mul3A_353, %add3A_739 : i32
        %get3A_741 = arith.index_cast %add3A_740 : i32 to index
        %get3A_742 = arith.constant 0 : index
        %get3A_743 = tpu.vector_load %arg18[%get3A_741, %get3A_742] {strides = array<i32>} : memref<800x32xf32, #tpu.memory_space<vmem>>, vector<1x16xf32>,
        %get3A_744 = vector.shape_cast %get3A_743 : vector<1x16xf32> to vector<16xf32>
        %add3A_745 = arith.addf %add3A_731, %get3A_744 : vector<16xf32>
        %add3A_746 = arith.constant 28 : i32
        %add3A_747 = arith.addi %mul3A_353, %add3A_746 : i32
        %get3A_748 = arith.index_cast %add3A_747 : i32 to index
        %get3A_749 = arith.constant 16 : index
        %get3A_750 = tpu.vector_load %arg18[%get3A_748, %get3A_749] {strides = array<i32>} : memref<800x32xf32, #tpu.memory_space<vmem>>, vector<1x16xf32>,
        %get3A_751 = vector.shape_cast %get3A_750 : vector<1x16xf32> to vector<16xf32>
        %add3A_752 = arith.addf %add3A_738, %get3A_751 : vector<16xf32>
        %add3A_753 = arith.constant 29 : i32
        %add3A_754 = arith.addi %mul3A_353, %add3A_753 : i32
        %get3A_755 = arith.index_cast %add3A_754 : i32 to index
        %get3A_756 = arith.constant 0 : index
        %get3A_757 = tpu.vector_load %arg18[%get3A_755, %get3A_756] {strides = array<i32>} : memref<800x32xf32, #tpu.memory_space<vmem>>, vector<1x16xf32>,
        %get3A_758 = vector.shape_cast %get3A_757 : vector<1x16xf32> to vector<16xf32>
        %add3A_759 = arith.addf %add3A_745, %get3A_758 : vector<16xf32>
        %add3A_760 = arith.constant 29 : i32
        %add3A_761 = arith.addi %mul3A_353, %add3A_760 : i32
        %get3A_762 = arith.index_cast %add3A_761 : i32 to index
        %get3A_763 = arith.constant 16 : index
        %get3A_764 = tpu.vector_load %arg18[%get3A_762, %get3A_763] {strides = array<i32>} : memref<800x32xf32, #tpu.memory_space<vmem>>, vector<1x16xf32>,
        %get3A_765 = vector.shape_cast %get3A_764 : vector<1x16xf32> to vector<16xf32>
        %add3A_766 = arith.addf %add3A_752, %get3A_765 : vector<16xf32>
        %add3A_767 = arith.constant 30 : i32
        %add3A_768 = arith.addi %mul3A_353, %add3A_767 : i32
        %get3A_769 = arith.index_cast %add3A_768 : i32 to index
        %get3A_770 = arith.constant 0 : index
        %get3A_771 = tpu.vector_load %arg18[%get3A_769, %get3A_770] {strides = array<i32>} : memref<800x32xf32, #tpu.memory_space<vmem>>, vector<1x16xf32>,
        %get3A_772 = vector.shape_cast %get3A_771 : vector<1x16xf32> to vector<16xf32>
        %add3A_773 = arith.addf %add3A_759, %get3A_772 : vector<16xf32>
        %add3A_774 = arith.constant 30 : i32
        %add3A_775 = arith.addi %mul3A_353, %add3A_774 : i32
        %get3A_776 = arith.index_cast %add3A_775 : i32 to index
        %get3A_777 = arith.constant 16 : index
        %get3A_778 = tpu.vector_load %arg18[%get3A_776, %get3A_777] {strides = array<i32>} : memref<800x32xf32, #tpu.memory_space<vmem>>, vector<1x16xf32>,
        %get3A_779 = vector.shape_cast %get3A_778 : vector<1x16xf32> to vector<16xf32>
        %add3A_780 = arith.addf %add3A_766, %get3A_779 : vector<16xf32>
        %add3A_781 = arith.constant 31 : i32
        %add3A_782 = arith.addi %mul3A_353, %add3A_781 : i32
        %get3A_783 = arith.index_cast %add3A_782 : i32 to index
        %get3A_784 = arith.constant 0 : index
        %get3A_785 = tpu.vector_load %arg18[%get3A_783, %get3A_784] {strides = array<i32>} : memref<800x32xf32, #tpu.memory_space<vmem>>, vector<1x16xf32>,
        %get3A_786 = vector.shape_cast %get3A_785 : vector<1x16xf32> to vector<16xf32>
        %add3A_787 = arith.addf %add3A_773, %get3A_786 : vector<16xf32>
        %add3A_788 = arith.constant 31 : i32
        %add3A_789 = arith.addi %mul3A_353, %add3A_788 : i32
        %get3A_790 = arith.index_cast %add3A_789 : i32 to index
        %get3A_791 = arith.constant 16 : index
        %get3A_792 = tpu.vector_load %arg18[%get3A_790, %get3A_791] {strides = array<i32>} : memref<800x32xf32, #tpu.memory_space<vmem>>, vector<1x16xf32>,
        %get3A_793 = vector.shape_cast %get3A_792 : vector<1x16xf32> to vector<16xf32>
        %add3A_794 = arith.addf %add3A_780, %get3A_793 : vector<16xf32>
        %add3A_795 = arith.constant 32 : i32
        %add3A_796 = arith.addi %mul3A_353, %add3A_795 : i32
        %get3A_797 = arith.index_cast %add3A_796 : i32 to index
        %get3A_798 = arith.constant 0 : index
        %get3A_799 = tpu.vector_load %arg18[%get3A_797, %get3A_798] {strides = array<i32>} : memref<800x32xf32, #tpu.memory_space<vmem>>, vector<1x16xf32>,
        %get3A_800 = vector.shape_cast %get3A_799 : vector<1x16xf32> to vector<16xf32>
        %add3A_801 = arith.addf %add3A_787, %get3A_800 : vector<16xf32>
        %add3A_802 = arith.constant 32 : i32
        %add3A_803 = arith.addi %mul3A_353, %add3A_802 : i32
        %get3A_804 = arith.index_cast %add3A_803 : i32 to index
        %get3A_805 = arith.constant 16 : index
        %get3A_806 = tpu.vector_load %arg18[%get3A_804, %get3A_805] {strides = array<i32>} : memref<800x32xf32, #tpu.memory_space<vmem>>, vector<1x16xf32>,
        %get3A_807 = vector.shape_cast %get3A_806 : vector<1x16xf32> to vector<16xf32>
        %add3A_808 = arith.addf %add3A_794, %get3A_807 : vector<16xf32>
        %add3A_809 = arith.constant 33 : i32
        %add3A_810 = arith.addi %mul3A_353, %add3A_809 : i32
        %get3A_811 = arith.index_cast %add3A_810 : i32 to index
        %get3A_812 = arith.constant 0 : index
        %get3A_813 = tpu.vector_load %arg18[%get3A_811, %get3A_812] {strides = array<i32>} : memref<800x32xf32, #tpu.memory_space<vmem>>, vector<1x16xf32>,
        %get3A_814 = vector.shape_cast %get3A_813 : vector<1x16xf32> to vector<16xf32>
        %add3A_815 = arith.addf %add3A_801, %get3A_814 : vector<16xf32>
        %add3A_816 = arith.constant 33 : i32
        %add3A_817 = arith.addi %mul3A_353, %add3A_816 : i32
        %get3A_818 = arith.index_cast %add3A_817 : i32 to index
        %get3A_819 = arith.constant 16 : index
        %get3A_820 = tpu.vector_load %arg18[%get3A_818, %get3A_819] {strides = array<i32>} : memref<800x32xf32, #tpu.memory_space<vmem>>, vector<1x16xf32>,
        %get3A_821 = vector.shape_cast %get3A_820 : vector<1x16xf32> to vector<16xf32>
        %add3A_822 = arith.addf %add3A_808, %get3A_821 : vector<16xf32>
        %add3A_823 = arith.constant 34 : i32
        %add3A_824 = arith.addi %mul3A_353, %add3A_823 : i32
        %get3A_825 = arith.index_cast %add3A_824 : i32 to index
        %get3A_826 = arith.constant 0 : index
        %get3A_827 = tpu.vector_load %arg18[%get3A_825, %get3A_826] {strides = array<i32>} : memref<800x32xf32, #tpu.memory_space<vmem>>, vector<1x16xf32>,
        %get3A_828 = vector.shape_cast %get3A_827 : vector<1x16xf32> to vector<16xf32>
        %add3A_829 = arith.addf %add3A_815, %get3A_828 : vector<16xf32>
        %add3A_830 = arith.constant 34 : i32
        %add3A_831 = arith.addi %mul3A_353, %add3A_830 : i32
        %get3A_832 = arith.index_cast %add3A_831 : i32 to index
        %get3A_833 = arith.constant 16 : index
        %get3A_834 = tpu.vector_load %arg18[%get3A_832, %get3A_833] {strides = array<i32>} : memref<800x32xf32, #tpu.memory_space<vmem>>, vector<1x16xf32>,
        %get3A_835 = vector.shape_cast %get3A_834 : vector<1x16xf32> to vector<16xf32>
        %add3A_836 = arith.addf %add3A_822, %get3A_835 : vector<16xf32>
        %add3A_837 = arith.constant 35 : i32
        %add3A_838 = arith.addi %mul3A_353, %add3A_837 : i32
        %get3A_839 = arith.index_cast %add3A_838 : i32 to index
        %get3A_840 = arith.constant 0 : index
        %get3A_841 = tpu.vector_load %arg18[%get3A_839, %get3A_840] {strides = array<i32>} : memref<800x32xf32, #tpu.memory_space<vmem>>, vector<1x16xf32>,
        %get3A_842 = vector.shape_cast %get3A_841 : vector<1x16xf32> to vector<16xf32>
        %add3A_843 = arith.addf %add3A_829, %get3A_842 : vector<16xf32>
        %add3A_844 = arith.constant 35 : i32
        %add3A_845 = arith.addi %mul3A_353, %add3A_844 : i32
        %get3A_846 = arith.index_cast %add3A_845 : i32 to index
        %get3A_847 = arith.constant 16 : index
        %get3A_848 = tpu.vector_load %arg18[%get3A_846, %get3A_847] {strides = array<i32>} : memref<800x32xf32, #tpu.memory_space<vmem>>, vector<1x16xf32>,
        %get3A_849 = vector.shape_cast %get3A_848 : vector<1x16xf32> to vector<16xf32>
        %add3A_850 = arith.addf %add3A_836, %get3A_849 : vector<16xf32>
        %add3A_851 = arith.constant 36 : i32
        %add3A_852 = arith.addi %mul3A_353, %add3A_851 : i32
        %get3A_853 = arith.index_cast %add3A_852 : i32 to index
        %get3A_854 = arith.constant 0 : index
        %get3A_855 = tpu.vector_load %arg18[%get3A_853, %get3A_854] {strides = array<i32>} : memref<800x32xf32, #tpu.memory_space<vmem>>, vector<1x16xf32>,
        %get3A_856 = vector.shape_cast %get3A_855 : vector<1x16xf32> to vector<16xf32>
        %add3A_857 = arith.addf %add3A_843, %get3A_856 : vector<16xf32>
        %add3A_858 = arith.constant 36 : i32
        %add3A_859 = arith.addi %mul3A_353, %add3A_858 : i32
        %get3A_860 = arith.index_cast %add3A_859 : i32 to index
        %get3A_861 = arith.constant 16 : index
        %get3A_862 = tpu.vector_load %arg18[%get3A_860, %get3A_861] {strides = array<i32>} : memref<800x32xf32, #tpu.memory_space<vmem>>, vector<1x16xf32>,
        %get3A_863 = vector.shape_cast %get3A_862 : vector<1x16xf32> to vector<16xf32>
        %add3A_864 = arith.addf %add3A_850, %get3A_863 : vector<16xf32>
        %add3A_865 = arith.constant 37 : i32
        %add3A_866 = arith.addi %mul3A_353, %add3A_865 : i32
        %get3A_867 = arith.index_cast %add3A_866 : i32 to index
        %get3A_868 = arith.constant 0 : index
        %get3A_869 = tpu.vector_load %arg18[%get3A_867, %get3A_868] {strides = array<i32>} : memref<800x32xf32, #tpu.memory_space<vmem>>, vector<1x16xf32>,
        %get3A_870 = vector.shape_cast %get3A_869 : vector<1x16xf32> to vector<16xf32>
        %add3A_871 = arith.addf %add3A_857, %get3A_870 : vector<16xf32>
        %add3A_872 = arith.constant 37 : i32
        %add3A_873 = arith.addi %mul3A_353, %add3A_872 : i32
        %get3A_874 = arith.index_cast %add3A_873 : i32 to index
        %get3A_875 = arith.constant 16 : index
        %get3A_876 = tpu.vector_load %arg18[%get3A_874, %get3A_875] {strides = array<i32>} : memref<800x32xf32, #tpu.memory_space<vmem>>, vector<1x16xf32>,
        %get3A_877 = vector.shape_cast %get3A_876 : vector<1x16xf32> to vector<16xf32>
        %add3A_878 = arith.addf %add3A_864, %get3A_877 : vector<16xf32>
        %add3A_879 = arith.constant 38 : i32
        %add3A_880 = arith.addi %mul3A_353, %add3A_879 : i32
        %get3A_881 = arith.index_cast %add3A_880 : i32 to index
        %get3A_882 = arith.constant 0 : index
        %get3A_883 = tpu.vector_load %arg18[%get3A_881, %get3A_882] {strides = array<i32>} : memref<800x32xf32, #tpu.memory_space<vmem>>, vector<1x16xf32>,
        %get3A_884 = vector.shape_cast %get3A_883 : vector<1x16xf32> to vector<16xf32>
        %add3A_885 = arith.addf %add3A_871, %get3A_884 : vector<16xf32>
        %add3A_886 = arith.constant 38 : i32
        %add3A_887 = arith.addi %mul3A_353, %add3A_886 : i32
        %get3A_888 = arith.index_cast %add3A_887 : i32 to index
        %get3A_889 = arith.constant 16 : index
        %get3A_890 = tpu.vector_load %arg18[%get3A_888, %get3A_889] {strides = array<i32>} : memref<800x32xf32, #tpu.memory_space<vmem>>, vector<1x16xf32>,
        %get3A_891 = vector.shape_cast %get3A_890 : vector<1x16xf32> to vector<16xf32>
        %add3A_892 = arith.addf %add3A_878, %get3A_891 : vector<16xf32>
        %add3A_893 = arith.constant 39 : i32
        %add3A_894 = arith.addi %mul3A_353, %add3A_893 : i32
        %get3A_895 = arith.index_cast %add3A_894 : i32 to index
        %get3A_896 = arith.constant 0 : index
        %get3A_897 = tpu.vector_load %arg18[%get3A_895, %get3A_896] {strides = array<i32>} : memref<800x32xf32, #tpu.memory_space<vmem>>, vector<1x16xf32>,
        %get3A_898 = vector.shape_cast %get3A_897 : vector<1x16xf32> to vector<16xf32>
        %add3A_899 = arith.addf %add3A_885, %get3A_898 : vector<16xf32>
        %add3A_900 = arith.constant 39 : i32
        %add3A_901 = arith.addi %mul3A_353, %add3A_900 : i32
        %get3A_902 = arith.index_cast %add3A_901 : i32 to index
        %get3A_903 = arith.constant 16 : index
        %get3A_904 = tpu.vector_load %arg18[%get3A_902, %get3A_903] {strides = array<i32>} : memref<800x32xf32, #tpu.memory_space<vmem>>, vector<1x16xf32>,
        %get3A_905 = vector.shape_cast %get3A_904 : vector<1x16xf32> to vector<16xf32>
        %add3A_906 = arith.addf %add3A_892, %get3A_905 : vector<16xf32>
        %add3A_907 = arith.constant 40 : i32
        %add3A_908 = arith.addi %mul3A_353, %add3A_907 : i32
        %get3A_909 = arith.index_cast %add3A_908 : i32 to index
        %get3A_910 = arith.constant 0 : index
        %get3A_911 = tpu.vector_load %arg18[%get3A_909, %get3A_910] {strides = array<i32>} : memref<800x32xf32, #tpu.memory_space<vmem>>, vector<1x16xf32>,
        %get3A_912 = vector.shape_cast %get3A_911 : vector<1x16xf32> to vector<16xf32>
        %add3A_913 = arith.addf %add3A_899, %get3A_912 : vector<16xf32>
        %add3A_914 = arith.constant 40 : i32
        %add3A_915 = arith.addi %mul3A_353, %add3A_914 : i32
        %get3A_916 = arith.index_cast %add3A_915 : i32 to index
        %get3A_917 = arith.constant 16 : index
        %get3A_918 = tpu.vector_load %arg18[%get3A_916, %get3A_917] {strides = array<i32>} : memref<800x32xf32, #tpu.memory_space<vmem>>, vector<1x16xf32>,
        %get3A_919 = vector.shape_cast %get3A_918 : vector<1x16xf32> to vector<16xf32>
        %add3A_920 = arith.addf %add3A_906, %get3A_919 : vector<16xf32>
        %add3A_921 = arith.constant 41 : i32
        %add3A_922 = arith.addi %mul3A_353, %add3A_921 : i32
        %get3A_923 = arith.index_cast %add3A_922 : i32 to index
        %get3A_924 = arith.constant 0 : index
        %get3A_925 = tpu.vector_load %arg18[%get3A_923, %get3A_924] {strides = array<i32>} : memref<800x32xf32, #tpu.memory_space<vmem>>, vector<1x16xf32>,
        %get3A_926 = vector.shape_cast %get3A_925 : vector<1x16xf32> to vector<16xf32>
        %add3A_927 = arith.addf %add3A_913, %get3A_926 : vector<16xf32>
        %add3A_928 = arith.constant 41 : i32
        %add3A_929 = arith.addi %mul3A_353, %add3A_928 : i32
        %get3A_930 = arith.index_cast %add3A_929 : i32 to index
        %get3A_931 = arith.constant 16 : index
        %get3A_932 = tpu.vector_load %arg18[%get3A_930, %get3A_931] {strides = array<i32>} : memref<800x32xf32, #tpu.memory_space<vmem>>, vector<1x16xf32>,
        %get3A_933 = vector.shape_cast %get3A_932 : vector<1x16xf32> to vector<16xf32>
        %add3A_934 = arith.addf %add3A_920, %get3A_933 : vector<16xf32>
        %add3A_935 = arith.constant 42 : i32
        %add3A_936 = arith.addi %mul3A_353, %add3A_935 : i32
        %get3A_937 = arith.index_cast %add3A_936 : i32 to index
        %get3A_938 = arith.constant 0 : index
        %get3A_939 = tpu.vector_load %arg18[%get3A_937, %get3A_938] {strides = array<i32>} : memref<800x32xf32, #tpu.memory_space<vmem>>, vector<1x16xf32>,
        %get3A_940 = vector.shape_cast %get3A_939 : vector<1x16xf32> to vector<16xf32>
        %add3A_941 = arith.addf %add3A_927, %get3A_940 : vector<16xf32>
        %add3A_942 = arith.constant 42 : i32
        %add3A_943 = arith.addi %mul3A_353, %add3A_942 : i32
        %get3A_944 = arith.index_cast %add3A_943 : i32 to index
        %get3A_945 = arith.constant 16 : index
        %get3A_946 = tpu.vector_load %arg18[%get3A_944, %get3A_945] {strides = array<i32>} : memref<800x32xf32, #tpu.memory_space<vmem>>, vector<1x16xf32>,
        %get3A_947 = vector.shape_cast %get3A_946 : vector<1x16xf32> to vector<16xf32>
        %add3A_948 = arith.addf %add3A_934, %get3A_947 : vector<16xf32>
        %add3A_949 = arith.constant 43 : i32
        %add3A_950 = arith.addi %mul3A_353, %add3A_949 : i32
        %get3A_951 = arith.index_cast %add3A_950 : i32 to index
        %get3A_952 = arith.constant 0 : index
        %get3A_953 = tpu.vector_load %arg18[%get3A_951, %get3A_952] {strides = array<i32>} : memref<800x32xf32, #tpu.memory_space<vmem>>, vector<1x16xf32>,
        %get3A_954 = vector.shape_cast %get3A_953 : vector<1x16xf32> to vector<16xf32>
        %add3A_955 = arith.addf %add3A_941, %get3A_954 : vector<16xf32>
        %add3A_956 = arith.constant 43 : i32
        %add3A_957 = arith.addi %mul3A_353, %add3A_956 : i32
        %get3A_958 = arith.index_cast %add3A_957 : i32 to index
        %get3A_959 = arith.constant 16 : index
        %get3A_960 = tpu.vector_load %arg18[%get3A_958, %get3A_959] {strides = array<i32>} : memref<800x32xf32, #tpu.memory_space<vmem>>, vector<1x16xf32>,
        %get3A_961 = vector.shape_cast %get3A_960 : vector<1x16xf32> to vector<16xf32>
        %add3A_962 = arith.addf %add3A_948, %get3A_961 : vector<16xf32>
        %add3A_963 = arith.constant 44 : i32
        %add3A_964 = arith.addi %mul3A_353, %add3A_963 : i32
        %get3A_965 = arith.index_cast %add3A_964 : i32 to index
        %get3A_966 = arith.constant 0 : index
        %get3A_967 = tpu.vector_load %arg18[%get3A_965, %get3A_966] {strides = array<i32>} : memref<800x32xf32, #tpu.memory_space<vmem>>, vector<1x16xf32>,
        %get3A_968 = vector.shape_cast %get3A_967 : vector<1x16xf32> to vector<16xf32>
        %add3A_969 = arith.addf %add3A_955, %get3A_968 : vector<16xf32>
        %add3A_970 = arith.constant 44 : i32
        %add3A_971 = arith.addi %mul3A_353, %add3A_970 : i32
        %get3A_972 = arith.index_cast %add3A_971 : i32 to index
        %get3A_973 = arith.constant 16 : index
        %get3A_974 = tpu.vector_load %arg18[%get3A_972, %get3A_973] {strides = array<i32>} : memref<800x32xf32, #tpu.memory_space<vmem>>, vector<1x16xf32>,
        %get3A_975 = vector.shape_cast %get3A_974 : vector<1x16xf32> to vector<16xf32>
        %add3A_976 = arith.addf %add3A_962, %get3A_975 : vector<16xf32>
        %add3A_977 = arith.constant 45 : i32
        %add3A_978 = arith.addi %mul3A_353, %add3A_977 : i32
        %get3A_979 = arith.index_cast %add3A_978 : i32 to index
        %get3A_980 = arith.constant 0 : index
        %get3A_981 = tpu.vector_load %arg18[%get3A_979, %get3A_980] {strides = array<i32>} : memref<800x32xf32, #tpu.memory_space<vmem>>, vector<1x16xf32>,
        %get3A_982 = vector.shape_cast %get3A_981 : vector<1x16xf32> to vector<16xf32>
        %add3A_983 = arith.addf %add3A_969, %get3A_982 : vector<16xf32>
        %add3A_984 = arith.constant 45 : i32
        %add3A_985 = arith.addi %mul3A_353, %add3A_984 : i32
        %get3A_986 = arith.index_cast %add3A_985 : i32 to index
        %get3A_987 = arith.constant 16 : index
        %get3A_988 = tpu.vector_load %arg18[%get3A_986, %get3A_987] {strides = array<i32>} : memref<800x32xf32, #tpu.memory_space<vmem>>, vector<1x16xf32>,
        %get3A_989 = vector.shape_cast %get3A_988 : vector<1x16xf32> to vector<16xf32>
        %add3A_990 = arith.addf %add3A_976, %get3A_989 : vector<16xf32>
        %add3A_991 = arith.constant 46 : i32
        %add3A_992 = arith.addi %mul3A_353, %add3A_991 : i32
        %get3A_993 = arith.index_cast %add3A_992 : i32 to index
        %get3A_994 = arith.constant 0 : index
        %get3A_995 = tpu.vector_load %arg18[%get3A_993, %get3A_994] {strides = array<i32>} : memref<800x32xf32, #tpu.memory_space<vmem>>, vector<1x16xf32>,
        %get3A_996 = vector.shape_cast %get3A_995 : vector<1x16xf32> to vector<16xf32>
        %add3A_997 = arith.addf %add3A_983, %get3A_996 : vector<16xf32>
        %add3A_998 = arith.constant 46 : i32
        %add3A_999 = arith.addi %mul3A_353, %add3A_998 : i32
        %get3A_1000 = arith.index_cast %add3A_999 : i32 to index
        %get3A_1001 = arith.constant 16 : index
        %get3A_1002 = tpu.vector_load %arg18[%get3A_1000, %get3A_1001] {strides = array<i32>} : memref<800x32xf32, #tpu.memory_space<vmem>>, vector<1x16xf32>,
        %get3A_1003 = vector.shape_cast %get3A_1002 : vector<1x16xf32> to vector<16xf32>
        %add3A_1004 = arith.addf %add3A_990, %get3A_1003 : vector<16xf32>
        %add3A_1005 = arith.constant 47 : i32
        %add3A_1006 = arith.addi %mul3A_353, %add3A_1005 : i32
        %get3A_1007 = arith.index_cast %add3A_1006 : i32 to index
        %get3A_1008 = arith.constant 0 : index
        %get3A_1009 = tpu.vector_load %arg18[%get3A_1007, %get3A_1008] {strides = array<i32>} : memref<800x32xf32, #tpu.memory_space<vmem>>, vector<1x16xf32>,
        %get3A_1010 = vector.shape_cast %get3A_1009 : vector<1x16xf32> to vector<16xf32>
        %add3A_1011 = arith.addf %add3A_997, %get3A_1010 : vector<16xf32>
        %add3A_1012 = arith.constant 47 : i32
        %add3A_1013 = arith.addi %mul3A_353, %add3A_1012 : i32
        %get3A_1014 = arith.index_cast %add3A_1013 : i32 to index
        %get3A_1015 = arith.constant 16 : index
        %get3A_1016 = tpu.vector_load %arg18[%get3A_1014, %get3A_1015] {strides = array<i32>} : memref<800x32xf32, #tpu.memory_space<vmem>>, vector<1x16xf32>,
        %get3A_1017 = vector.shape_cast %get3A_1016 : vector<1x16xf32> to vector<16xf32>
        %add3A_1018 = arith.addf %add3A_1004, %get3A_1017 : vector<16xf32>
        %add3A_1019 = arith.constant 48 : i32
        %add3A_1020 = arith.addi %mul3A_353, %add3A_1019 : i32
        %get3A_1021 = arith.index_cast %add3A_1020 : i32 to index
        %get3A_1022 = arith.constant 0 : index
        %get3A_1023 = tpu.vector_load %arg18[%get3A_1021, %get3A_1022] {strides = array<i32>} : memref<800x32xf32, #tpu.memory_space<vmem>>, vector<1x16xf32>,
        %get3A_1024 = vector.shape_cast %get3A_1023 : vector<1x16xf32> to vector<16xf32>
        %add3A_1025 = arith.addf %add3A_1011, %get3A_1024 : vector<16xf32>
        %add3A_1026 = arith.constant 48 : i32
        %add3A_1027 = arith.addi %mul3A_353, %add3A_1026 : i32
        %get3A_1028 = arith.index_cast %add3A_1027 : i32 to index
        %get3A_1029 = arith.constant 16 : index
        %get3A_1030 = tpu.vector_load %arg18[%get3A_1028, %get3A_1029] {strides = array<i32>} : memref<800x32xf32, #tpu.memory_space<vmem>>, vector<1x16xf32>,
        %get3A_1031 = vector.shape_cast %get3A_1030 : vector<1x16xf32> to vector<16xf32>
        %add3A_1032 = arith.addf %add3A_1018, %get3A_1031 : vector<16xf32>
        %add3A_1033 = arith.constant 49 : i32
        %add3A_1034 = arith.addi %mul3A_353, %add3A_1033 : i32
        %get3A_1035 = arith.index_cast %add3A_1034 : i32 to index
        %get3A_1036 = arith.constant 0 : index
        %get3A_1037 = tpu.vector_load %arg18[%get3A_1035, %get3A_1036] {strides = array<i32>} : memref<800x32xf32, #tpu.memory_space<vmem>>, vector<1x16xf32>,
        %get3A_1038 = vector.shape_cast %get3A_1037 : vector<1x16xf32> to vector<16xf32>
        %add3A_1039 = arith.addf %add3A_1025, %get3A_1038 : vector<16xf32>
        %add3A_1040 = arith.constant 49 : i32
        %add3A_1041 = arith.addi %mul3A_353, %add3A_1040 : i32
        %get3A_1042 = arith.index_cast %add3A_1041 : i32 to index
        %get3A_1043 = arith.constant 16 : index
        %get3A_1044 = tpu.vector_load %arg18[%get3A_1042, %get3A_1043] {strides = array<i32>} : memref<800x32xf32, #tpu.memory_space<vmem>>, vector<1x16xf32>,
        %get3A_1045 = vector.shape_cast %get3A_1044 : vector<1x16xf32> to vector<16xf32>
        %add3A_1046 = arith.addf %add3A_1032, %get3A_1045 : vector<16xf32>
        %swap3A = arith.index_cast %scan3A_351 : i32 to index
        %swap3A_1047 = arith.constant 0 : index
        %swap3A_1048 = tpu.vector_load %arg20[%swap3A, %swap3A_1047] {strides = array<i32>} : memref<16x32xf32, #tpu.memory_space<vmem>>, vector<1x16xf32>,
        %swap3A_1049 = vector.shape_cast %swap3A_1048 : vector<1x16xf32> to vector<16xf32>
        %swap3A_1050 = vector.shape_cast %add3A_1039 : vector<16xf32> to vector<1x16xf32>
        tpu.vector_store %arg20[%swap3A, %swap3A_1047], %swap3A_1050 {strides = array<i32>} : memref<16x32xf32, #tpu.memory_space<vmem>>, vector<1x16xf32>,
        %swap3A_1051 = arith.index_cast %scan3A_351 : i32 to index
        %swap3A_1052 = arith.constant 16 : index
        %swap3A_1053 = tpu.vector_load %arg20[%swap3A_1051, %swap3A_1052] {strides = array<i32>} : memref<16x32xf32, #tpu.memory_space<vmem>>, vector<1x16xf32>,
        %swap3A_1054 = vector.shape_cast %swap3A_1053 : vector<1x16xf32> to vector<16xf32>
        %swap3A_1055 = vector.shape_cast %add3A_1046 : vector<16xf32> to vector<1x16xf32>
        tpu.vector_store %arg20[%swap3A_1051, %swap3A_1052], %swap3A_1055 {strides = array<i32>} : memref<16x32xf32, #tpu.memory_space<vmem>>, vector<1x16xf32>,
      }
      %scan3A_347 = arith.constant 16 : i32
      %mul3A_348 = arith.constant 16 : i32
      %mul3A_349 = arith.muli %scan3A_176, %mul3A_348 : i32
      %add3A_350 = arith.addi %mul3A_2, %mul3A_349 : i32
      "tpu.region"() ({
        %run_scoped3A = tpu.sem_alloc : memref<!tpu.dma_semaphore, #tpu.memory_space<semaphore_mem>>
        %dma_start3A_351 = arith.constant 64 : i32
        %dma_start3A_352 = tpu.memref_slice %arg10[%add3A_350, %dma_start3A_351] : memref<16384x128xf32, #tpu.memory_space<hbm>> -> memref<16x32xf32, #tpu.memory_space<hbm>>
        %dma_start3A_353 = arith.constant 64 : i32
        %dma_start3A_354 = tpu.memref_slice %arg10[%add3A_350, %dma_start3A_353] : memref<16384x128xf32, #tpu.memory_space<hbm>> -> memref<16x32xf32, #tpu.memory_space<hbm>>
        tpu.enqueue_dma source(%arg20 : memref<16x32xf32, #tpu.memory_space<vmem>>) target(%dma_start3A_354 : memref<16x32xf32, #tpu.memory_space<hbm>>) target_semaphore(%run_scoped3A : memref<!tpu.dma_semaphore, #tpu.memory_space<semaphore_mem>>)
        %dma_wait3A_355 = arith.constant 64 : i32
        %dma_wait3A_356 = tpu.memref_slice %arg10[%add3A_350, %dma_wait3A_355] : memref<16384x128xf32, #tpu.memory_space<hbm>> -> memref<16x32xf32, #tpu.memory_space<hbm>>
        %dma_wait3A_357 = arith.constant 64 : i32
        %dma_wait3A_358 = tpu.memref_slice %arg10[%add3A_350, %dma_wait3A_357] : memref<16384x128xf32, #tpu.memory_space<hbm>> -> memref<16x32xf32, #tpu.memory_space<hbm>>
        tpu.wait_dma2 semaphore(%run_scoped3A : memref<!tpu.dma_semaphore, #tpu.memory_space<semaphore_mem>>) src(%arg20 : memref<16x32xf32, #tpu.memory_space<vmem>>) dst(%dma_wait3A_358 : memref<16x32xf32, #tpu.memory_space<hbm>>)
        tpu.yield
      }) : () -> ()
    }
    %scan3A_175 = arith.constant 32 : i32
    return
  }
}

module attributes {stable_mosaic.version = 14 : i64} {
  func.func @_tc_body(%arg0: memref<16384x16xf32, #tpu.memory_space<vmem>>, %arg1: memref<16384x128xf32, #tpu.memory_space<vmem>>, %arg2: memref<16x64xf32, #tpu.memory_space<vmem>>, %arg3: memref<64xf32, #tpu.memory_space<vmem>>, %arg4: memref<64xf32, #tpu.memory_space<vmem>>, %arg5: memref<64xf32, #tpu.memory_space<vmem>>, %arg6: memref<64x32xf32, #tpu.memory_space<vmem>>, %arg7: memref<32xf32, #tpu.memory_space<vmem>>, %arg8: memref<32xf32, #tpu.memory_space<vmem>>, %arg9: memref<32xf32, #tpu.memory_space<vmem>>, %arg10: memref<64x128xf32, #tpu.memory_space<vmem>>, %arg11: memref<32x128xf32, #tpu.memory_space<vmem>>, %arg12: memref<128xf32, #tpu.memory_space<vmem>>, %arg13: memref<128xf32, #tpu.memory_space<vmem>>, %arg14: memref<128xf32, #tpu.memory_space<vmem>>, %arg15: memref<128x64xf32, #tpu.memory_space<vmem>>, %arg16: memref<64xf32, #tpu.memory_space<vmem>>, %arg17: memref<64xf32, #tpu.memory_space<vmem>>, %arg18: memref<64xf32, #tpu.memory_space<vmem>>, %arg19: memref<32x128xf32, #tpu.memory_space<vmem>>, %arg20: memref<64x128xf32, #tpu.memory_space<vmem>>, %arg21: memref<128xf32, #tpu.memory_space<vmem>>, %arg22: memref<128xf32, #tpu.memory_space<vmem>>, %arg23: memref<128xf32, #tpu.memory_space<vmem>>, %arg24: memref<128x64xf32, #tpu.memory_space<vmem>>, %arg25: memref<64xf32, #tpu.memory_space<vmem>>, %arg26: memref<64xf32, #tpu.memory_space<vmem>>, %arg27: memref<64xf32, #tpu.memory_space<vmem>>, %arg28: memref<64x1xf32, #tpu.memory_space<vmem>>, %arg29: memref<1xf32, #tpu.memory_space<vmem>>, %arg30: memref<16384x1xf32, #tpu.memory_space<vmem>>) attributes {dimension_semantics = [], scalar_prefetch = 0 : i64, scratch_operands = 0 : i64, tpu.core_type = #tpu.core_type<tc>} {
    %get3A = arith.constant 0 : index
    %get3A_0 = arith.constant 0 : index
    %get3A_1 = vector.load %arg1[%get3A, %get3A_0] : memref<16384x128xf32, #tpu.memory_space<vmem>>, vector<16384x128xf32>
    %get3A_2 = arith.constant 0 : index
    %get3A_3 = arith.constant 0 : index
    %get3A_4 = vector.load %arg0[%get3A_2, %get3A_3] : memref<16384x16xf32, #tpu.memory_space<vmem>>, vector<16384x16xf32>
    %get3A_5 = arith.constant 0 : index
    %get3A_6 = arith.constant 0 : index
    %get3A_7 = vector.load %arg2[%get3A_5, %get3A_6] : memref<16x64xf32, #tpu.memory_space<vmem>>, vector<16x64xf32>
    %dot_general3A = arith.constant dense<0.000000e+00> : vector<16384x64xf32>
    %dot_general3A_8 = tpu.matmul %get3A_4, %get3A_7, %dot_general3A {dimension_numbers = #tpu.dot_dimension_numbers<[1], [0], [0], [1], [0, 0, 1, 1], [], []>, transpose_lhs_hint = false} : vector<16384x16xf32>, vector<16x64xf32>, vector<16384x64xf32> -> vector<16384x64xf32>
    %get3A_9 = arith.constant 0 : index
    %get3A_10 = vector.load %arg3[%get3A_9] : memref<64xf32, #tpu.memory_space<vmem>>, vector<64xf32>
    %broadcast_in_dim3A = vector.shape_cast %get3A_10 : vector<64xf32> to vector<1x64xf32>
    %add3A = vector.broadcast %broadcast_in_dim3A : vector<1x64xf32> to vector<16384x64xf32>
    %add3A_11 = arith.addf %dot_general3A_8, %add3A : vector<16384x64xf32>
    %max3A = arith.constant 0.000000e+00 : f32
    %max3A_12 = vector.broadcast %max3A : f32 to vector<16384x64xf32>
    %max3A_13 = arith.maximumf %add3A_11, %max3A_12 : vector<16384x64xf32>
    %get3A_14 = arith.constant 0 : index
    %get3A_15 = vector.load %arg4[%get3A_14] : memref<64xf32, #tpu.memory_space<vmem>>, vector<64xf32>
    %get3A_16 = arith.constant 0 : index
    %get3A_17 = vector.load %arg5[%get3A_16] : memref<64xf32, #tpu.memory_space<vmem>>, vector<64xf32>
    %reduce_sum3A = arith.constant dense<0.000000e+00> : vector<64xf32>
    %reduce_sum3A_18 = vector.multi_reduction <add>, %max3A_13, %reduce_sum3A [0] : vector<16384x64xf32> to vector<64xf32>
    %div3A = arith.constant 1.638400e+04 : f32
    %div3A_19 = vector.broadcast %div3A : f32 to vector<64xf32>
    %div3A_20 = arith.divf %reduce_sum3A_18, %div3A_19 : vector<64xf32>
    %jit3A = arith.constant 0 : i32
    %reduce_sum3A_21 = arith.constant dense<0.000000e+00> : vector<64xf32>
    %reduce_sum3A_22 = vector.multi_reduction <add>, %max3A_13, %reduce_sum3A_21 [0] : vector<16384x64xf32> to vector<64xf32>
    %broadcast_in_dim3A_23 = vector.shape_cast %reduce_sum3A_22 : vector<64xf32> to vector<1x64xf32>
    %div3A_24 = arith.constant 1.638400e+04 : f32
    %div3A_25 = vector.broadcast %div3A_24 : f32 to vector<1x64xf32>
    %div3A_26 = arith.divf %broadcast_in_dim3A_23, %div3A_25 : vector<1x64xf32>
    %sub3A = vector.broadcast %div3A_26 : vector<1x64xf32> to vector<16384x64xf32>
    %sub3A_27 = arith.subf %max3A_13, %sub3A : vector<16384x64xf32>
    %square3A = arith.mulf %sub3A_27, %sub3A_27 : vector<16384x64xf32>
    %convert_element_type3A = arith.sitofp %jit3A : i32 to f32
    %sub3A_28 = arith.constant 1.638400e+04 : f32
    %sub3A_29 = arith.subf %sub3A_28, %convert_element_type3A : f32
    %reduce_sum3A_30 = arith.constant dense<0.000000e+00> : vector<64xf32>
    %reduce_sum3A_31 = vector.multi_reduction <add>, %square3A, %reduce_sum3A_30 [0] : vector<16384x64xf32> to vector<64xf32>
    %div3A_32 = vector.broadcast %sub3A_29 : f32 to vector<64xf32>
    %div3A_33 = arith.divf %reduce_sum3A_31, %div3A_32 : vector<64xf32>
    %gt3A = arith.constant 0.000000e+00 : f32
    %gt3A_34 = arith.cmpf ogt, %sub3A_29, %gt3A : f32
    %jit3A_35 = arith.constant 0x7FC00000 : f32
    %broadcast_in_dim3A_36 = vector.broadcast %jit3A_35 : f32 to vector<64xf32>
    %select_n3A = arith.select %gt3A_34, %div3A_33, %broadcast_in_dim3A_36 : vector<64xf32>
    %broadcast_in_dim3A_37 = vector.shape_cast %div3A_20 : vector<64xf32> to vector<1x64xf32>
    %sub3A_38 = vector.broadcast %broadcast_in_dim3A_37 : vector<1x64xf32> to vector<16384x64xf32>
    %sub3A_39 = arith.subf %max3A_13, %sub3A_38 : vector<16384x64xf32>
    %add3A_40 = arith.constant 9.99999974E-6 : f32
    %add3A_41 = vector.broadcast %add3A_40 : f32 to vector<64xf32>
    %add3A_42 = arith.addf %select_n3A, %add3A_41 : vector<64xf32>
    %sqrt3A = math.sqrt %add3A_42 : vector<64xf32>
    %broadcast_in_dim3A_43 = vector.shape_cast %sqrt3A : vector<64xf32> to vector<1x64xf32>
    %div3A_44 = vector.broadcast %broadcast_in_dim3A_43 : vector<1x64xf32> to vector<16384x64xf32>
    %div3A_45 = arith.divf %sub3A_39, %div3A_44 : vector<16384x64xf32>
    %broadcast_in_dim3A_46 = vector.shape_cast %get3A_15 : vector<64xf32> to vector<1x64xf32>
    %mul3A = vector.broadcast %broadcast_in_dim3A_46 : vector<1x64xf32> to vector<16384x64xf32>
    %mul3A_47 = arith.mulf %div3A_45, %mul3A : vector<16384x64xf32>
    %broadcast_in_dim3A_48 = vector.shape_cast %get3A_17 : vector<64xf32> to vector<1x64xf32>
    %add3A_49 = vector.broadcast %broadcast_in_dim3A_48 : vector<1x64xf32> to vector<16384x64xf32>
    %add3A_50 = arith.addf %mul3A_47, %add3A_49 : vector<16384x64xf32>
    %get3A_51 = arith.constant 0 : index
    %get3A_52 = arith.constant 0 : index
    %get3A_53 = vector.load %arg6[%get3A_51, %get3A_52] : memref<64x32xf32, #tpu.memory_space<vmem>>, vector<64x32xf32>
    %dot_general3A_54 = arith.constant dense<0.000000e+00> : vector<16384x32xf32>
    %dot_general3A_55 = tpu.matmul %add3A_50, %get3A_53, %dot_general3A_54 {dimension_numbers = #tpu.dot_dimension_numbers<[1], [0], [0], [1], [0, 0, 1, 1], [], []>, transpose_lhs_hint = false} : vector<16384x64xf32>, vector<64x32xf32>, vector<16384x32xf32> -> vector<16384x32xf32>
    %get3A_56 = arith.constant 0 : index
    %get3A_57 = vector.load %arg7[%get3A_56] : memref<32xf32, #tpu.memory_space<vmem>>, vector<32xf32>
    %broadcast_in_dim3A_58 = vector.shape_cast %get3A_57 : vector<32xf32> to vector<1x32xf32>
    %add3A_59 = vector.broadcast %broadcast_in_dim3A_58 : vector<1x32xf32> to vector<16384x32xf32>
    %add3A_60 = arith.addf %dot_general3A_55, %add3A_59 : vector<16384x32xf32>
    %max3A_61 = arith.constant 0.000000e+00 : f32
    %max3A_62 = vector.broadcast %max3A_61 : f32 to vector<16384x32xf32>
    %max3A_63 = arith.maximumf %add3A_60, %max3A_62 : vector<16384x32xf32>
    %get3A_64 = arith.constant 0 : index
    %get3A_65 = vector.load %arg8[%get3A_64] : memref<32xf32, #tpu.memory_space<vmem>>, vector<32xf32>
    %get3A_66 = arith.constant 0 : index
    %get3A_67 = vector.load %arg9[%get3A_66] : memref<32xf32, #tpu.memory_space<vmem>>, vector<32xf32>
    %reduce_sum3A_68 = arith.constant dense<0.000000e+00> : vector<32xf32>
    %reduce_sum3A_69 = vector.multi_reduction <add>, %max3A_63, %reduce_sum3A_68 [0] : vector<16384x32xf32> to vector<32xf32>
    %div3A_70 = arith.constant 1.638400e+04 : f32
    %div3A_71 = vector.broadcast %div3A_70 : f32 to vector<32xf32>
    %div3A_72 = arith.divf %reduce_sum3A_69, %div3A_71 : vector<32xf32>
    %jit3A_73 = arith.constant 0 : i32
    %reduce_sum3A_74 = arith.constant dense<0.000000e+00> : vector<32xf32>
    %reduce_sum3A_75 = vector.multi_reduction <add>, %max3A_63, %reduce_sum3A_74 [0] : vector<16384x32xf32> to vector<32xf32>
    %broadcast_in_dim3A_76 = vector.shape_cast %reduce_sum3A_75 : vector<32xf32> to vector<1x32xf32>
    %div3A_77 = arith.constant 1.638400e+04 : f32
    %div3A_78 = vector.broadcast %div3A_77 : f32 to vector<1x32xf32>
    %div3A_79 = arith.divf %broadcast_in_dim3A_76, %div3A_78 : vector<1x32xf32>
    %sub3A_80 = vector.broadcast %div3A_79 : vector<1x32xf32> to vector<16384x32xf32>
    %sub3A_81 = arith.subf %max3A_63, %sub3A_80 : vector<16384x32xf32>
    %square3A_82 = arith.mulf %sub3A_81, %sub3A_81 : vector<16384x32xf32>
    %convert_element_type3A_83 = arith.sitofp %jit3A_73 : i32 to f32
    %sub3A_84 = arith.constant 1.638400e+04 : f32
    %sub3A_85 = arith.subf %sub3A_84, %convert_element_type3A_83 : f32
    %reduce_sum3A_86 = arith.constant dense<0.000000e+00> : vector<32xf32>
    %reduce_sum3A_87 = vector.multi_reduction <add>, %square3A_82, %reduce_sum3A_86 [0] : vector<16384x32xf32> to vector<32xf32>
    %div3A_88 = vector.broadcast %sub3A_85 : f32 to vector<32xf32>
    %div3A_89 = arith.divf %reduce_sum3A_87, %div3A_88 : vector<32xf32>
    %gt3A_90 = arith.constant 0.000000e+00 : f32
    %gt3A_91 = arith.cmpf ogt, %sub3A_85, %gt3A_90 : f32
    %jit3A_92 = arith.constant 0x7FC00000 : f32
    %broadcast_in_dim3A_93 = vector.broadcast %jit3A_92 : f32 to vector<32xf32>
    %select_n3A_94 = arith.select %gt3A_91, %div3A_89, %broadcast_in_dim3A_93 : vector<32xf32>
    %broadcast_in_dim3A_95 = vector.shape_cast %div3A_72 : vector<32xf32> to vector<1x32xf32>
    %sub3A_96 = vector.broadcast %broadcast_in_dim3A_95 : vector<1x32xf32> to vector<16384x32xf32>
    %sub3A_97 = arith.subf %max3A_63, %sub3A_96 : vector<16384x32xf32>
    %add3A_98 = arith.constant 9.99999974E-6 : f32
    %add3A_99 = vector.broadcast %add3A_98 : f32 to vector<32xf32>
    %add3A_100 = arith.addf %select_n3A_94, %add3A_99 : vector<32xf32>
    %sqrt3A_101 = math.sqrt %add3A_100 : vector<32xf32>
    %broadcast_in_dim3A_102 = vector.shape_cast %sqrt3A_101 : vector<32xf32> to vector<1x32xf32>
    %div3A_103 = vector.broadcast %broadcast_in_dim3A_102 : vector<1x32xf32> to vector<16384x32xf32>
    %div3A_104 = arith.divf %sub3A_97, %div3A_103 : vector<16384x32xf32>
    %broadcast_in_dim3A_105 = vector.shape_cast %get3A_65 : vector<32xf32> to vector<1x32xf32>
    %mul3A_106 = vector.broadcast %broadcast_in_dim3A_105 : vector<1x32xf32> to vector<16384x32xf32>
    %mul3A_107 = arith.mulf %div3A_104, %mul3A_106 : vector<16384x32xf32>
    %broadcast_in_dim3A_108 = vector.shape_cast %get3A_67 : vector<32xf32> to vector<1x32xf32>
    %add3A_109 = vector.broadcast %broadcast_in_dim3A_108 : vector<1x32xf32> to vector<16384x32xf32>
    %add3A_110 = arith.addf %mul3A_107, %add3A_109 : vector<16384x32xf32>
    %slice3A = vector.extract_strided_slice %get3A_1 {offsets = [0, 32], sizes = [16384, 64], strides = [1, 1]} : vector<16384x128xf32> to vector<16384x64xf32>
    %get3A_111 = arith.constant 0 : index
    %get3A_112 = arith.constant 0 : index
    %get3A_113 = vector.load %arg10[%get3A_111, %get3A_112] : memref<64x128xf32, #tpu.memory_space<vmem>>, vector<64x128xf32>
    %dot_general3A_114 = arith.constant dense<0.000000e+00> : vector<16384x128xf32>
    %dot_general3A_115 = tpu.matmul %slice3A, %get3A_113, %dot_general3A_114 {dimension_numbers = #tpu.dot_dimension_numbers<[1], [0], [0], [1], [0, 0, 1, 1], [], []>, transpose_lhs_hint = false} : vector<16384x64xf32>, vector<64x128xf32>, vector<16384x128xf32> -> vector<16384x128xf32>
    %get3A_116 = arith.constant 0 : index
    %get3A_117 = arith.constant 0 : index
    %get3A_118 = vector.load %arg11[%get3A_116, %get3A_117] : memref<32x128xf32, #tpu.memory_space<vmem>>, vector<32x128xf32>
    %dot_general3A_119 = arith.constant dense<0.000000e+00> : vector<16384x128xf32>
    %dot_general3A_120 = tpu.matmul %add3A_110, %get3A_118, %dot_general3A_119 {dimension_numbers = #tpu.dot_dimension_numbers<[1], [0], [0], [1], [0, 0, 1, 1], [], []>, transpose_lhs_hint = false} : vector<16384x32xf32>, vector<32x128xf32>, vector<16384x128xf32> -> vector<16384x128xf32>
    %add3A_121 = arith.addf %dot_general3A_115, %dot_general3A_120 : vector<16384x128xf32>
    %get3A_122 = arith.constant 0 : index
    %get3A_123 = vector.load %arg12[%get3A_122] : memref<128xf32, #tpu.memory_space<vmem>>, vector<128xf32>
    %broadcast_in_dim3A_124 = vector.shape_cast %get3A_123 : vector<128xf32> to vector<1x128xf32>
    %add3A_125 = vector.broadcast %broadcast_in_dim3A_124 : vector<1x128xf32> to vector<16384x128xf32>
    %add3A_126 = arith.addf %add3A_121, %add3A_125 : vector<16384x128xf32>
    %max3A_127 = arith.constant 0.000000e+00 : f32
    %max3A_128 = vector.broadcast %max3A_127 : f32 to vector<16384x128xf32>
    %max3A_129 = arith.maximumf %add3A_126, %max3A_128 : vector<16384x128xf32>
    %get3A_130 = arith.constant 0 : index
    %get3A_131 = vector.load %arg13[%get3A_130] : memref<128xf32, #tpu.memory_space<vmem>>, vector<128xf32>
    %get3A_132 = arith.constant 0 : index
    %get3A_133 = vector.load %arg14[%get3A_132] : memref<128xf32, #tpu.memory_space<vmem>>, vector<128xf32>
    %reduce_sum3A_134 = arith.constant dense<0.000000e+00> : vector<128xf32>
    %reduce_sum3A_135 = vector.multi_reduction <add>, %max3A_129, %reduce_sum3A_134 [0] : vector<16384x128xf32> to vector<128xf32>
    %div3A_136 = arith.constant 1.638400e+04 : f32
    %div3A_137 = vector.broadcast %div3A_136 : f32 to vector<128xf32>
    %div3A_138 = arith.divf %reduce_sum3A_135, %div3A_137 : vector<128xf32>
    %jit3A_139 = arith.constant 0 : i32
    %reduce_sum3A_140 = arith.constant dense<0.000000e+00> : vector<128xf32>
    %reduce_sum3A_141 = vector.multi_reduction <add>, %max3A_129, %reduce_sum3A_140 [0] : vector<16384x128xf32> to vector<128xf32>
    %broadcast_in_dim3A_142 = vector.shape_cast %reduce_sum3A_141 : vector<128xf32> to vector<1x128xf32>
    %div3A_143 = arith.constant 1.638400e+04 : f32
    %div3A_144 = vector.broadcast %div3A_143 : f32 to vector<1x128xf32>
    %div3A_145 = arith.divf %broadcast_in_dim3A_142, %div3A_144 : vector<1x128xf32>
    %sub3A_146 = vector.broadcast %div3A_145 : vector<1x128xf32> to vector<16384x128xf32>
    %sub3A_147 = arith.subf %max3A_129, %sub3A_146 : vector<16384x128xf32>
    %square3A_148 = arith.mulf %sub3A_147, %sub3A_147 : vector<16384x128xf32>
    %convert_element_type3A_149 = arith.sitofp %jit3A_139 : i32 to f32
    %sub3A_150 = arith.constant 1.638400e+04 : f32
    %sub3A_151 = arith.subf %sub3A_150, %convert_element_type3A_149 : f32
    %reduce_sum3A_152 = arith.constant dense<0.000000e+00> : vector<128xf32>
    %reduce_sum3A_153 = vector.multi_reduction <add>, %square3A_148, %reduce_sum3A_152 [0] : vector<16384x128xf32> to vector<128xf32>
    %div3A_154 = vector.broadcast %sub3A_151 : f32 to vector<128xf32>
    %div3A_155 = arith.divf %reduce_sum3A_153, %div3A_154 : vector<128xf32>
    %gt3A_156 = arith.constant 0.000000e+00 : f32
    %gt3A_157 = arith.cmpf ogt, %sub3A_151, %gt3A_156 : f32
    %jit3A_158 = arith.constant 0x7FC00000 : f32
    %broadcast_in_dim3A_159 = vector.broadcast %jit3A_158 : f32 to vector<128xf32>
    %select_n3A_160 = arith.select %gt3A_157, %div3A_155, %broadcast_in_dim3A_159 : vector<128xf32>
    %broadcast_in_dim3A_161 = vector.shape_cast %div3A_138 : vector<128xf32> to vector<1x128xf32>
    %sub3A_162 = vector.broadcast %broadcast_in_dim3A_161 : vector<1x128xf32> to vector<16384x128xf32>
    %sub3A_163 = arith.subf %max3A_129, %sub3A_162 : vector<16384x128xf32>
    %add3A_164 = arith.constant 9.99999974E-6 : f32
    %add3A_165 = vector.broadcast %add3A_164 : f32 to vector<128xf32>
    %add3A_166 = arith.addf %select_n3A_160, %add3A_165 : vector<128xf32>
    %sqrt3A_167 = math.sqrt %add3A_166 : vector<128xf32>
    %broadcast_in_dim3A_168 = vector.shape_cast %sqrt3A_167 : vector<128xf32> to vector<1x128xf32>
    %div3A_169 = vector.broadcast %broadcast_in_dim3A_168 : vector<1x128xf32> to vector<16384x128xf32>
    %div3A_170 = arith.divf %sub3A_163, %div3A_169 : vector<16384x128xf32>
    %broadcast_in_dim3A_171 = vector.shape_cast %get3A_131 : vector<128xf32> to vector<1x128xf32>
    %mul3A_172 = vector.broadcast %broadcast_in_dim3A_171 : vector<1x128xf32> to vector<16384x128xf32>
    %mul3A_173 = arith.mulf %div3A_170, %mul3A_172 : vector<16384x128xf32>
    %broadcast_in_dim3A_174 = vector.shape_cast %get3A_133 : vector<128xf32> to vector<1x128xf32>
    %add3A_175 = vector.broadcast %broadcast_in_dim3A_174 : vector<1x128xf32> to vector<16384x128xf32>
    %add3A_176 = arith.addf %mul3A_173, %add3A_175 : vector<16384x128xf32>
    %get3A_177 = arith.constant 0 : index
    %get3A_178 = arith.constant 0 : index
    %get3A_179 = vector.load %arg15[%get3A_177, %get3A_178] : memref<128x64xf32, #tpu.memory_space<vmem>>, vector<128x64xf32>
    %dot_general3A_180 = arith.constant dense<0.000000e+00> : vector<16384x64xf32>
    %dot_general3A_181 = tpu.matmul %add3A_176, %get3A_179, %dot_general3A_180 {dimension_numbers = #tpu.dot_dimension_numbers<[1], [0], [0], [1], [0, 0, 1, 1], [], []>, transpose_lhs_hint = false} : vector<16384x128xf32>, vector<128x64xf32>, vector<16384x64xf32> -> vector<16384x64xf32>
    %get3A_182 = arith.constant 0 : index
    %get3A_183 = vector.load %arg16[%get3A_182] : memref<64xf32, #tpu.memory_space<vmem>>, vector<64xf32>
    %broadcast_in_dim3A_184 = vector.shape_cast %get3A_183 : vector<64xf32> to vector<1x64xf32>
    %add3A_185 = vector.broadcast %broadcast_in_dim3A_184 : vector<1x64xf32> to vector<16384x64xf32>
    %add3A_186 = arith.addf %dot_general3A_181, %add3A_185 : vector<16384x64xf32>
    %max3A_187 = arith.constant 0.000000e+00 : f32
    %max3A_188 = vector.broadcast %max3A_187 : f32 to vector<16384x64xf32>
    %max3A_189 = arith.maximumf %add3A_186, %max3A_188 : vector<16384x64xf32>
    %get3A_190 = arith.constant 0 : index
    %get3A_191 = vector.load %arg17[%get3A_190] : memref<64xf32, #tpu.memory_space<vmem>>, vector<64xf32>
    %get3A_192 = arith.constant 0 : index
    %get3A_193 = vector.load %arg18[%get3A_192] : memref<64xf32, #tpu.memory_space<vmem>>, vector<64xf32>
    %reduce_sum3A_194 = arith.constant dense<0.000000e+00> : vector<64xf32>
    %reduce_sum3A_195 = vector.multi_reduction <add>, %max3A_189, %reduce_sum3A_194 [0] : vector<16384x64xf32> to vector<64xf32>
    %div3A_196 = arith.constant 1.638400e+04 : f32
    %div3A_197 = vector.broadcast %div3A_196 : f32 to vector<64xf32>
    %div3A_198 = arith.divf %reduce_sum3A_195, %div3A_197 : vector<64xf32>
    %jit3A_199 = arith.constant 0 : i32
    %reduce_sum3A_200 = arith.constant dense<0.000000e+00> : vector<64xf32>
    %reduce_sum3A_201 = vector.multi_reduction <add>, %max3A_189, %reduce_sum3A_200 [0] : vector<16384x64xf32> to vector<64xf32>
    %broadcast_in_dim3A_202 = vector.shape_cast %reduce_sum3A_201 : vector<64xf32> to vector<1x64xf32>
    %div3A_203 = arith.constant 1.638400e+04 : f32
    %div3A_204 = vector.broadcast %div3A_203 : f32 to vector<1x64xf32>
    %div3A_205 = arith.divf %broadcast_in_dim3A_202, %div3A_204 : vector<1x64xf32>
    %sub3A_206 = vector.broadcast %div3A_205 : vector<1x64xf32> to vector<16384x64xf32>
    %sub3A_207 = arith.subf %max3A_189, %sub3A_206 : vector<16384x64xf32>
    %square3A_208 = arith.mulf %sub3A_207, %sub3A_207 : vector<16384x64xf32>
    %convert_element_type3A_209 = arith.sitofp %jit3A_199 : i32 to f32
    %sub3A_210 = arith.constant 1.638400e+04 : f32
    %sub3A_211 = arith.subf %sub3A_210, %convert_element_type3A_209 : f32
    %reduce_sum3A_212 = arith.constant dense<0.000000e+00> : vector<64xf32>
    %reduce_sum3A_213 = vector.multi_reduction <add>, %square3A_208, %reduce_sum3A_212 [0] : vector<16384x64xf32> to vector<64xf32>
    %div3A_214 = vector.broadcast %sub3A_211 : f32 to vector<64xf32>
    %div3A_215 = arith.divf %reduce_sum3A_213, %div3A_214 : vector<64xf32>
    %gt3A_216 = arith.constant 0.000000e+00 : f32
    %gt3A_217 = arith.cmpf ogt, %sub3A_211, %gt3A_216 : f32
    %jit3A_218 = arith.constant 0x7FC00000 : f32
    %broadcast_in_dim3A_219 = vector.broadcast %jit3A_218 : f32 to vector<64xf32>
    %select_n3A_220 = arith.select %gt3A_217, %div3A_215, %broadcast_in_dim3A_219 : vector<64xf32>
    %broadcast_in_dim3A_221 = vector.shape_cast %div3A_198 : vector<64xf32> to vector<1x64xf32>
    %sub3A_222 = vector.broadcast %broadcast_in_dim3A_221 : vector<1x64xf32> to vector<16384x64xf32>
    %sub3A_223 = arith.subf %max3A_189, %sub3A_222 : vector<16384x64xf32>
    %add3A_224 = arith.constant 9.99999974E-6 : f32
    %add3A_225 = vector.broadcast %add3A_224 : f32 to vector<64xf32>
    %add3A_226 = arith.addf %select_n3A_220, %add3A_225 : vector<64xf32>
    %sqrt3A_227 = math.sqrt %add3A_226 : vector<64xf32>
    %broadcast_in_dim3A_228 = vector.shape_cast %sqrt3A_227 : vector<64xf32> to vector<1x64xf32>
    %div3A_229 = vector.broadcast %broadcast_in_dim3A_228 : vector<1x64xf32> to vector<16384x64xf32>
    %div3A_230 = arith.divf %sub3A_223, %div3A_229 : vector<16384x64xf32>
    %broadcast_in_dim3A_231 = vector.shape_cast %get3A_191 : vector<64xf32> to vector<1x64xf32>
    %mul3A_232 = vector.broadcast %broadcast_in_dim3A_231 : vector<1x64xf32> to vector<16384x64xf32>
    %mul3A_233 = arith.mulf %div3A_230, %mul3A_232 : vector<16384x64xf32>
    %broadcast_in_dim3A_234 = vector.shape_cast %get3A_193 : vector<64xf32> to vector<1x64xf32>
    %add3A_235 = vector.broadcast %broadcast_in_dim3A_234 : vector<1x64xf32> to vector<16384x64xf32>
    %add3A_236 = arith.addf %mul3A_233, %add3A_235 : vector<16384x64xf32>
    %slice3A_237 = vector.extract_strided_slice %get3A_1 {offsets = [0, 0], sizes = [16384, 32], strides = [1, 1]} : vector<16384x128xf32> to vector<16384x32xf32>
    %get3A_238 = arith.constant 0 : index
    %get3A_239 = arith.constant 0 : index
    %get3A_240 = vector.load %arg19[%get3A_238, %get3A_239] : memref<32x128xf32, #tpu.memory_space<vmem>>, vector<32x128xf32>
    %dot_general3A_241 = arith.constant dense<0.000000e+00> : vector<16384x128xf32>
    %dot_general3A_242 = tpu.matmul %slice3A_237, %get3A_240, %dot_general3A_241 {dimension_numbers = #tpu.dot_dimension_numbers<[1], [0], [0], [1], [0, 0, 1, 1], [], []>, transpose_lhs_hint = false} : vector<16384x32xf32>, vector<32x128xf32>, vector<16384x128xf32> -> vector<16384x128xf32>
    %get3A_243 = arith.constant 0 : index
    %get3A_244 = arith.constant 0 : index
    %get3A_245 = vector.load %arg20[%get3A_243, %get3A_244] : memref<64x128xf32, #tpu.memory_space<vmem>>, vector<64x128xf32>
    %dot_general3A_246 = arith.constant dense<0.000000e+00> : vector<16384x128xf32>
    %dot_general3A_247 = tpu.matmul %add3A_236, %get3A_245, %dot_general3A_246 {dimension_numbers = #tpu.dot_dimension_numbers<[1], [0], [0], [1], [0, 0, 1, 1], [], []>, transpose_lhs_hint = false} : vector<16384x64xf32>, vector<64x128xf32>, vector<16384x128xf32> -> vector<16384x128xf32>
    %add3A_248 = arith.addf %dot_general3A_242, %dot_general3A_247 : vector<16384x128xf32>
    %get3A_249 = arith.constant 0 : index
    %get3A_250 = vector.load %arg21[%get3A_249] : memref<128xf32, #tpu.memory_space<vmem>>, vector<128xf32>
    %broadcast_in_dim3A_251 = vector.shape_cast %get3A_250 : vector<128xf32> to vector<1x128xf32>
    %add3A_252 = vector.broadcast %broadcast_in_dim3A_251 : vector<1x128xf32> to vector<16384x128xf32>
    %add3A_253 = arith.addf %add3A_248, %add3A_252 : vector<16384x128xf32>
    %max3A_254 = arith.constant 0.000000e+00 : f32
    %max3A_255 = vector.broadcast %max3A_254 : f32 to vector<16384x128xf32>
    %max3A_256 = arith.maximumf %add3A_253, %max3A_255 : vector<16384x128xf32>
    %get3A_257 = arith.constant 0 : index
    %get3A_258 = vector.load %arg22[%get3A_257] : memref<128xf32, #tpu.memory_space<vmem>>, vector<128xf32>
    %get3A_259 = arith.constant 0 : index
    %get3A_260 = vector.load %arg23[%get3A_259] : memref<128xf32, #tpu.memory_space<vmem>>, vector<128xf32>
    %reduce_sum3A_261 = arith.constant dense<0.000000e+00> : vector<128xf32>
    %reduce_sum3A_262 = vector.multi_reduction <add>, %max3A_256, %reduce_sum3A_261 [0] : vector<16384x128xf32> to vector<128xf32>
    %div3A_263 = arith.constant 1.638400e+04 : f32
    %div3A_264 = vector.broadcast %div3A_263 : f32 to vector<128xf32>
    %div3A_265 = arith.divf %reduce_sum3A_262, %div3A_264 : vector<128xf32>
    %jit3A_266 = arith.constant 0 : i32
    %reduce_sum3A_267 = arith.constant dense<0.000000e+00> : vector<128xf32>
    %reduce_sum3A_268 = vector.multi_reduction <add>, %max3A_256, %reduce_sum3A_267 [0] : vector<16384x128xf32> to vector<128xf32>
    %broadcast_in_dim3A_269 = vector.shape_cast %reduce_sum3A_268 : vector<128xf32> to vector<1x128xf32>
    %div3A_270 = arith.constant 1.638400e+04 : f32
    %div3A_271 = vector.broadcast %div3A_270 : f32 to vector<1x128xf32>
    %div3A_272 = arith.divf %broadcast_in_dim3A_269, %div3A_271 : vector<1x128xf32>
    %sub3A_273 = vector.broadcast %div3A_272 : vector<1x128xf32> to vector<16384x128xf32>
    %sub3A_274 = arith.subf %max3A_256, %sub3A_273 : vector<16384x128xf32>
    %square3A_275 = arith.mulf %sub3A_274, %sub3A_274 : vector<16384x128xf32>
    %convert_element_type3A_276 = arith.sitofp %jit3A_266 : i32 to f32
    %sub3A_277 = arith.constant 1.638400e+04 : f32
    %sub3A_278 = arith.subf %sub3A_277, %convert_element_type3A_276 : f32
    %reduce_sum3A_279 = arith.constant dense<0.000000e+00> : vector<128xf32>
    %reduce_sum3A_280 = vector.multi_reduction <add>, %square3A_275, %reduce_sum3A_279 [0] : vector<16384x128xf32> to vector<128xf32>
    %div3A_281 = vector.broadcast %sub3A_278 : f32 to vector<128xf32>
    %div3A_282 = arith.divf %reduce_sum3A_280, %div3A_281 : vector<128xf32>
    %gt3A_283 = arith.constant 0.000000e+00 : f32
    %gt3A_284 = arith.cmpf ogt, %sub3A_278, %gt3A_283 : f32
    %jit3A_285 = arith.constant 0x7FC00000 : f32
    %broadcast_in_dim3A_286 = vector.broadcast %jit3A_285 : f32 to vector<128xf32>
    %select_n3A_287 = arith.select %gt3A_284, %div3A_282, %broadcast_in_dim3A_286 : vector<128xf32>
    %broadcast_in_dim3A_288 = vector.shape_cast %div3A_265 : vector<128xf32> to vector<1x128xf32>
    %sub3A_289 = vector.broadcast %broadcast_in_dim3A_288 : vector<1x128xf32> to vector<16384x128xf32>
    %sub3A_290 = arith.subf %max3A_256, %sub3A_289 : vector<16384x128xf32>
    %add3A_291 = arith.constant 9.99999974E-6 : f32
    %add3A_292 = vector.broadcast %add3A_291 : f32 to vector<128xf32>
    %add3A_293 = arith.addf %select_n3A_287, %add3A_292 : vector<128xf32>
    %sqrt3A_294 = math.sqrt %add3A_293 : vector<128xf32>
    %broadcast_in_dim3A_295 = vector.shape_cast %sqrt3A_294 : vector<128xf32> to vector<1x128xf32>
    %div3A_296 = vector.broadcast %broadcast_in_dim3A_295 : vector<1x128xf32> to vector<16384x128xf32>
    %div3A_297 = arith.divf %sub3A_290, %div3A_296 : vector<16384x128xf32>
    %broadcast_in_dim3A_298 = vector.shape_cast %get3A_258 : vector<128xf32> to vector<1x128xf32>
    %mul3A_299 = vector.broadcast %broadcast_in_dim3A_298 : vector<1x128xf32> to vector<16384x128xf32>
    %mul3A_300 = arith.mulf %div3A_297, %mul3A_299 : vector<16384x128xf32>
    %broadcast_in_dim3A_301 = vector.shape_cast %get3A_260 : vector<128xf32> to vector<1x128xf32>
    %add3A_302 = vector.broadcast %broadcast_in_dim3A_301 : vector<1x128xf32> to vector<16384x128xf32>
    %add3A_303 = arith.addf %mul3A_300, %add3A_302 : vector<16384x128xf32>
    %get3A_304 = arith.constant 0 : index
    %get3A_305 = arith.constant 0 : index
    %get3A_306 = vector.load %arg24[%get3A_304, %get3A_305] : memref<128x64xf32, #tpu.memory_space<vmem>>, vector<128x64xf32>
    %dot_general3A_307 = arith.constant dense<0.000000e+00> : vector<16384x64xf32>
    %dot_general3A_308 = tpu.matmul %add3A_303, %get3A_306, %dot_general3A_307 {dimension_numbers = #tpu.dot_dimension_numbers<[1], [0], [0], [1], [0, 0, 1, 1], [], []>, transpose_lhs_hint = false} : vector<16384x128xf32>, vector<128x64xf32>, vector<16384x64xf32> -> vector<16384x64xf32>
    %get3A_309 = arith.constant 0 : index
    %get3A_310 = vector.load %arg25[%get3A_309] : memref<64xf32, #tpu.memory_space<vmem>>, vector<64xf32>
    %broadcast_in_dim3A_311 = vector.shape_cast %get3A_310 : vector<64xf32> to vector<1x64xf32>
    %add3A_312 = vector.broadcast %broadcast_in_dim3A_311 : vector<1x64xf32> to vector<16384x64xf32>
    %add3A_313 = arith.addf %dot_general3A_308, %add3A_312 : vector<16384x64xf32>
    %max3A_314 = arith.constant 0.000000e+00 : f32
    %max3A_315 = vector.broadcast %max3A_314 : f32 to vector<16384x64xf32>
    %max3A_316 = arith.maximumf %add3A_313, %max3A_315 : vector<16384x64xf32>
    %get3A_317 = arith.constant 0 : index
    %get3A_318 = vector.load %arg26[%get3A_317] : memref<64xf32, #tpu.memory_space<vmem>>, vector<64xf32>
    %get3A_319 = arith.constant 0 : index
    %get3A_320 = vector.load %arg27[%get3A_319] : memref<64xf32, #tpu.memory_space<vmem>>, vector<64xf32>
    %reduce_sum3A_321 = arith.constant dense<0.000000e+00> : vector<64xf32>
    %reduce_sum3A_322 = vector.multi_reduction <add>, %max3A_316, %reduce_sum3A_321 [0] : vector<16384x64xf32> to vector<64xf32>
    %div3A_323 = arith.constant 1.638400e+04 : f32
    %div3A_324 = vector.broadcast %div3A_323 : f32 to vector<64xf32>
    %div3A_325 = arith.divf %reduce_sum3A_322, %div3A_324 : vector<64xf32>
    %jit3A_326 = arith.constant 0 : i32
    %reduce_sum3A_327 = arith.constant dense<0.000000e+00> : vector<64xf32>
    %reduce_sum3A_328 = vector.multi_reduction <add>, %max3A_316, %reduce_sum3A_327 [0] : vector<16384x64xf32> to vector<64xf32>
    %broadcast_in_dim3A_329 = vector.shape_cast %reduce_sum3A_328 : vector<64xf32> to vector<1x64xf32>
    %div3A_330 = arith.constant 1.638400e+04 : f32
    %div3A_331 = vector.broadcast %div3A_330 : f32 to vector<1x64xf32>
    %div3A_332 = arith.divf %broadcast_in_dim3A_329, %div3A_331 : vector<1x64xf32>
    %sub3A_333 = vector.broadcast %div3A_332 : vector<1x64xf32> to vector<16384x64xf32>
    %sub3A_334 = arith.subf %max3A_316, %sub3A_333 : vector<16384x64xf32>
    %square3A_335 = arith.mulf %sub3A_334, %sub3A_334 : vector<16384x64xf32>
    %convert_element_type3A_336 = arith.sitofp %jit3A_326 : i32 to f32
    %sub3A_337 = arith.constant 1.638400e+04 : f32
    %sub3A_338 = arith.subf %sub3A_337, %convert_element_type3A_336 : f32
    %reduce_sum3A_339 = arith.constant dense<0.000000e+00> : vector<64xf32>
    %reduce_sum3A_340 = vector.multi_reduction <add>, %square3A_335, %reduce_sum3A_339 [0] : vector<16384x64xf32> to vector<64xf32>
    %div3A_341 = vector.broadcast %sub3A_338 : f32 to vector<64xf32>
    %div3A_342 = arith.divf %reduce_sum3A_340, %div3A_341 : vector<64xf32>
    %gt3A_343 = arith.constant 0.000000e+00 : f32
    %gt3A_344 = arith.cmpf ogt, %sub3A_338, %gt3A_343 : f32
    %jit3A_345 = arith.constant 0x7FC00000 : f32
    %broadcast_in_dim3A_346 = vector.broadcast %jit3A_345 : f32 to vector<64xf32>
    %select_n3A_347 = arith.select %gt3A_344, %div3A_342, %broadcast_in_dim3A_346 : vector<64xf32>
    %broadcast_in_dim3A_348 = vector.shape_cast %div3A_325 : vector<64xf32> to vector<1x64xf32>
    %sub3A_349 = vector.broadcast %broadcast_in_dim3A_348 : vector<1x64xf32> to vector<16384x64xf32>
    %sub3A_350 = arith.subf %max3A_316, %sub3A_349 : vector<16384x64xf32>
    %add3A_351 = arith.constant 9.99999974E-6 : f32
    %add3A_352 = vector.broadcast %add3A_351 : f32 to vector<64xf32>
    %add3A_353 = arith.addf %select_n3A_347, %add3A_352 : vector<64xf32>
    %sqrt3A_354 = math.sqrt %add3A_353 : vector<64xf32>
    %broadcast_in_dim3A_355 = vector.shape_cast %sqrt3A_354 : vector<64xf32> to vector<1x64xf32>
    %div3A_356 = vector.broadcast %broadcast_in_dim3A_355 : vector<1x64xf32> to vector<16384x64xf32>
    %div3A_357 = arith.divf %sub3A_350, %div3A_356 : vector<16384x64xf32>
    %broadcast_in_dim3A_358 = vector.shape_cast %get3A_318 : vector<64xf32> to vector<1x64xf32>
    %mul3A_359 = vector.broadcast %broadcast_in_dim3A_358 : vector<1x64xf32> to vector<16384x64xf32>
    %mul3A_360 = arith.mulf %div3A_357, %mul3A_359 : vector<16384x64xf32>
    %broadcast_in_dim3A_361 = vector.shape_cast %get3A_320 : vector<64xf32> to vector<1x64xf32>
    %add3A_362 = vector.broadcast %broadcast_in_dim3A_361 : vector<1x64xf32> to vector<16384x64xf32>
    %add3A_363 = arith.addf %mul3A_360, %add3A_362 : vector<16384x64xf32>
    %get3A_364 = arith.constant 0 : index
    %get3A_365 = arith.constant 0 : index
    %get3A_366 = vector.load %arg28[%get3A_364, %get3A_365] : memref<64x1xf32, #tpu.memory_space<vmem>>, vector<64x1xf32>
    %dot_general3A_367 = arith.constant dense<0.000000e+00> : vector<16384x1xf32>
    %dot_general3A_368 = tpu.matmul %add3A_363, %get3A_366, %dot_general3A_367 {dimension_numbers = #tpu.dot_dimension_numbers<[1], [0], [0], [1], [0, 0, 1, 1], [], []>, transpose_lhs_hint = false} : vector<16384x64xf32>, vector<64x1xf32>, vector<16384x1xf32> -> vector<16384x1xf32>
    %get3A_369 = arith.constant 0 : index
    %get3A_370 = vector.load %arg29[%get3A_369] : memref<1xf32, #tpu.memory_space<vmem>>, vector<1xf32>
    %broadcast_in_dim3A_371 = vector.shape_cast %get3A_370 : vector<1xf32> to vector<1x1xf32>
    %add3A_372 = vector.broadcast %broadcast_in_dim3A_371 : vector<1x1xf32> to vector<16384x1xf32>
    %add3A_373 = arith.addf %dot_general3A_368, %add3A_372 : vector<16384x1xf32>
    %logistic3A = arith.negf %add3A_373 : vector<16384x1xf32>
    %logistic3A_374 = math.exp %logistic3A : vector<16384x1xf32>
    %logistic3A_375 = arith.constant 1.000000e+00 : f32
    %logistic3A_376 = vector.broadcast %logistic3A_375 : f32 to vector<16384x1xf32>
    %logistic3A_377 = arith.addf %logistic3A_376, %logistic3A_374 : vector<16384x1xf32>
    %logistic3A_378 = arith.divf %logistic3A_376, %logistic3A_377 : vector<16384x1xf32>
    %swap3A = arith.constant 0 : index
    %swap3A_379 = arith.constant 0 : index
    %swap3A_380 = vector.load %arg30[%swap3A, %swap3A_379] : memref<16384x1xf32, #tpu.memory_space<vmem>>, vector<16384x1xf32>
    tpu.vector_store %arg30[%swap3A, %swap3A_379], %logistic3A_378 {strides = array<i32>} : memref<16384x1xf32, #tpu.memory_space<vmem>>, vector<16384x1xf32>,
    return
  }
}

</mosaic_0001>

<sc_bundles>
// kernel: kernel.4.cloned.1.call-start
scs
__scs_entry_jumppad:
0x0: {  	(pc) =	sbr.rel $0x88, $3  }
0x1: {  	(tag) =	ssettag $0x0;
	lr =	simm.s32 $0x1  }
0x2: {  	[smem:$0x3F7E] =	sst lr;
	_ =	strace $0xD0000000  }
0x3: {  	_ = 	snop  }
0x4: {  	_ = 	snop  }
0x5: {  	_ = 	snop  }
0x6: {  	_ = 	snop  }
0x7: {  	_ = 	snop  }
__scs_overlays_trampoline_lowered:
0x8: {  	[smem:$0x3F8D] =	sst s0  }
0x9: {  	[smem:$0x3F8E] =	sst s1  }
0xa: {  	[smem:$0x3F8F] =	sst s2  }
0xb: {  	[smem:$0x3F90] =	sst s3  }
0xc: {  	[smem:$0x3F91] =	sst s4  }
0xd: {  	[smem:$0x3F92] =	sst s5  }
0xe: {  	[smem:$0x3F93] =	sst s6  }
0xf: {  	[smem:$0x3F94] =	sst s7  }
0x10: {  	[smem:$0x3F95] =	sst s8  }
0x11: {  	[smem:$0x3F96] =	sst s9;
	s0 =	simm.s32 @!p0 $0x0  }
0x12: {  	s1 =	sld [smem:$0x3F7C];
	s0 =	simm.s32 @p0 $0x1  }
0x13: {  	[smem:$0x3F97] =	sst s0;
	s0 =	simm.s32 @!p1 $0x0  }
0x14: {  	s2 =	sld [smem:$0x3F7B];
	s0 =	simm.s32 @p1 $0x1  }
0x15: {  	[smem:$0x3F98] =	sst s0;
	s0 =	simm.s32 @!p2 $0x0  }
0x16: {  	s3 =	sld [smem:$0x3FDB];
	s0 =	simm.s32 @p2 $0x1  }
0x17: {  	s4 =	simm.s32 $0x1BF5;
	[smem:$0x3F9A] =	sst s0  }
0x18: {  	s0 =	sld [smem:$0x3F7D];
	_ =	swait.ge [sflag:s4], $0x0  }
0x19: {  	s7 =	sld [smem:$0x3F7E]  }
0x1a: {  	s8 =	sadd.s32 $0xFFFFE003, lr  }
0x1b: {  	s9 =	sadd.s32 $0xFFFFFEF7, lr;
	s5 =	simm.s32 $0xFFFFFFFF;
	p2 =	slt.u32 s8, $0xFFFFF086  }
0x1c: {  	p1 =	slt.u32 s9, $0xF7A;
	s5 =	simm.s32 @!p2 $0x0  }
0x1d: {  	s5 =	simm.s32 @p1 $0x1;
	p0 =	seq.s32 s7, s2  }
0x1e: {  	s7 =	smul.u32 @!p0 $0xF7A, s2;
	p2 =	seq.s32 @!p0 s5, $0x0  }
0x1f: {  	s9 =	smul.u32 $0xF7A, s1;
	s8 =	simm.s32 @!p0 $0x1BF5;
	p2 =	por !p2, p0  }
0x20: {  	[sflag:s8] =	ssyncset.s32 @!p0 $0xFFFFF086;
	s6 =	sadd.s32 @!p0 s3, s7;
	s7 =	simm.s32 @!p0 $0x108  }
0x21: {  	s3 =	sadd.s32 s3, s9;
	s6 =	sadd.s32 @!p0 $0x88, s6;
	s7 =	simm.s32 @p2 $0x1082  }
0x22: {  	[simem:s7], [sflag:s8] =	dma.local @!p0 [hbm:s6], $0xF7A  }
0x23: {  	s9 =	sor.u32 $0xD0000000, s2;
	s6 =	simm.s32 $0x108;
	_ =	swait.ge @!p0 [sflag:s8], $0x0  }
0x24: {  	s3 =	sadd.s32 $0x88, s3;
	s6 =	simm.s32 @!p1 $0x1082;
	[sflag:s4] =	ssyncset.s32 $0xFFFFF086  }
0x25: {  	[simem:s6], [sflag:s4] =	dma.local [hbm:s3], $0xF7A  }
0x26: {  	[smem:$0x3F7E] =	sst s1;
	(tag) =	ssettag s2;
	_ =	strace s9  }
0x27: {  	s1 =	sld [smem:$0x3F8E]  }
0x28: {  	s2 =	sld [smem:$0x3F8F]  }
0x29: {  	s4 =	sld [smem:$0x3F91]  }
0x2a: {  	p0 =	seq.s32 s5, $0x0;
	s5 =	sld [smem:$0x3F92]  }
0x2b: {  	s6 =	sld [smem:$0x3F93]  }
0x2c: {  	s7 =	sld [smem:$0x3F94]  }
0x2d: {  	s3 =	simm.s32 $0x108;
	s8 =	sld [smem:$0x3F95]  }
0x2e: {  	s3 =	simm.s32 @!p0 $0x1082;
	s9 =	sld [smem:$0x3F96]  }
0x2f: {  	lr =	sadd.s32 s0, s3;
	s0 =	sld [smem:$0x3F8D]  }
0x30: {  	s3 =	sld [smem:$0x3F90]  }
0x31: {  	[smem:$0x3F99] =	sst s10  }
0x32: {  	s10 =	sld [smem:$0x3F97];
	_ =	sdelay $0x3  }
0x33: {  	p0 =	seq.s32 s10, $0x1;
	s10 =	sld [smem:$0x3F99];
	_ =	sdelay $0x3  }
0x34: {  	[smem:$0x3F99] =	sst s10  }
0x35: {  	s10 =	sld [smem:$0x3F98];
	_ =	sdelay $0x3  }
0x36: {  	p1 =	seq.s32 s10, $0x1;
	s10 =	sld [smem:$0x3F99];
	_ =	sdelay $0x3  }
0x37: {  	[smem:$0x3F99] =	sst s10  }
0x38: {  	s10 =	sld [smem:$0x3F9A]  }
0x39: {  	_ = 	snop;
	(pc) =	sbr.ind lr, $3  }
0x3a: {  	_ = 	snop  }
0x3b: {  	_ = 	snop  }
0x3c: {  	p2 =	seq.s32 s10, $0x1;
	s10 =	sld [smem:$0x3F99]  }
0x3d: {  	_ =	shalt  }
0x3e: {  	_ =	shalt  }
0x3f: {  	_ =	shalt  }
0x40: {  	_ =	shalt  }
0x41: {  	_ =	shalt  }
0x42: {  	_ =	shalt  }
0x43: {  	_ =	shalt  }
0x44: {  	_ =	shalt  }
0x45: {  	_ =	shalt  }
0x46: {  	_ =	shalt  }
0x47: {  	_ =	shalt  }
0x48: {  	_ =	shalt  }
0x49: {  	_ =	shalt  }
0x4a: {  	_ =	shalt  }
0x4b: {  	_ =	shalt  }
0x4c: {  	_ =	shalt  }
0x4d: {  	_ =	shalt  }
0x4e: {  	_ =	shalt  }
0x4f: {  	_ =	shalt  }
0x50: {  	_ =	shalt  }
0x51: {  	_ =	shalt  }
0x52: {  	_ =	shalt  }
0x53: {  	_ =	shalt  }
0x54: {  	_ =	shalt  }
0x55: {  	_ =	shalt  }
0x56: {  	_ =	shalt  }
0x57: {  	_ =	shalt  }
0x58: {  	_ =	shalt  }
0x59: {  	_ =	shalt  }
0x5a: {  	_ =	shalt  }
0x5b: {  	_ =	shalt  }
0x5c: {  	_ =	shalt  }
0x5d: {  	_ =	shalt  }
0x5e: {  	_ =	shalt  }
0x5f: {  	_ =	shalt  }
0x60: {  	_ =	shalt  }
0x61: {  	_ =	shalt  }
0x62: {  	_ =	shalt  }
0x63: {  	_ =	shalt  }
0x64: {  	_ =	shalt  }
0x65: {  	_ =	shalt  }
0x66: {  	_ =	shalt  }
0x67: {  	_ =	shalt  }
0x68: {  	_ =	shalt  }
0x69: {  	_ =	shalt  }
0x6a: {  	_ =	shalt  }
0x6b: {  	_ =	shalt  }
0x6c: {  	_ =	shalt  }
0x6d: {  	_ =	shalt  }
0x6e: {  	_ =	shalt  }
0x6f: {  	_ =	shalt  }
0x70: {  	_ =	shalt  }
0x71: {  	_ =	shalt  }
0x72: {  	_ =	shalt  }
0x73: {  	_ =	shalt  }
0x74: {  	_ =	shalt  }
0x75: {  	_ =	shalt  }
0x76: {  	_ =	shalt  }
0x77: {  	_ =	shalt  }
0x78: {  	_ =	shalt  }
0x79: {  	_ =	shalt  }
0x7a: {  	_ =	shalt  }
0x7b: {  	_ =	shalt  }
0x7c: {  	_ =	shalt  }
0x7d: {  	_ =	shalt  }
0x7e: {  	_ =	shalt  }
0x7f: {  	_ =	shalt  }
0x80: {  	_ =	shalt  }
0x81: {  	_ =	shalt  }
0x82: {  	_ =	shalt  }
0x83: {  	_ =	shalt  }
0x84: {  	_ =	shalt  }
0x85: {  	_ =	shalt  }
0x86: {  	_ =	shalt  }
0x87: {  	_ =	shalt  }
.Lfunc_end0:
.L_simem_size_0:
called_computation_lowered:
.L_overlay_start_0:
0x88: {  	s2 =	sld [smem:$0x3FD9]  }
0x89: {  	s3 =	sld [smem:$0x3FFE];
	_ =	sdelay $0x1  }
0x8a: {  	s1 =	srdreg.scid  }
0x8b: {  	s0 =	sand.u32 $0x1, s1  }
0x8c: {  	s17 =	sshll.u32 s0, $0xA;
	s2 =	sadd.s32 s3, s2  }
0x8d: {  	s2 =	sadd.s32 s2, s17  }
0x8e: {  	[smem:$0x3FA5] =	sst s2  }
0x8f: {  	_ = 	snop  }
0x90: {  	s2 =	sld [smem:$0x3FC9]  }
0x91: {  	s18 =	sld [smem:$0x3FC5]  }
0x92: {  	s4 =	sld [smem:$0x3FD0];
	(tm) =	ssettm $0x1  }
0x93: {  	s5 =	sld [smem:$0x3FFB];
	_ =	sdelay $0x3  }
0x94: {  	_ =	strace s5  }
0x95: {  	s5 =	sld [smem:$0x3FFC];
	_ =	sdelay $0x3  }
0x96: {  	_ =	strace s5  }
0x97: {  	s5 =	sld [smem:$0x3FFD];
	_ =	sdelay $0x3  }
0x98: {  	_ =	strace s5  }
0x99: {  	_ =	strace $0x8FFFFFFF  }
0x9a: {  	s19 =	sld [smem:$0x3FDB];
	_ =	sdelay $0x1  }
0x9b: {  	s6 =	simm.s32 $_scs_section_size  }
0x9c: {  	s7 =	simm.s32 $_size__tile_overlayer_lowered;
	s8 =	simm.s32 $_tile_overlayer_lowered  }
0x9d: {  	s22 =	simm.s32 $0x1BFF;
	s21 =	sshll.u32 s8, $0x1;
	s5 =	sadd.s32 s6, s19  }
0x9e: {  	s9 =	simm.s32 $0x0;
	s20 =	sshll.u32 s7, $0x1;
	s7 =	sadd.s32 s21, s5  }
0x9f: {  	[timem:s9], [sflag:s22] =	dma.local [hbm:s7], s20  }
0xa0: {  	_ =	swait.ge [sflag:s22], s20  }
0xa1: {  	s6 =	ssub.s32 $0x0, s20;
	[sflag:s22] =	ssyncset.done $0x0  }
0xa2: {  	[sflag:s22] =	ssyncadd.s32 s6;
	_ =	sdelay $0x1  }
0xa3: {  	s23 =	simm.s32 $0x1B8B  }
0xa4: {  	_ =	swait.ge [sflag:s23], $0x1  }
0xa5: {  	[sflag:s23] =	ssyncset.done $0x0  }
0xa6: {  	s25 =	simm.s32 $0x1B8E;
	s24 =	sld [smem:$0x3FFE];
	[sflag:s23] =	ssyncadd.s32 $0xFFFFFFFF  }
0xa7: {  	s26 =	simm.s32 $execute0_lowered;
	[smem:$0x3FD2] =	sst s25  }
0xa8: {  	s7 =	sshll.u32 s26, $0x1;
	_ =	strace $0x80000046;
	[dreg:$0x1] =	wrdreg $0xFFFFFFFF  }
0xa9: {  	s28 =	simm.s32 $_size_execute0_lowered;
	s5 =	sadd.s32 s5, s7;
	[dreg:$0x0] =	wrdreg $0x0  }
0xaa: {  	s7 =	sshll.u32 s28, $0x1;
	[dreg:$0x2] =	wrdreg s5  }
0xab: {  	[dreg:$0x3] =	wrdreg s7  }
0xac: {  	[dreg:$0x4] =	wrdreg $0xC0  }
0xad: {  	_ =	task [dreg:s9], $0x5FFFF  }
0xae: {  	[dreg:$0x1] =	wrdreg $0xFFFFFFFF  }
0xaf: {  	[dreg:$0x0] =	wrdreg $0x60  }
0xb0: {  	[dreg:$0x2] =	wrdreg s2  }
0xb1: {  	[dreg:$0x3] =	wrdreg s18  }
0xb2: {  	[dreg:$0x4] =	wrdreg s24  }
0xb3: {  	[dreg:$0x5] =	wrdreg s4  }
0xb4: {  	[dreg:$0x6] =	wrdreg $0x9  }
0xb5: {  	_ =	task.clear_ibuf [dreg:s9], $0x7FFFF;
	_ =	strace $0x90000046  }
0xb6: {  	s29 =	simm.s32 $0x9;
	_ =	strace $0x80000048  }
0xb7: {  	_ =	swait.ge [sflag:s29], $0x1  }
0xb8: {  	[sflag:s29] =	ssyncadd.s32 $0xFFFFFFFF  }
0xb9: {  	_ =	strace $0x90000048  }
0xba: {  	_ =	sfence  }
0xbb: {  	s30 =	sld [smem:$0x0];
	_ =	sdelay $0x2  }
0xbc: {  	s31 =	sshll.u32 s1, $0xD;
	s1 =	sshrl.u32 s1, $0x2  }
0xbd: {  	s3 =	sand.u32 $0x4000, s31;
	s1 =	sadd.s32 s1, s30  }
0xbe: {  	s0 =	sor.u32 s3, s0;
	s1 =	sshll.u32 s1, $0x11  }
0xbf: {  	s0 =	sor.u32 s1, s0  }
0xc0: {  	s0 =	sadd.s32 $0x8F2B, s0  }
0xc1: {  	[sflag:s0] =	ssyncadd.remote.s32 $0x1  }
0xc2: {  	_ =	sfence.sel $0xFFFF  }
0xc3: {  	[dreg:$0x0] =	wrdreg $0xFFFFFFFF;
	(pc) =	sbr.abs _section_cstart, $3  }
0xc4: {  	[dreg:$0x1] =	wrdreg $0xFFFFFFFF  }
0xc5: {  	_ =	task.clear_ibuf [dreg:s9], $0x2FFFF;
	_ =	strace $0x9FFFFFFF  }
0xc6: {  	(tm) =	ssettm $0x7FFFFFFF  }
0xc7: {  	_ =	shalt  }
tec
execute0_lowered:
.L_overlay_start_1:
0x0: {  	(tag) =	ssettag $0x1  }
0x1: {  	s0 =	rddreg [dreg:$0x0]  }
0x2: {  	s2 =	rddreg [dreg:$0x1]  }
0x3: {  	s3 =	rddreg [dreg:$0x2]  }
0x4: {  	s1 =	rddreg [dreg:$0x3]  }
0x5: {  	s4 =	simm.s32 $0x0;
	s6 =	srdreg.scid;
	s7 =	stileid.u32  }
0x6: {  	s18 =	simm.s32 $0x2;
	s19 =	simm.s32 $0x80;
	s31 =	simm.s32 $0x50  }
0x7: {  	s11 =	simm.s32 $0xB740;
	s12 =	simm.s32 $0x820;
	s29 =	simm.s32 $0xC3C0  }
0x8: {  	s30 =	simm.s32 $0x888;
	s17 =	simm.s32 $0xD040;
	s28 =	simm.s32 $0x958  }
0x9: {  	[smem:$0x7FF] =	sst s4;
	s4 =	sadd.s32 $0x1E000, s3;
	s5 =	sadd.s32 $0x4000, s3  }
0xa: {  	s6 =	sand.u32 $0x1, s6;
	s7 =	sshll.u32 s7, $0x1;
	s8 =	sadd.s32 $0x1316E00, s3  }
0xb: {  	s21 =	sadd.s32 $0x18AA00, s3;
	_ =	strace $0x80000047;
	[dreg:$0x5] =	wrdreg s8  }
0xc: {  	[dreg:$0x6] =	wrdreg s21;
	s7 =	sor.u32 s6, s7;
	s8 =	sadd.s32 $0xF46400, s3  }
0xd: {  	s6 =	ssub.s32 $0x2, s6;
	s21 =	simm.s32 $0xF7C0;
	s9 =	sshll.u32 s7, $0xD  }
0xe: {  	s22 =	sshrl.u32 s6, $0x1;
	s10 =	sshll.u32 s7, $0x6;
	s13 =	sshll.u32 s7, $0x7  }
0xf: {  	s15 =	sshll.u32 s7, $0x8;
	s7 =	simm.s32 $0xE940;
	s3 =	sadd.s32 s9, s3  }
0x10: {  	s6 =	ssub.s32 s6, s22;
	s0 =	sadd.s32 s0, s10;
	s24 =	sadd.s32 s2, s10  }
0x11: {  	s2 =	simm.s32 $0x8F0;
	s10 =	simm.s32 $0x0;
	[dreg:$0x7] =	wrdreg s0  }
0x12: {  	s23 =	sadd.s32 $0x28000, s3;
	[dreg:$0x9] =	wrdreg s24;
	s25 =	sadd.s32 $0x28004, s3  }
0x13: {  	s14 =	sadd.s32 $0x28006, s3;
	s16 =	sadd.s32 $0x28008, s3;
	s26 =	smax.u32 s6, $0x1  }
0x14: {  	s24 =	simm.s32 $0x10;
	s0 =	simm.s32 $0x680;
	[dreg:$0x8] =	wrdreg s23  }
0x15: {  	s3 =	simm.s32 $0x64;
	s6 =	simm.s32 $0xDCC0;
	[dreg:$0xa] =	wrdreg s25  }
0x16: {  	[dreg:$0xb] =	wrdreg s26;
	s26 =	simm.s32 $0x1;
	s25 =	simm.s32 $0x400  }
.LBB2_1:
0x17: {  	[dreg:$0xc] =	wrdreg s10  }
0x18: {  	s9 =	simm.s32 $0x0;
	s20 =	rddreg [dreg:$0x7]  }
0x19: {  	[tilespmem:s9], [sflag:$0x2] =	stream.linear.gather [hbm4b:s20+s9], $0x200, $0x38;
	[tilespmem:$0xF9C0] =	vst v63  }
0x1a: {  	_ =	swait.ge [sflag:s18], $0x200  }
0x1b: {  	[sflag:s18] =	ssyncset.done $0x0  }
0x1c: {  	s20 =	simm.s32 $0x9C0;
	s10 =	rddreg [dreg:$0x5];
	[sflag:s18] =	ssyncadd.s32 $0xFFFFFE00  }
0x1d: {  	[tilespmem:s20], [sflag:$0x1] =	stream.indirect.gather [hbm4b:s10+s19], $0x20, s9, s19, $0xb8;
	[tilespmem:$0xF9C0] =	vst v63  }
0x1e: {  	s22 =	simm.s32 $0x19C0  }
0x1f: {  	[tilespmem:s22], [sflag:$0x1] =	stream.indirect.gather [hbm4b:s10+s19], $0x20, s19, s19, $0xb8;
	[tilespmem:$0xF9C0] =	vst v63  }
0x20: {  	s23 =	simm.s32 $0x29C0;
	s22 =	simm.s32 $0x100  }
0x21: {  	[tilespmem:s23], [sflag:$0x1] =	stream.indirect.gather [hbm4b:s10+s19], $0x20, s22, s19, $0xb8;
	[tilespmem:$0xF9C0] =	vst v63  }
0x22: {  	s22 =	simm.s32 $0x180;
	s23 =	simm.s32 $0x39C0  }
0x23: {  	[tilespmem:s23], [sflag:$0x1] =	stream.indirect.gather [hbm4b:s10+s19], $0x20, s22, s19, $0xb8;
	[tilespmem:$0xF9C0] =	vst v63  }
0x24: {  	_ =	swait.ge [sflag:s26], $0x1000  }
0x25: {  	[sflag:s26] =	ssyncset.done $0x0  }
0x26: {  	[sflag:s26] =	ssyncadd.s32 $0xFFFFF000  }
0x27: {  	_ =	swait.ge [sflag:s26], $0x1000  }
0x28: {  	[sflag:s26] =	ssyncset.done $0x0  }
0x29: {  	[sflag:s26] =	ssyncadd.s32 $0xFFFFF000  }
0x2a: {  	_ =	swait.ge [sflag:s26], $0x1000  }
0x2b: {  	[sflag:s26] =	ssyncset.done $0x0  }
0x2c: {  	[sflag:s26] =	ssyncadd.s32 $0xFFFFF000  }
0x2d: {  	_ =	swait.ge [sflag:s26], $0x1000  }
0x2e: {  	[sflag:s26] =	ssyncset.done $0x0  }
0x2f: {  	s23 =	simm.s32 $0x20;
	s22 =	rddreg [dreg:$0x8];
	[sflag:s26] =	ssyncadd.s32 $0xFFFFF000  }
0x30: {  	[hbm4b:s22+s23] =	stream.strided.scatter [tilespmem:s20], [sflag:$0x2], $0x4000, s19, s23, $0x38;
	[tilespmem:$0xF9C0] =	vst v63  }
0x31: {  	_ =	swait.ge [sflag:s18], $0x4000  }
0x32: {  	[sflag:s18] =	ssyncset.done $0x0  }
0x33: {  	s23 =	simm.s32 $0x200;
	s22 =	rddreg [dreg:$0x9];
	[sflag:s18] =	ssyncadd.s32 $0xFFFFC000  }
0x34: {  	[tilespmem:s23], [sflag:$0x2] =	stream.linear.gather [hbm4b:s22+s9], $0x200, $0x38;
	[tilespmem:$0xF9C0] =	vst v63  }
0x35: {  	_ =	swait.ge [sflag:s18], $0x200  }
0x36: {  	[sflag:s18] =	ssyncset.done $0x0  }
0x37: {  	s10 =	simm.s32 $0x49C0;
	s9 =	rddreg [dreg:$0x6];
	[sflag:s18] =	ssyncadd.s32 $0xFFFFFE00  }
0x38: {  	[tilespmem:s10], [sflag:$0x1] =	stream.indirect.gather [hbm4b:s9+s19], $0x10, s23, s19, $0xb8;
	[tilespmem:$0xF9C0] =	vst v63  }
0x39: {  	s22 =	simm.s32 $0x280;
	s23 =	simm.s32 $0x51C0  }
0x3a: {  	[tilespmem:s23], [sflag:$0x1] =	stream.indirect.gather [hbm4b:s9+s19], $0x10, s22, s19, $0xb8;
	[tilespmem:$0xF9C0] =	vst v63  }
0x3b: {  	s22 =	simm.s32 $0x300;
	s23 =	simm.s32 $0x59C0  }
0x3c: {  	[tilespmem:s23], [sflag:$0x1] =	stream.indirect.gather [hbm4b:s9+s19], $0x10, s22, s19, $0xb8;
	[tilespmem:$0xF9C0] =	vst v63  }
0x3d: {  	s22 =	simm.s32 $0x380;
	s23 =	simm.s32 $0x61C0  }
0x3e: {  	[tilespmem:s23], [sflag:$0x1] =	stream.indirect.gather [hbm4b:s9+s19], $0x10, s22, s19, $0xb8;
	[tilespmem:$0xF9C0] =	vst v63  }
0x3f: {  	_ =	swait.ge [sflag:s26], $0x800  }
0x40: {  	[sflag:s26] =	ssyncset.done $0x0  }
0x41: {  	[sflag:s26] =	ssyncadd.s32 $0xFFFFF800  }
0x42: {  	_ =	swait.ge [sflag:s26], $0x800  }
0x43: {  	[sflag:s26] =	ssyncset.done $0x0  }
0x44: {  	[sflag:s26] =	ssyncadd.s32 $0xFFFFF800  }
0x45: {  	_ =	swait.ge [sflag:s26], $0x800  }
0x46: {  	[sflag:s26] =	ssyncset.done $0x0  }
0x47: {  	[sflag:s26] =	ssyncadd.s32 $0xFFFFF800  }
0x48: {  	_ =	swait.ge [sflag:s26], $0x800  }
0x49: {  	[sflag:s26] =	ssyncset.done $0x0  }
0x4a: {  	s23 =	rddreg [dreg:$0xa];
	[sflag:s26] =	ssyncadd.s32 $0xFFFFF800  }
0x4b: {  	[hbm4b:s23+s24] =	stream.strided.scatter [tilespmem:s10], [sflag:$0x2], $0x2000, s19, s24, $0x38;
	[tilespmem:$0xF9C0] =	vst v63  }
0x4c: {  	_ =	swait.ge [sflag:s18], $0x2000  }
0x4d: {  	[sflag:s18] =	ssyncset.done $0x0  }
0x4e: {  	s9 =	simm.s32 $0x0;
	[sflag:s18] =	ssyncadd.s32 $0xFFFFE000  }
.LBB2_2:
0x4f: {  	s10 =	sshll.u32 s9, $0x3  }
0x50: {  	s10 =	sadd.s32 s13, s10  }
0x51: {  	s10 =	smul.u32 $0xA, s10;
	_ =	sdelay $0x1  }
0x52: {  	s20 =	sadd.s32 s4, s10;
	s10 =	simm.s32 $0x0  }
0x53: {  	[tilespmem:s25], [sflag:$0x2] =	stream.linear.gather [hbm4b:s20+s10], $0x280, $0x38;
	[tilespmem:$0xF9C0] =	vst v63  }
0x54: {  	_ =	swait.ge [sflag:s18], $0x280  }
0x55: {  	[sflag:s18] =	ssyncset.done $0x0  }
0x56: {  	s22 =	simm.s32 $0x69C0;
	[sflag:s18] =	ssyncadd.s32 $0xFFFFFD80  }
0x57: {  	[tilespmem:s22], [sflag:$0x1] =	stream.indirect.gather [hbm4b:s1+s31], $0x10, s25, s31, $0xb8;
	[tilespmem:$0xF9C0] =	vst v63  }
0x58: {  	s23 =	simm.s32 $0x450;
	s22 =	simm.s32 $0x6EC0  }
0x59: {  	[tilespmem:s22], [sflag:$0x1] =	stream.indirect.gather [hbm4b:s1+s31], $0x10, s23, s31, $0xb8;
	[tilespmem:$0xF9C0] =	vst v63  }
0x5a: {  	s22 =	simm.s32 $0x4A0;
	s23 =	simm.s32 $0x73C0  }
0x5b: {  	[tilespmem:s23], [sflag:$0x1] =	stream.indirect.gather [hbm4b:s1+s31], $0x10, s22, s31, $0xb8;
	[tilespmem:$0xF9C0] =	vst v63  }
0x5c: {  	s22 =	simm.s32 $0x4F0;
	s23 =	simm.s32 $0x78C0  }
0x5d: {  	[tilespmem:s23], [sflag:$0x1] =	stream.indirect.gather [hbm4b:s1+s31], $0x10, s22, s31, $0xb8;
	[tilespmem:$0xF9C0] =	vst v63  }
0x5e: {  	s22 =	simm.s32 $0x540;
	s23 =	simm.s32 $0x7DC0  }
0x5f: {  	[tilespmem:s23], [sflag:$0x1] =	stream.indirect.gather [hbm4b:s1+s31], $0x10, s22, s31, $0xb8;
	[tilespmem:$0xF9C0] =	vst v63  }
0x60: {  	s22 =	simm.s32 $0x590;
	s23 =	simm.s32 $0x82C0  }
0x61: {  	[tilespmem:s23], [sflag:$0x1] =	stream.indirect.gather [hbm4b:s1+s31], $0x10, s22, s31, $0xb8;
	[tilespmem:$0xF9C0] =	vst v63  }
0x62: {  	s22 =	simm.s32 $0x5E0;
	s23 =	simm.s32 $0x87C0  }
0x63: {  	[tilespmem:s23], [sflag:$0x1] =	stream.indirect.gather [hbm4b:s1+s31], $0x10, s22, s31, $0xb8;
	[tilespmem:$0xF9C0] =	vst v63  }
0x64: {  	s22 =	simm.s32 $0x630;
	s23 =	simm.s32 $0x8CC0  }
0x65: {  	[tilespmem:s23], [sflag:$0x1] =	stream.indirect.gather [hbm4b:s1+s31], $0x10, s22, s31, $0xb8;
	[tilespmem:$0xF9C0] =	vst v63  }
0x66: {  	_ =	swait.ge [sflag:s26], $0x500  }
0x67: {  	[sflag:s26] =	ssyncset.done $0x0  }
0x68: {  	[sflag:s26] =	ssyncadd.s32 $0xFFFFFB00  }
0x69: {  	_ =	swait.ge [sflag:s26], $0x500  }
0x6a: {  	[sflag:s26] =	ssyncset.done $0x0  }
0x6b: {  	[sflag:s26] =	ssyncadd.s32 $0xFFFFFB00  }
0x6c: {  	_ =	swait.ge [sflag:s26], $0x500  }
0x6d: {  	[sflag:s26] =	ssyncset.done $0x0  }
0x6e: {  	[sflag:s26] =	ssyncadd.s32 $0xFFFFFB00  }
0x6f: {  	_ =	swait.ge [sflag:s26], $0x500  }
0x70: {  	[sflag:s26] =	ssyncset.done $0x0  }
0x71: {  	[sflag:s26] =	ssyncadd.s32 $0xFFFFFB00  }
0x72: {  	_ =	swait.ge [sflag:s26], $0x500  }
0x73: {  	[sflag:s26] =	ssyncset.done $0x0  }
0x74: {  	[sflag:s26] =	ssyncadd.s32 $0xFFFFFB00  }
0x75: {  	_ =	swait.ge [sflag:s26], $0x500  }
0x76: {  	[sflag:s26] =	ssyncset.done $0x0  }
0x77: {  	[sflag:s26] =	ssyncadd.s32 $0xFFFFFB00  }
0x78: {  	_ =	swait.ge [sflag:s26], $0x500  }
0x79: {  	[sflag:s26] =	ssyncset.done $0x0  }
0x7a: {  	[sflag:s26] =	ssyncadd.s32 $0xFFFFFB00  }
0x7b: {  	_ =	swait.ge [sflag:s26], $0x500  }
0x7c: {  	[sflag:s26] =	ssyncset.done $0x0  }
0x7d: {  	s20 =	simm.s32 $0x6A60;
	[sflag:s26] =	ssyncadd.s32 $0xFFFFFB00  }
0x7e: {  	v0 =	vld [tilespmem:s20+$0xFFFFFF70]  }
0x7f: {  	s22 =	simm.s32 $0x40;
	v1 =	vld [tilespmem:s20+$0xFFFFFF60]  }
.LBB2_3:
0x80: {  	p0 =	sne.s32 s22, $0x7C0  }
0x81: {  	v2 =	vld [tilespmem:s20+$0xFFFFFF80];
	_ =	sdelay $0x1  }
0x82: {  	v3 =	vld [tilespmem:s20+$0xFFFFFF90]  }
0x83: {  	v0 =	vadd.f32 v0, v1  }
0x84: {  	v1 =	vld [tilespmem:s20+$0xFFFFFFA0]  }
0x85: {  	v0 =	vadd.f32 v2, v0  }
0x86: {  	v2 =	vld [tilespmem:s20+$0xFFFFFFB0]  }
0x87: {  	v0 =	vadd.f32 v3, v0  }
0x88: {  	v3 =	vld [tilespmem:s20+$0xFFFFFFC0]  }
0x89: {  	v0 =	vadd.f32 v1, v0  }
0x8a: {  	v1 =	vld [tilespmem:s20+$0xFFFFFFD0]  }
0x8b: {  	v0 =	vadd.f32 v2, v0  }
0x8c: {  	v2 =	vld [tilespmem:s20+$0xFFFFFFE0]  }
0x8d: {  	v0 =	vadd.f32 v3, v0  }
0x8e: {  	v3 =	vld [tilespmem:s20+$0xFFFFFFF0]  }
0x8f: {  	v0 =	vadd.f32 v1, v0  }
0x90: {  	v1 =	vld [tilespmem:s20+$0x0]  }
0x91: {  	v0 =	vadd.f32 v2, v0  }
0x92: {  	v2 =	vld [tilespmem:s20+$0x10]  }
0x93: {  	v0 =	vadd.f32 v3, v0  }
0x94: {  	v3 =	vld [tilespmem:s20+$0x20]  }
0x95: {  	v0 =	vadd.f32 v1, v0  }
0x96: {  	v1 =	vld [tilespmem:s20+$0x30]  }
0x97: {  	v0 =	vadd.f32 v2, v0  }
0x98: {  	v2 =	vld [tilespmem:s20+$0x40]  }
0x99: {  	v0 =	vadd.f32 v3, v0  }
0x9a: {  	v3 =	vld [tilespmem:s20+$0x50]  }
0x9b: {  	v0 =	vadd.f32 v1, v0  }
0x9c: {  	v1 =	vld [tilespmem:s20+$0x60]  }
0x9d: {  	v0 =	vadd.f32 v2, v0  }
0x9e: {  	v2 =	vld [tilespmem:s20+$0x70]  }
0x9f: {  	v0 =	vadd.f32 v3, v0  }
0xa0: {  	v3 =	vld [tilespmem:s20+$0x80]  }
0xa1: {  	v0 =	vadd.f32 v1, v0  }
0xa2: {  	v1 =	vld [tilespmem:s20+$0x90]  }
0xa3: {  	v0 =	vadd.f32 v2, v0;
	_ =	sdelay $0x1  }
0xa4: {  	v0 =	vadd.f32 v3, v0;
	_ =	sdelay $0x1  }
.Ltmp0:
0xa5: {  	v0 =	vadd.f32 v1, v0;
	(pc) =	sbr.rel @p0 .LBB2_3-.Ltmp0, $4  }
0xa6: {  	s23 =	sshra.s32 s10, $0x2;
	s10 =	smov.u32 s22  }
0xa7: {  	s20 =	sadd.s32 $0x140, s20;
	[tilespmem:s23+$0xF5C0] =	vst v0  }
0xa8: {  	v0 =	vld [tilespmem:s20+$0xFFFFFF70]  }
0xa9: {  	s22 =	sadd.s32 $0x40, s22;
	v1 =	vld [tilespmem:s20+$0xFFFFFF60]  }
0xaa: {  	_ = 	snop  }
0xab: {  	v2 =	vld [tilespmem:s20+$0xFFFFFF80];
	_ =	sdelay $0x1  }
0xac: {  	v3 =	vld [tilespmem:s20+$0xFFFFFF90]  }
0xad: {  	v0 =	vadd.f32 v0, v1  }
0xae: {  	v48 =	vld [tilespmem:s20+$0xFFFFFFA0]  }
0xaf: {  	v0 =	vadd.f32 v2, v0  }
0xb0: {  	v49 =	vld [tilespmem:s20+$0xFFFFFFB0]  }
0xb1: {  	v0 =	vadd.f32 v3, v0  }
0xb2: {  	v50 =	vld [tilespmem:s20+$0xFFFFFFC0]  }
0xb3: {  	v0 =	vadd.f32 v48, v0  }
0xb4: {  	v51 =	vld [tilespmem:s20+$0xFFFFFFD0]  }
0xb5: {  	v0 =	vadd.f32 v49, v0  }
0xb6: {  	v52 =	vld [tilespmem:s20+$0xFFFFFFE0]  }
0xb7: {  	v0 =	vadd.f32 v50, v0  }
0xb8: {  	v53 =	vld [tilespmem:s20+$0xFFFFFFF0]  }
0xb9: {  	v0 =	vadd.f32 v51, v0  }
0xba: {  	v54 =	vld [tilespmem:s20+$0x0]  }
0xbb: {  	v0 =	vadd.f32 v52, v0  }
0xbc: {  	v55 =	vld [tilespmem:s20+$0x10]  }
0xbd: {  	v0 =	vadd.f32 v53, v0  }
0xbe: {  	v56 =	vld [tilespmem:s20+$0x20]  }
0xbf: {  	v0 =	vadd.f32 v54, v0  }
0xc0: {  	v57 =	vld [tilespmem:s20+$0x30]  }
0xc1: {  	v0 =	vadd.f32 v55, v0  }
0xc2: {  	v58 =	vld [tilespmem:s20+$0x40]  }
0xc3: {  	v0 =	vadd.f32 v56, v0  }
0xc4: {  	v59 =	vld [tilespmem:s20+$0x50]  }
0xc5: {  	v0 =	vadd.f32 v57, v0  }
0xc6: {  	v60 =	vld [tilespmem:s20+$0x60]  }
0xc7: {  	v0 =	vadd.f32 v58, v0  }
0xc8: {  	v61 =	vld [tilespmem:s20+$0x70]  }
0xc9: {  	v0 =	vadd.f32 v59, v0  }
0xca: {  	v62 =	vld [tilespmem:s20+$0x80]  }
0xcb: {  	v0 =	vadd.f32 v60, v0  }
0xcc: {  	v63 =	vld [tilespmem:s20+$0x90]  }
0xcd: {  	v0 =	vadd.f32 v61, v0;
	_ =	sdelay $0x1  }
0xce: {  	v0 =	vadd.f32 v62, v0;
	_ =	sdelay $0x1  }
0xcf: {  	s23 =	sshll.u32 s9, $0x9;
	s9 =	sadd.s32 $0x1, s9;
	v0 =	vadd.f32 v63, v0  }
0xd0: {  	s10 =	sshra.s32 s10, $0x2;
	p0 =	sne.s32 s9, $0x10  }
.Ltmp1:
0xd1: {  	s22 =	sadd.s32 s23, s14;
	s23 =	simm.s32 $0xF5C0;
	[tilespmem:s10+$0xF5C0] =	vst v0;
	(pc) =	sbr.rel @p0 .LBB2_2-.Ltmp1, $4  }
0xd2: {  	[hbm4b:s22+s24] =	stream.strided.scatter [tilespmem:s23], [sflag:$0x2], $0x200, s19, s24, $0x38;
	[tilespmem:$0xF9C0] =	vst v63  }
0xd3: {  	_ =	swait.ge [sflag:s18], $0x200  }
0xd4: {  	[sflag:s18] =	ssyncset.done $0x0  }
0xd5: {  	s22 =	simm.s32 $0x0;
	[sflag:s18] =	ssyncadd.s32 $0xFFFFFE00  }
0xd6: {  	s23 =	simm.s32 $0x0  }
.LBB2_6:
0xd7: {  	s9 =	sshll.u32 s23, $0x3  }
0xd8: {  	s9 =	sadd.s32 s15, s9  }
0xd9: {  	s9 =	smul.u32 $0xD, s9;
	_ =	sdelay $0x1  }
0xda: {  	s9 =	sadd.s32 s5, s9  }
0xdb: {  	[tilespmem:s0], [sflag:$0x2] =	stream.linear.gather [hbm4b:s9+s22], $0x340, $0x38;
	[tilespmem:$0xF9C0] =	vst v63  }
0xdc: {  	_ =	swait.ge [sflag:s18], $0x340  }
0xdd: {  	[sflag:s18] =	ssyncset.done $0x0  }
0xde: {  	s10 =	simm.s32 $0x91C0;
	[sflag:s18] =	ssyncadd.s32 $0xFFFFFCC0  }
0xdf: {  	[tilespmem:s10], [sflag:$0x1] =	stream.indirect.gather [hbm4b:s8+s3], $0x20, s0, s3, $0xb8;
	[tilespmem:$0xF9C0] =	vst v63  }
0xe0: {  	s20 =	simm.s32 $0x6E8;
	s10 =	simm.s32 $0x9E40  }
0xe1: {  	[tilespmem:s10], [sflag:$0x1] =	stream.indirect.gather [hbm4b:s8+s3], $0x20, s20, s3, $0xb8;
	[tilespmem:$0xF9C0] =	vst v63  }
0xe2: {  	s10 =	simm.s32 $0x750;
	s20 =	simm.s32 $0xAAC0  }
0xe3: {  	[tilespmem:s20], [sflag:$0x1] =	stream.indirect.gather [hbm4b:s8+s3], $0x20, s10, s3, $0xb8;
	[tilespmem:$0xF9C0] =	vst v63  }
0xe4: {  	s20 =	simm.s32 $0x7B8  }
0xe5: {  	[tilespmem:s11], [sflag:$0x1] =	stream.indirect.gather [hbm4b:s8+s3], $0x20, s20, s3, $0xb8;
	[tilespmem:$0xF9C0] =	vst v63  }
0xe6: {  	_ = 	snop  }
0xe7: {  	[tilespmem:s29], [sflag:$0x1] =	stream.indirect.gather [hbm4b:s8+s3], $0x20, s12, s3, $0xb8;
	[tilespmem:$0xF9C0] =	vst v63  }
0xe8: {  	_ = 	snop  }
0xe9: {  	[tilespmem:s17], [sflag:$0x1] =	stream.indirect.gather [hbm4b:s8+s3], $0x20, s30, s3, $0xb8;
	[tilespmem:$0xF9C0] =	vst v63  }
0xea: {  	_ = 	snop  }
0xeb: {  	[tilespmem:s6], [sflag:$0x1] =	stream.indirect.gather [hbm4b:s8+s3], $0x20, s2, s3, $0xb8;
	[tilespmem:$0xF9C0] =	vst v63  }
0xec: {  	_ = 	snop  }
0xed: {  	[tilespmem:s7], [sflag:$0x1] =	stream.indirect.gather [hbm4b:s8+s3], $0x20, s28, s3, $0xb8;
	[tilespmem:$0xF9C0] =	vst v63  }
0xee: {  	_ =	swait.ge [sflag:s26], $0xC80  }
0xef: {  	[sflag:s26] =	ssyncset.done $0x0  }
0xf0: {  	[sflag:s26] =	ssyncadd.s32 $0xFFFFF380  }
0xf1: {  	_ =	swait.ge [sflag:s26], $0xC80  }
0xf2: {  	[sflag:s26] =	ssyncset.done $0x0  }
0xf3: {  	[sflag:s26] =	ssyncadd.s32 $0xFFFFF380  }
0xf4: {  	_ =	swait.ge [sflag:s26], $0xC80  }
0xf5: {  	[sflag:s26] =	ssyncset.done $0x0  }
0xf6: {  	[sflag:s26] =	ssyncadd.s32 $0xFFFFF380  }
0xf7: {  	_ =	swait.ge [sflag:s26], $0xC80  }
0xf8: {  	[sflag:s26] =	ssyncset.done $0x0  }
0xf9: {  	[sflag:s26] =	ssyncadd.s32 $0xFFFFF380  }
0xfa: {  	_ =	swait.ge [sflag:s26], $0xC80  }
0xfb: {  	[sflag:s26] =	ssyncset.done $0x0  }
0xfc: {  	[sflag:s26] =	ssyncadd.s32 $0xFFFFF380  }
0xfd: {  	_ =	swait.ge [sflag:s26], $0xC80  }
0xfe: {  	[sflag:s26] =	ssyncset.done $0x0  }
0xff: {  	[sflag:s26] =	ssyncadd.s32 $0xFFFFF380  }
0x100: {  	_ =	swait.ge [sflag:s26], $0xC80  }
0x101: {  	[sflag:s26] =	ssyncset.done $0x0  }
0x102: {  	[sflag:s26] =	ssyncadd.s32 $0xFFFFF380  }
0x103: {  	_ =	swait.ge [sflag:s26], $0xC80  }
0x104: {  	[sflag:s26] =	ssyncset.done $0x0  }
0x105: {  	s20 =	simm.s32 $0x94E0;
	[sflag:s26] =	ssyncadd.s32 $0xFFFFF380  }
0x106: {  	v0 =	vld [tilespmem:s20+$0xFFFFFD00]  }
0x107: {  	v1 =	vld [tilespmem:s20+$0xFFFFFD10]  }
0x108: {  	v2 =	vld [tilespmem:s20+$0xFFFFFCE0]  }
0x109: {  	v3 =	vld [tilespmem:s20+$0xFFFFFCF0]  }
0x10a: {  	v4 =	vld [tilespmem:s20+$0xFFFFFD20]  }
0x10b: {  	v5 =	vld [tilespmem:s20+$0xFFFFFD30]  }
0x10c: {  	v6 =	vld [tilespmem:s20+$0xFFFFFD40]  }
0x10d: {  	v7 =	vld [tilespmem:s20+$0xFFFFFD60];
	v0 =	vadd.f32 v0, v2  }
0x10e: {  	v2 =	vld [tilespmem:s20+$0xFFFFFD50]  }
0x10f: {  	v59 =	vld [tilespmem:s20+$0xFFFFFD80];
	v1 =	vadd.f32 v1, v3;
	v0 =	vadd.f32 v4, v0  }
0x110: {  	v3 =	vld [tilespmem:s20+$0xFFFFFD70]  }
0x111: {  	v60 =	vld [tilespmem:s20+$0xFFFFFD90];
	v1 =	vadd.f32 v5, v1;
	v0 =	vadd.f32 v6, v0  }
0x112: {  	v61 =	vld [tilespmem:s20+$0xFFFFFDA0]  }
0x113: {  	v62 =	vld [tilespmem:s20+$0xFFFFFDC0];
	v1 =	vadd.f32 v2, v1;
	v0 =	vadd.f32 v7, v0  }
0x114: {  	v2 =	vld [tilespmem:s20+$0xFFFFFDB0]  }
0x115: {  	v63 =	vld [tilespmem:s20+$0xFFFFFDE0];
	v1 =	vadd.f32 v3, v1;
	v0 =	vadd.f32 v59, v0  }
0x116: {  	v3 =	vld [tilespmem:s20+$0xFFFFFDD0]  }
0x117: {  	v9 =	vld [tilespmem:s20+$0xFFFFFDF0];
	v1 =	vadd.f32 v60, v1;
	v0 =	vadd.f32 v61, v0  }
0x118: {  	v10 =	vld [tilespmem:s20+$0xFFFFFE00]  }
0x119: {  	v11 =	vld [tilespmem:s20+$0xFFFFFE20];
	v1 =	vadd.f32 v2, v1;
	v0 =	vadd.f32 v62, v0  }
0x11a: {  	v2 =	vld [tilespmem:s20+$0xFFFFFE10]  }
0x11b: {  	v12 =	vld [tilespmem:s20+$0xFFFFFE40];
	v1 =	vadd.f32 v3, v1;
	v0 =	vadd.f32 v63, v0  }
0x11c: {  	v3 =	vld [tilespmem:s20+$0xFFFFFE30]  }
0x11d: {  	v13 =	vld [tilespmem:s20+$0xFFFFFE50];
	v1 =	vadd.f32 v9, v1;
	v0 =	vadd.f32 v10, v0  }
0x11e: {  	v14 =	vld [tilespmem:s20+$0xFFFFFE60]  }
0x11f: {  	v15 =	vld [tilespmem:s20+$0xFFFFFE80];
	v1 =	vadd.f32 v2, v1;
	v0 =	vadd.f32 v11, v0  }
0x120: {  	v2 =	vld [tilespmem:s20+$0xFFFFFE70]  }
0x121: {  	v16 =	vld [tilespmem:s20+$0xFFFFFEA0];
	v1 =	vadd.f32 v3, v1;
	v0 =	vadd.f32 v12, v0  }
0x122: {  	v3 =	vld [tilespmem:s20+$0xFFFFFE90]  }
0x123: {  	v17 =	vld [tilespmem:s20+$0xFFFFFEB0];
	v1 =	vadd.f32 v13, v1;
	v0 =	vadd.f32 v14, v0  }
0x124: {  	v18 =	vld [tilespmem:s20+$0xFFFFFEC0]  }
0x125: {  	v19 =	vld [tilespmem:s20+$0xFFFFFEE0];
	v1 =	vadd.f32 v2, v1;
	v0 =	vadd.f32 v15, v0  }
0x126: {  	v2 =	vld [tilespmem:s20+$0xFFFFFED0]  }
0x127: {  	v20 =	vld [tilespmem:s20+$0xFFFFFF00];
	v1 =	vadd.f32 v3, v1;
	v0 =	vadd.f32 v16, v0  }
0x128: {  	v3 =	vld [tilespmem:s20+$0xFFFFFEF0]  }
0x129: {  	v21 =	vld [tilespmem:s20+$0xFFFFFF10];
	v1 =	vadd.f32 v17, v1;
	v0 =	vadd.f32 v18, v0  }
0x12a: {  	v22 =	vld [tilespmem:s20+$0xFFFFFF20]  }
0x12b: {  	v23 =	vld [tilespmem:s20+$0xFFFFFF40];
	v1 =	vadd.f32 v2, v1;
	v0 =	vadd.f32 v19, v0  }
0x12c: {  	v2 =	vld [tilespmem:s20+$0xFFFFFF30]  }
0x12d: {  	v24 =	vld [tilespmem:s20+$0xFFFFFF60];
	v1 =	vadd.f32 v3, v1;
	v0 =	vadd.f32 v20, v0  }
0x12e: {  	v3 =	vld [tilespmem:s20+$0xFFFFFF50]  }
0x12f: {  	v25 =	vld [tilespmem:s20+$0xFFFFFF70];
	v1 =	vadd.f32 v21, v1;
	v0 =	vadd.f32 v22, v0  }
0x130: {  	v26 =	vld [tilespmem:s20+$0xFFFFFF80]  }
0x131: {  	v27 =	vld [tilespmem:s20+$0xFFFFFFA0];
	v1 =	vadd.f32 v2, v1;
	v0 =	vadd.f32 v23, v0  }
0x132: {  	v2 =	vld [tilespmem:s20+$0xFFFFFF90]  }
0x133: {  	v28 =	vld [tilespmem:s20+$0xFFFFFFC0];
	v1 =	vadd.f32 v3, v1;
	v0 =	vadd.f32 v24, v0  }
0x134: {  	v3 =	vld [tilespmem:s20+$0xFFFFFFB0]  }
0x135: {  	v29 =	vld [tilespmem:s20+$0xFFFFFFD0];
	v1 =	vadd.f32 v25, v1;
	v0 =	vadd.f32 v26, v0  }
0x136: {  	v30 =	vld [tilespmem:s20+$0xFFFFFFE0]  }
0x137: {  	v31 =	vld [tilespmem:s20+$0x0];
	v1 =	vadd.f32 v2, v1;
	v0 =	vadd.f32 v27, v0  }
0x138: {  	v2 =	vld [tilespmem:s20+$0xFFFFFFF0]  }
0x139: {  	v32 =	vld [tilespmem:s20+$0x20];
	v1 =	vadd.f32 v3, v1;
	v0 =	vadd.f32 v28, v0  }
0x13a: {  	v3 =	vld [tilespmem:s20+$0x10]  }
0x13b: {  	v33 =	vld [tilespmem:s20+$0x30];
	v1 =	vadd.f32 v29, v1;
	v0 =	vadd.f32 v30, v0  }
0x13c: {  	v34 =	vld [tilespmem:s20+$0x40]  }
0x13d: {  	v35 =	vld [tilespmem:s20+$0x60];
	v1 =	vadd.f32 v2, v1;
	v0 =	vadd.f32 v31, v0  }
0x13e: {  	v2 =	vld [tilespmem:s20+$0x50]  }
0x13f: {  	v36 =	vld [tilespmem:s20+$0x80];
	v1 =	vadd.f32 v3, v1;
	v0 =	vadd.f32 v32, v0  }
0x140: {  	v3 =	vld [tilespmem:s20+$0x70]  }
0x141: {  	v37 =	vld [tilespmem:s20+$0x90];
	v1 =	vadd.f32 v33, v1;
	v0 =	vadd.f32 v34, v0  }
0x142: {  	v38 =	vld [tilespmem:s20+$0xA0]  }
0x143: {  	v39 =	vld [tilespmem:s20+$0xC0];
	v1 =	vadd.f32 v2, v1;
	v0 =	vadd.f32 v35, v0  }
0x144: {  	v2 =	vld [tilespmem:s20+$0xB0]  }
0x145: {  	v40 =	vld [tilespmem:s20+$0xE0];
	v1 =	vadd.f32 v3, v1;
	v0 =	vadd.f32 v36, v0  }
0x146: {  	v3 =	vld [tilespmem:s20+$0xD0]  }
0x147: {  	v41 =	vld [tilespmem:s20+$0xF0];
	v1 =	vadd.f32 v37, v1;
	v0 =	vadd.f32 v38, v0  }
0x148: {  	v42 =	vld [tilespmem:s20+$0x100]  }
0x149: {  	v43 =	vld [tilespmem:s20+$0x120];
	v1 =	vadd.f32 v2, v1;
	v0 =	vadd.f32 v39, v0  }
0x14a: {  	v2 =	vld [tilespmem:s20+$0x110]  }
0x14b: {  	v44 =	vld [tilespmem:s20+$0x140];
	v1 =	vadd.f32 v3, v1;
	v0 =	vadd.f32 v40, v0  }
0x14c: {  	v3 =	vld [tilespmem:s20+$0x130]  }
0x14d: {  	v45 =	vld [tilespmem:s20+$0x150];
	v1 =	vadd.f32 v41, v1;
	v0 =	vadd.f32 v42, v0  }
0x14e: {  	v46 =	vld [tilespmem:s20+$0x160]  }
0x14f: {  	v47 =	vld [tilespmem:s20+$0x180];
	v1 =	vadd.f32 v2, v1;
	v0 =	vadd.f32 v43, v0  }
0x150: {  	v2 =	vld [tilespmem:s20+$0x170]  }
0x151: {  	v48 =	vld [tilespmem:s20+$0x1A0];
	v1 =	vadd.f32 v3, v1;
	v0 =	vadd.f32 v44, v0  }
0x152: {  	v3 =	vld [tilespmem:s20+$0x190]  }
0x153: {  	v49 =	vld [tilespmem:s20+$0x1B0];
	v1 =	vadd.f32 v45, v1;
	v0 =	vadd.f32 v46, v0  }
0x154: {  	v50 =	vld [tilespmem:s20+$0x1C0]  }
0x155: {  	v51 =	vld [tilespmem:s20+$0x1E0];
	v1 =	vadd.f32 v2, v1;
	v0 =	vadd.f32 v47, v0  }
0x156: {  	v2 =	vld [tilespmem:s20+$0x1D0]  }
0x157: {  	v52 =	vld [tilespmem:s20+$0x200];
	v1 =	vadd.f32 v3, v1;
	v0 =	vadd.f32 v48, v0  }
0x158: {  	v3 =	vld [tilespmem:s20+$0x1F0]  }
0x159: {  	v53 =	vld [tilespmem:s20+$0x210];
	v1 =	vadd.f32 v49, v1;
	v0 =	vadd.f32 v50, v0  }
0x15a: {  	v54 =	vld [tilespmem:s20+$0x220]  }
0x15b: {  	v55 =	vld [tilespmem:s20+$0x240];
	v1 =	vadd.f32 v2, v1;
	v0 =	vadd.f32 v51, v0  }
0x15c: {  	v2 =	vld [tilespmem:s20+$0x230]  }
0x15d: {  	v56 =	vld [tilespmem:s20+$0x260];
	v1 =	vadd.f32 v3, v1;
	v0 =	vadd.f32 v52, v0  }
0x15e: {  	v3 =	vld [tilespmem:s20+$0x250]  }
0x15f: {  	v57 =	vld [tilespmem:s20+$0x270];
	v1 =	vadd.f32 v53, v1;
	v0 =	vadd.f32 v54, v0  }
0x160: {  	v58 =	vld [tilespmem:s20+$0x280]  }
0x161: {  	v59 =	vld [tilespmem:s20+$0x2A0];
	v1 =	vadd.f32 v2, v1;
	v0 =	vadd.f32 v55, v0  }
0x162: {  	v2 =	vld [tilespmem:s20+$0x290]  }
0x163: {  	v60 =	vld [tilespmem:s20+$0x2C0];
	v1 =	vadd.f32 v3, v1;
	v0 =	vadd.f32 v56, v0  }
0x164: {  	v3 =	vld [tilespmem:s20+$0x2B0]  }
0x165: {  	v61 =	vld [tilespmem:s20+$0x2D0];
	v1 =	vadd.f32 v57, v1;
	v0 =	vadd.f32 v58, v0  }
0x166: {  	v62 =	vld [tilespmem:s20+$0x2E0]  }
0x167: {  	v63 =	vld [tilespmem:s20+$0x300];
	v1 =	vadd.f32 v2, v1;
	v0 =	vadd.f32 v59, v0  }
0x168: {  	v2 =	vld [tilespmem:s20+$0x2F0]  }
0x169: {  	v1 =	vadd.f32 v3, v1;
	v0 =	vadd.f32 v60, v0  }
0x16a: {  	v3 =	vld [tilespmem:s20+$0x310]  }
0x16b: {  	v1 =	vadd.f32 v61, v1;
	v0 =	vadd.f32 v62, v0;
	_ =	sdelay $0x1  }
0x16c: {  	v1 =	vadd.f32 v2, v1;
	v2 =	vadd.f32 v63, v0  }
0x16d: {  	s10 =	simm.s32 $0x0  }
0x16e: {  	s9 =	simm.s32 $0x80;
	v0 =	vadd.f32 v3, v1;
	[tilespmem:s10+$0xF7C0] =	vst v2  }
.LBB2_7:
0x16f: {  	p0 =	sne.s32 s9, $0x780  }
0x170: {  	[tilespmem:s10+$0xF7D0] =	vst v0;
	s20 =	sadd.s32 $0x640, s20;
	s10 =	smov.u32 s9;
	s9 =	sadd.s32 $0x80, s9  }
0x171: {  	v0 =	vld [tilespmem:s20+$0xFFFFFD00]  }
0x172: {  	v1 =	vld [tilespmem:s20+$0xFFFFFD10]  }
0x173: {  	v2 =	vld [tilespmem:s20+$0xFFFFFCE0]  }
0x174: {  	v3 =	vld [tilespmem:s20+$0xFFFFFCF0]  }
0x175: {  	v4 =	vld [tilespmem:s20+$0xFFFFFD20]  }
0x176: {  	v5 =	vld [tilespmem:s20+$0xFFFFFD30]  }
0x177: {  	v6 =	vld [tilespmem:s20+$0xFFFFFD40]  }
0x178: {  	v0 =	vadd.f32 v0, v2;
	v2 =	vld [tilespmem:s20+$0xFFFFFD50]  }
0x179: {  	v1 =	vadd.f32 v1, v3;
	v3 =	vld [tilespmem:s20+$0xFFFFFD60]  }
0x17a: {  	v0 =	vadd.f32 v4, v0;
	v4 =	vld [tilespmem:s20+$0xFFFFFD70]  }
0x17b: {  	v1 =	vadd.f32 v5, v1;
	v5 =	vld [tilespmem:s20+$0xFFFFFD80]  }
0x17c: {  	v0 =	vadd.f32 v6, v0;
	v6 =	vld [tilespmem:s20+$0xFFFFFD90]  }
0x17d: {  	v1 =	vadd.f32 v2, v1;
	v2 =	vld [tilespmem:s20+$0xFFFFFDA0]  }
0x17e: {  	v0 =	vadd.f32 v3, v0;
	v3 =	vld [tilespmem:s20+$0xFFFFFDB0]  }
0x17f: {  	v1 =	vadd.f32 v4, v1;
	v4 =	vld [tilespmem:s20+$0xFFFFFDC0]  }
0x180: {  	v0 =	vadd.f32 v5, v0;
	v5 =	vld [tilespmem:s20+$0xFFFFFDD0]  }
0x181: {  	v1 =	vadd.f32 v6, v1;
	v6 =	vld [tilespmem:s20+$0xFFFFFDE0]  }
0x182: {  	v0 =	vadd.f32 v2, v0;
	v2 =	vld [tilespmem:s20+$0xFFFFFDF0]  }
0x183: {  	v1 =	vadd.f32 v3, v1;
	v3 =	vld [tilespmem:s20+$0xFFFFFE00]  }
0x184: {  	v0 =	vadd.f32 v4, v0;
	v4 =	vld [tilespmem:s20+$0xFFFFFE10]  }
0x185: {  	v1 =	vadd.f32 v5, v1;
	v5 =	vld [tilespmem:s20+$0xFFFFFE20]  }
0x186: {  	v0 =	vadd.f32 v6, v0;
	v6 =	vld [tilespmem:s20+$0xFFFFFE30]  }
0x187: {  	v1 =	vadd.f32 v2, v1;
	v2 =	vld [tilespmem:s20+$0xFFFFFE40]  }
0x188: {  	v0 =	vadd.f32 v3, v0;
	v3 =	vld [tilespmem:s20+$0xFFFFFE50]  }
0x189: {  	v1 =	vadd.f32 v4, v1;
	v4 =	vld [tilespmem:s20+$0xFFFFFE60]  }
0x18a: {  	v0 =	vadd.f32 v5, v0;
	v5 =	vld [tilespmem:s20+$0xFFFFFE70]  }
0x18b: {  	v1 =	vadd.f32 v6, v1;
	v6 =	vld [tilespmem:s20+$0xFFFFFE80]  }
0x18c: {  	v0 =	vadd.f32 v2, v0;
	v2 =	vld [tilespmem:s20+$0xFFFFFE90]  }
0x18d: {  	v1 =	vadd.f32 v3, v1;
	v3 =	vld [tilespmem:s20+$0xFFFFFEA0]  }
0x18e: {  	v0 =	vadd.f32 v4, v0;
	v4 =	vld [tilespmem:s20+$0xFFFFFEB0]  }
0x18f: {  	v1 =	vadd.f32 v5, v1;
	v5 =	vld [tilespmem:s20+$0xFFFFFEC0]  }
0x190: {  	v0 =	vadd.f32 v6, v0;
	v6 =	vld [tilespmem:s20+$0xFFFFFED0]  }
0x191: {  	v1 =	vadd.f32 v2, v1;
	v2 =	vld [tilespmem:s20+$0xFFFFFEE0]  }
0x192: {  	v0 =	vadd.f32 v3, v0;
	v3 =	vld [tilespmem:s20+$0xFFFFFEF0]  }
0x193: {  	v1 =	vadd.f32 v4, v1;
	v4 =	vld [tilespmem:s20+$0xFFFFFF00]  }
0x194: {  	v0 =	vadd.f32 v5, v0;
	v5 =	vld [tilespmem:s20+$0xFFFFFF10]  }
0x195: {  	v1 =	vadd.f32 v6, v1;
	v6 =	vld [tilespmem:s20+$0xFFFFFF20]  }
0x196: {  	v0 =	vadd.f32 v2, v0;
	v2 =	vld [tilespmem:s20+$0xFFFFFF30]  }
0x197: {  	v1 =	vadd.f32 v3, v1;
	v3 =	vld [tilespmem:s20+$0xFFFFFF40]  }
0x198: {  	v0 =	vadd.f32 v4, v0;
	v4 =	vld [tilespmem:s20+$0xFFFFFF50]  }
0x199: {  	v1 =	vadd.f32 v5, v1;
	v5 =	vld [tilespmem:s20+$0xFFFFFF60]  }
0x19a: {  	v0 =	vadd.f32 v6, v0;
	v6 =	vld [tilespmem:s20+$0xFFFFFF70]  }
0x19b: {  	v1 =	vadd.f32 v2, v1;
	v2 =	vld [tilespmem:s20+$0xFFFFFF80]  }
0x19c: {  	v0 =	vadd.f32 v3, v0;
	v3 =	vld [tilespmem:s20+$0xFFFFFF90]  }
0x19d: {  	v1 =	vadd.f32 v4, v1;
	v4 =	vld [tilespmem:s20+$0xFFFFFFA0]  }
0x19e: {  	v0 =	vadd.f32 v5, v0;
	v5 =	vld [tilespmem:s20+$0xFFFFFFB0]  }
0x19f: {  	v1 =	vadd.f32 v6, v1;
	v6 =	vld [tilespmem:s20+$0xFFFFFFC0]  }
0x1a0: {  	v0 =	vadd.f32 v2, v0;
	v2 =	vld [tilespmem:s20+$0xFFFFFFD0]  }
0x1a1: {  	v1 =	vadd.f32 v3, v1;
	v3 =	vld [tilespmem:s20+$0xFFFFFFE0]  }
0x1a2: {  	v0 =	vadd.f32 v4, v0;
	v4 =	vld [tilespmem:s20+$0xFFFFFFF0]  }
0x1a3: {  	v1 =	vadd.f32 v5, v1;
	v5 =	vld [tilespmem:s20+$0x0]  }
0x1a4: {  	v0 =	vadd.f32 v6, v0;
	v6 =	vld [tilespmem:s20+$0x10]  }
0x1a5: {  	v1 =	vadd.f32 v2, v1;
	v2 =	vld [tilespmem:s20+$0x20]  }
0x1a6: {  	v0 =	vadd.f32 v3, v0;
	v3 =	vld [tilespmem:s20+$0x30]  }
0x1a7: {  	v1 =	vadd.f32 v4, v1;
	v4 =	vld [tilespmem:s20+$0x40]  }
0x1a8: {  	v0 =	vadd.f32 v5, v0;
	v5 =	vld [tilespmem:s20+$0x50]  }
0x1a9: {  	v1 =	vadd.f32 v6, v1;
	v6 =	vld [tilespmem:s20+$0x60]  }
0x1aa: {  	v0 =	vadd.f32 v2, v0;
	v2 =	vld [tilespmem:s20+$0x70]  }
0x1ab: {  	v1 =	vadd.f32 v3, v1;
	v3 =	vld [tilespmem:s20+$0x80]  }
0x1ac: {  	v0 =	vadd.f32 v4, v0;
	v4 =	vld [tilespmem:s20+$0x90]  }
0x1ad: {  	v1 =	vadd.f32 v5, v1;
	v5 =	vld [tilespmem:s20+$0xA0]  }
0x1ae: {  	v0 =	vadd.f32 v6, v0;
	v6 =	vld [tilespmem:s20+$0xB0]  }
0x1af: {  	v1 =	vadd.f32 v2, v1;
	v2 =	vld [tilespmem:s20+$0xC0]  }
0x1b0: {  	v0 =	vadd.f32 v3, v0;
	v3 =	vld [tilespmem:s20+$0xD0]  }
0x1b1: {  	v1 =	vadd.f32 v4, v1;
	v4 =	vld [tilespmem:s20+$0xE0]  }
0x1b2: {  	v0 =	vadd.f32 v5, v0;
	v5 =	vld [tilespmem:s20+$0xF0]  }
0x1b3: {  	v1 =	vadd.f32 v6, v1;
	v6 =	vld [tilespmem:s20+$0x100]  }
0x1b4: {  	v0 =	vadd.f32 v2, v0;
	v2 =	vld [tilespmem:s20+$0x110]  }
0x1b5: {  	v1 =	vadd.f32 v3, v1;
	v3 =	vld [tilespmem:s20+$0x120]  }
0x1b6: {  	v0 =	vadd.f32 v4, v0;
	v4 =	vld [tilespmem:s20+$0x130]  }
0x1b7: {  	v1 =	vadd.f32 v5, v1;
	v5 =	vld [tilespmem:s20+$0x140]  }
0x1b8: {  	v0 =	vadd.f32 v6, v0;
	v6 =	vld [tilespmem:s20+$0x150]  }
0x1b9: {  	v1 =	vadd.f32 v2, v1;
	v2 =	vld [tilespmem:s20+$0x160]  }
0x1ba: {  	v0 =	vadd.f32 v3, v0;
	v3 =	vld [tilespmem:s20+$0x170]  }
0x1bb: {  	v1 =	vadd.f32 v4, v1;
	v4 =	vld [tilespmem:s20+$0x180]  }
0x1bc: {  	v0 =	vadd.f32 v5, v0;
	v5 =	vld [tilespmem:s20+$0x190]  }
0x1bd: {  	v1 =	vadd.f32 v6, v1;
	v6 =	vld [tilespmem:s20+$0x1A0]  }
0x1be: {  	v0 =	vadd.f32 v2, v0;
	v2 =	vld [tilespmem:s20+$0x1B0]  }
0x1bf: {  	v1 =	vadd.f32 v3, v1;
	v3 =	vld [tilespmem:s20+$0x1C0]  }
0x1c0: {  	v0 =	vadd.f32 v4, v0;
	v4 =	vld [tilespmem:s20+$0x1D0]  }
0x1c1: {  	v1 =	vadd.f32 v5, v1;
	v5 =	vld [tilespmem:s20+$0x1E0]  }
0x1c2: {  	v0 =	vadd.f32 v6, v0;
	v6 =	vld [tilespmem:s20+$0x1F0]  }
0x1c3: {  	v1 =	vadd.f32 v2, v1;
	v2 =	vld [tilespmem:s20+$0x200]  }
0x1c4: {  	v0 =	vadd.f32 v3, v0;
	v3 =	vld [tilespmem:s20+$0x210]  }
0x1c5: {  	v1 =	vadd.f32 v4, v1;
	v4 =	vld [tilespmem:s20+$0x220]  }
0x1c6: {  	v0 =	vadd.f32 v5, v0;
	v5 =	vld [tilespmem:s20+$0x230]  }
0x1c7: {  	v1 =	vadd.f32 v6, v1;
	v6 =	vld [tilespmem:s20+$0x240]  }
0x1c8: {  	v0 =	vadd.f32 v2, v0;
	v2 =	vld [tilespmem:s20+$0x250]  }
0x1c9: {  	v1 =	vadd.f32 v3, v1;
	v3 =	vld [tilespmem:s20+$0x260]  }
0x1ca: {  	v0 =	vadd.f32 v4, v0;
	v4 =	vld [tilespmem:s20+$0x270]  }
0x1cb: {  	v1 =	vadd.f32 v5, v1;
	v5 =	vld [tilespmem:s20+$0x280]  }
0x1cc: {  	v0 =	vadd.f32 v6, v0;
	v6 =	vld [tilespmem:s20+$0x290]  }
0x1cd: {  	v1 =	vadd.f32 v2, v1;
	v2 =	vld [tilespmem:s20+$0x2A0]  }
0x1ce: {  	v0 =	vadd.f32 v3, v0;
	v3 =	vld [tilespmem:s20+$0x2B0]  }
0x1cf: {  	v1 =	vadd.f32 v4, v1;
	v4 =	vld [tilespmem:s20+$0x2C0]  }
0x1d0: {  	v0 =	vadd.f32 v5, v0;
	v5 =	vld [tilespmem:s20+$0x2D0]  }
0x1d1: {  	v1 =	vadd.f32 v6, v1;
	v6 =	vld [tilespmem:s20+$0x2E0]  }
0x1d2: {  	v0 =	vadd.f32 v2, v0;
	v2 =	vld [tilespmem:s20+$0x2F0]  }
0x1d3: {  	v1 =	vadd.f32 v3, v1;
	v3 =	vld [tilespmem:s20+$0x300]  }
0x1d4: {  	v0 =	vadd.f32 v4, v0;
	v4 =	vld [tilespmem:s20+$0x310]  }
0x1d5: {  	v1 =	vadd.f32 v5, v1  }
.Ltmp2:
0x1d6: {  	v0 =	vadd.f32 v6, v0;
	(pc) =	sbr.rel @p0 .LBB2_7-.Ltmp2, $4  }
0x1d7: {  	v1 =	vadd.f32 v2, v1  }
0x1d8: {  	v2 =	vadd.f32 v3, v0  }
0x1d9: {  	s10 =	sshra.s32 s10, $0x2;
	v0 =	vadd.f32 v4, v1  }
0x1da: {  	[tilespmem:s10+$0xF7C0] =	vst v2  }
0x1db: {  	s9 =	sshll.u32 s23, $0x8;
	s23 =	sadd.s32 $0x1, s23  }
0x1dc: {  	p0 =	sne.s32 s23, $0x20  }
.Ltmp3:
0x1dd: {  	[tilespmem:s10+$0xF7D0] =	vst v0;
	s20 =	simm.s32 $0x20;
	s9 =	sadd.s32 s9, s16;
	(pc) =	sbr.rel @p0 .LBB2_6-.Ltmp3, $4  }
0x1de: {  	[hbm4b:s9+s20] =	stream.strided.scatter [tilespmem:s21], [sflag:$0x2], $0x200, s19, s20, $0x38;
	[tilespmem:$0xF9C0] =	vst v63  }
0x1df: {  	_ =	swait.ge [sflag:s18], $0x200  }
0x1e0: {  	[sflag:s18] =	ssyncset.done $0x0  }
0x1e1: {  	[sflag:s18] =	ssyncadd.s32 $0xFFFFFE00  }
0x1e2: {  	s10 =	rddreg [dreg:$0xc]  }
0x1e3: {  	s9 =	rddreg [dreg:$0xb];
	s10 =	sadd.s32 $0x1, s10  }
0x1e4: {  	p0 =	sne.s32 s10, s9  }
.Ltmp4:
0x1e5: {  	_ = 	snop;
	(pc) =	sbr.rel @p0 .LBB2_1-.Ltmp4, $1  }
0x1e6: {  	_ =	sdelay $0x3  }
0x1e7: {  	_ =	sfence.sel $0x180000  }
0x1e8: {  	[bflag:$0x0] =	sbarrier.arrive $0xFFFF  }
0x1e9: {  	_ =	strace $0x90000047  }
0x1ea: {  	s0 =	stileid.u32;
	[bflag:$0x2] =	sbarrier.arrive $0xFFFF  }
0x1eb: {  	p0 =	sne.s32 s0, $0x0;
	s0 =	rddreg [dreg:$0x4]  }
0x1ec: {  	s0 =	sadd.s32 @!p0 $0x100000, s0  }
0x1ed: {  	[sflag:s0] =	ssyncadd.tile.s32 @!p0 $0x1;
	_ =	shalt  }
.Lfunc_end2:
_tile_overlayer_lowered:
.L_overlay_start_2:
0x1ee: {  	(tag) =	ssettag $0x2  }
0x1ef: {  	s0 =	rddreg [dreg:$0x0];
	s2 =	stileid.u32  }
0x1f0: {  	s1 =	rddreg [dreg:$0x1];
	p0 =	sne.s32 s2, $0x0  }
0x1f1: {  	s3 =	rddreg [dreg:$0x2];
	[bflag:$0x3] =	sbarrier.arrive $0xFFFF;
	s2 =	simm.s32 @!p0 $0x1C02  }
0x1f2: {  	[timem:s3], [sflag:s2] =	dma.local @!p0 [hbm:s0], s1  }
0x1f3: {  	s0 =	simm.s32 @!p0 $0x2  }
0x1f4: {  	_ =	swait.ge @!p0 [sflag:s0], s1  }
0x1f5: {  	s1 =	ssub.s32 @!p0 $0x0, s1;
	[sflag:s0] =	ssyncset.done @!p0 $0x0  }
0x1f6: {  	[sflag:s0] =	ssyncadd.s32 @!p0 s1  }
0x1f7: {  	[bflag:$0x3] =	sbarrier.arrive $0xFFFF  }
0x1f8: {  	_ =	shalt  }

</sc_bundles>
